<compile_context>
chip_gen: v7x
topology: tpu7x:2x2x1
jax: 0.10.2.dev20260603
libtpu: 0.0.44.dev20260713+nightly
codegen_flags: <defaults>
</compile_context>

<pallas_src>
import jax
import jax.numpy as jnp
from jax import lax
from jax.experimental import pallas as pl
from jax.experimental.pallas import tpu as pltpu
from jax.experimental.pallas import tpu_sc as plsc

VOCAB = 1000000
DIM = 16
B, L = 16384, 200
N = B * L
NC, NS, LANES = 2, 16, 16
NW = NC * NS
SB = 1024
NSB = B // SB
UNITS = L * NSB
UPT = UNITS // NW
BT = B // 128
HALF = 8 * 8 * 128



def _body(idx_hbm, table_hbm, out_hbm, idxb, rows0, rows1, stag0, stag1,
          gsem, wsem):
    wid = lax.axis_index("s") * NC + lax.axis_index("c")
    u0 = wid * UPT
    rows = (rows0, rows1)
    stag = (stag0, stag1)
    riota = lax.iota(jnp.int32, LANES)
    cols = [(riota + s) & (DIM - 1) for s in range(DIM)]
    woffs = [(cols[s] >> 3) * HALF + (cols[s] & 7) * 128 + riota
             for s in range(DIM)]

    def unit_lsb(t):
        u = u0 + t
        return u >> 4, u & (NSB - 1)

    def load_add(t, buf):
        l, sb = unit_lsb(t)
        pltpu.sync_copy(idx_hbm.at[l, pl.ds(sb * SB, SB)], idxb.at[buf])

    def start_gather(buf):
        pltpu.async_copy(table_hbm.at[idxb.at[buf]], rows[buf], gsem)

    def wait_gather(buf):
        pltpu.make_async_copy(table_hbm.at[idxb.at[buf]], rows[buf],
                              gsem).wait()

    def transpose(buf):
        rbuf = rows[buf]
        sbuf = stag[buf]

        def step(bt8, carry):
            for kb in range(8):
                i0 = bt8 * 128 + kb * 16
                base = bt8 * 1024 + kb * 16
                row_idx = riota + i0
                vs = [plsc.load_gather(rbuf, [row_idx, cols[s]])
                      for s in range(DIM)]
                for s in range(DIM):
                    plsc.store_scatter(sbuf, [woffs[s] + base], vs[s])
            return carry

        lax.fori_loop(0, 8, step, 0)

    def start_write(t, buf):
        l, sb = unit_lsb(t)
        for dt in (0, 1):
            pltpu.async_copy(stag[buf].at[pl.ds(dt * HALF, HALF)],
                             out_hbm.at[l, dt, pl.ds(sb * HALF, HALF)], wsem)

    def wait_write(t, buf):
        l, sb = unit_lsb(t)
        for dt in (0, 1):
            pltpu.make_async_copy(stag[buf].at[pl.ds(dt * HALF, HALF)],
                                  out_hbm.at[l, dt, pl.ds(sb * HALF, HALF)],
                                  wsem).wait()

    load_add(0, 0)
    start_gather(0)

    def outer(tt, carry):
        for b in (0, 1):
            t = tt * 2 + b
            bnext = 1 - b

            @pl.when(t + 1 < UPT)
            def _():
                load_add(t + 1, bnext)

            wait_gather(b)

            @pl.when(t + 1 < UPT)
            def _():
                start_gather(bnext)

            @pl.when(t >= 2)
            def _():
                wait_write(t - 2, b)

            transpose(b)
            start_write(t, b)
        return carry

    lax.fori_loop(0, UPT // 2, outer, 0)
    wait_write(UPT - 2, 0)
    wait_write(UPT - 1, 1)


def kernel(action, table):
    idx2d = action.reshape(B, L).T + 1
    mesh = plsc.VectorSubcoreMesh(
        core_axis_name="c", subcore_axis_name="s", num_cores=NC,
        num_subcores=NS)
    out3 = pl.kernel(
        _body,
        out_type=jax.ShapeDtypeStruct((L, 2, BT * 8 * 128), jnp.float32),
        mesh=mesh,
        scratch_types=[
            pltpu.VMEM((2, SB), jnp.int32),
            pltpu.VMEM((SB, DIM), jnp.float32),
            pltpu.VMEM((SB, DIM), jnp.float32),
            pltpu.VMEM((2 * HALF,), jnp.float32),
            pltpu.VMEM((2 * HALF,), jnp.float32),
            pltpu.SemaphoreType.DMA,
            pltpu.SemaphoreType.DMA,
        ],
        compiler_params=pltpu.CompilerParams(use_tc_tiling_on_sc=False,
                                             needs_layout_passes=False),
    )(idx2d, table)
    out6 = out3.reshape(L, 2, BT, 8, 128)
    return out6.transpose(2, 4, 0, 1, 3).reshape(B, L, DIM)

# --- scband reference (transcript-rebuilt; emitter-appended) ---
"""Pipeline reference for scband-discrete-action-embedding-17566416241470 (READ-ONLY COPY).

The authoritative reference and input builder live on the scoring server;
editing this copy changes nothing except your own understanding.
"""

import jax, jax.numpy as jnp
import numpy as np

VOCAB = 1000000
DIM = 16
B, L = 16384, 200

def setup_inputs(seed: int = 0) -> dict:
    key = jax.random.key(seed)
    k1, k2 = jax.random.split(key)
    action = jax.random.randint(k1, (B, L, 1), 0, VOCAB)
    table = jax.random.normal(k2, (VOCAB + 1, DIM), dtype=jnp.float32) * 0.02
    return {"action": action, "table": table}

def reference(action, table):
    # action.long() + 1 ; entry 0 is the start token; no masks provided
    idx = (action + 1).squeeze(-1)
    return jnp.take(table, idx, axis=0)

if __name__ == "__main__":
    import jax
    _d = setup_inputs()
    print(jax.jit(kernel)(*tuple(_d.values())))

</pallas_src>

<mosaic_0001>
#map = affine_map<(d0, d1) -> (0, 0)>
#map1 = affine_map<(d0, d1) -> (0, 0, 0)>
module attributes {stable_mosaic.version = 14 : i64} {
  func.func @_body(%arg0: i32, %arg1: i32, %arg2: memref<200x16384xi32, #tpu.memory_space<hbm>>, %arg3: memref<1000001x16xf32, #tpu.memory_space<hbm>>, %arg4: memref<200x2x131072xf32, #tpu.memory_space<hbm>>, %arg5: memref<2x1024xi32, #tpu.memory_space<vmem>>, %arg6: memref<1024x16xf32, #tpu.memory_space<vmem>>, %arg7: memref<1024x16xf32, #tpu.memory_space<vmem>>, %arg8: memref<16384xf32, #tpu.memory_space<vmem>>, %arg9: memref<16384xf32, #tpu.memory_space<vmem>>, %arg10: memref<!tpu.dma_semaphore, #tpu.memory_space<semaphore_mem>>, %arg11: memref<!tpu.dma_semaphore, #tpu.memory_space<semaphore_mem>>) attributes {dimension_semantics = [#tpu.dimension_semantics<core_parallel>, #tpu.dimension_semantics<subcore_parallel>], iteration_bounds = array<i64: 2, 16>, scalar_prefetch = 0 : i64, scratch_operands = 7 : i64, tpu.core_type = #tpu.core_type<sc_vector_subcore>, window_params = [{transform_indices = #map}, {transform_indices = #map}, {transform_indices = #map1}]} {
    %mul3A = arith.constant 2 : i32
    %mul3A_0 = arith.muli %arg1, %mul3A : i32
    %add3A = arith.addi %mul3A_0, %arg0 : i32
    %mul3A_1 = arith.constant 100 : i32
    %mul3A_2 = arith.muli %add3A, %mul3A_1 : i32
    %iota3A = tpu.iota {dimensions = array<i32: 0>} : vector<16xi32>
    %add3A_3 = arith.constant 0 : i32
    %add3A_4 = vector.broadcast %add3A_3 : i32 to vector<16xi32>
    %add3A_5 = arith.addi %iota3A, %add3A_4 : vector<16xi32>
    %and3A = arith.constant 15 : i32
    %and3A_6 = vector.broadcast %and3A : i32 to vector<16xi32>
    %and3A_7 = arith.andi %add3A_5, %and3A_6 : vector<16xi32>
    %add3A_8 = arith.constant 1 : i32
    %add3A_9 = vector.broadcast %add3A_8 : i32 to vector<16xi32>
    %add3A_10 = arith.addi %iota3A, %add3A_9 : vector<16xi32>
    %and3A_11 = arith.constant 15 : i32
    %and3A_12 = vector.broadcast %and3A_11 : i32 to vector<16xi32>
    %and3A_13 = arith.andi %add3A_10, %and3A_12 : vector<16xi32>
    %add3A_14 = arith.constant 2 : i32
    %add3A_15 = vector.broadcast %add3A_14 : i32 to vector<16xi32>
    %add3A_16 = arith.addi %iota3A, %add3A_15 : vector<16xi32>
    %and3A_17 = arith.constant 15 : i32
    %and3A_18 = vector.broadcast %and3A_17 : i32 to vector<16xi32>
    %and3A_19 = arith.andi %add3A_16, %and3A_18 : vector<16xi32>
    %add3A_20 = arith.constant 3 : i32
    %add3A_21 = vector.broadcast %add3A_20 : i32 to vector<16xi32>
    %add3A_22 = arith.addi %iota3A, %add3A_21 : vector<16xi32>
    %and3A_23 = arith.constant 15 : i32
    %and3A_24 = vector.broadcast %and3A_23 : i32 to vector<16xi32>
    %and3A_25 = arith.andi %add3A_22, %and3A_24 : vector<16xi32>
    %add3A_26 = arith.constant 4 : i32
    %add3A_27 = vector.broadcast %add3A_26 : i32 to vector<16xi32>
    %add3A_28 = arith.addi %iota3A, %add3A_27 : vector<16xi32>
    %and3A_29 = arith.constant 15 : i32
    %and3A_30 = vector.broadcast %and3A_29 : i32 to vector<16xi32>
    %and3A_31 = arith.andi %add3A_28, %and3A_30 : vector<16xi32>
    %add3A_32 = arith.constant 5 : i32
    %add3A_33 = vector.broadcast %add3A_32 : i32 to vector<16xi32>
    %add3A_34 = arith.addi %iota3A, %add3A_33 : vector<16xi32>
    %and3A_35 = arith.constant 15 : i32
    %and3A_36 = vector.broadcast %and3A_35 : i32 to vector<16xi32>
    %and3A_37 = arith.andi %add3A_34, %and3A_36 : vector<16xi32>
    %add3A_38 = arith.constant 6 : i32
    %add3A_39 = vector.broadcast %add3A_38 : i32 to vector<16xi32>
    %add3A_40 = arith.addi %iota3A, %add3A_39 : vector<16xi32>
    %and3A_41 = arith.constant 15 : i32
    %and3A_42 = vector.broadcast %and3A_41 : i32 to vector<16xi32>
    %and3A_43 = arith.andi %add3A_40, %and3A_42 : vector<16xi32>
    %add3A_44 = arith.constant 7 : i32
    %add3A_45 = vector.broadcast %add3A_44 : i32 to vector<16xi32>
    %add3A_46 = arith.addi %iota3A, %add3A_45 : vector<16xi32>
    %and3A_47 = arith.constant 15 : i32
    %and3A_48 = vector.broadcast %and3A_47 : i32 to vector<16xi32>
    %and3A_49 = arith.andi %add3A_46, %and3A_48 : vector<16xi32>
    %add3A_50 = arith.constant 8 : i32
    %add3A_51 = vector.broadcast %add3A_50 : i32 to vector<16xi32>
    %add3A_52 = arith.addi %iota3A, %add3A_51 : vector<16xi32>
    %and3A_53 = arith.constant 15 : i32
    %and3A_54 = vector.broadcast %and3A_53 : i32 to vector<16xi32>
    %and3A_55 = arith.andi %add3A_52, %and3A_54 : vector<16xi32>
    %add3A_56 = arith.constant 9 : i32
    %add3A_57 = vector.broadcast %add3A_56 : i32 to vector<16xi32>
    %add3A_58 = arith.addi %iota3A, %add3A_57 : vector<16xi32>
    %and3A_59 = arith.constant 15 : i32
    %and3A_60 = vector.broadcast %and3A_59 : i32 to vector<16xi32>
    %and3A_61 = arith.andi %add3A_58, %and3A_60 : vector<16xi32>
    %add3A_62 = arith.constant 10 : i32
    %add3A_63 = vector.broadcast %add3A_62 : i32 to vector<16xi32>
    %add3A_64 = arith.addi %iota3A, %add3A_63 : vector<16xi32>
    %and3A_65 = arith.constant 15 : i32
    %and3A_66 = vector.broadcast %and3A_65 : i32 to vector<16xi32>
    %and3A_67 = arith.andi %add3A_64, %and3A_66 : vector<16xi32>
    %add3A_68 = arith.constant 11 : i32
    %add3A_69 = vector.broadcast %add3A_68 : i32 to vector<16xi32>
    %add3A_70 = arith.addi %iota3A, %add3A_69 : vector<16xi32>
    %and3A_71 = arith.constant 15 : i32
    %and3A_72 = vector.broadcast %and3A_71 : i32 to vector<16xi32>
    %and3A_73 = arith.andi %add3A_70, %and3A_72 : vector<16xi32>
    %add3A_74 = arith.constant 12 : i32
    %add3A_75 = vector.broadcast %add3A_74 : i32 to vector<16xi32>
    %add3A_76 = arith.addi %iota3A, %add3A_75 : vector<16xi32>
    %and3A_77 = arith.constant 15 : i32
    %and3A_78 = vector.broadcast %and3A_77 : i32 to vector<16xi32>
    %and3A_79 = arith.andi %add3A_76, %and3A_78 : vector<16xi32>
    %add3A_80 = arith.constant 13 : i32
    %add3A_81 = vector.broadcast %add3A_80 : i32 to vector<16xi32>
    %add3A_82 = arith.addi %iota3A, %add3A_81 : vector<16xi32>
    %and3A_83 = arith.constant 15 : i32
    %and3A_84 = vector.broadcast %and3A_83 : i32 to vector<16xi32>
    %and3A_85 = arith.andi %add3A_82, %and3A_84 : vector<16xi32>
    %add3A_86 = arith.constant 14 : i32
    %add3A_87 = vector.broadcast %add3A_86 : i32 to vector<16xi32>
    %add3A_88 = arith.addi %iota3A, %add3A_87 : vector<16xi32>
    %and3A_89 = arith.constant 15 : i32
    %and3A_90 = vector.broadcast %and3A_89 : i32 to vector<16xi32>
    %and3A_91 = arith.andi %add3A_88, %and3A_90 : vector<16xi32>
    %add3A_92 = arith.constant 15 : i32
    %add3A_93 = vector.broadcast %add3A_92 : i32 to vector<16xi32>
    %add3A_94 = arith.addi %iota3A, %add3A_93 : vector<16xi32>
    %and3A_95 = arith.constant 15 : i32
    %and3A_96 = vector.broadcast %and3A_95 : i32 to vector<16xi32>
    %and3A_97 = arith.andi %add3A_94, %and3A_96 : vector<16xi32>
    %shift_right_arithmetic3A = arith.constant 3 : i32
    %shift_right_arithmetic3A_98 = vector.broadcast %shift_right_arithmetic3A : i32 to vector<16xi32>
    %shift_right_arithmetic3A_99 = arith.shrsi %and3A_7, %shift_right_arithmetic3A_98 : vector<16xi32>
    %mul3A_100 = arith.constant 8192 : i32
    %mul3A_101 = vector.broadcast %mul3A_100 : i32 to vector<16xi32>
    %mul3A_102 = arith.muli %shift_right_arithmetic3A_99, %mul3A_101 : vector<16xi32>
    %and3A_103 = arith.constant 7 : i32
    %and3A_104 = vector.broadcast %and3A_103 : i32 to vector<16xi32>
    %and3A_105 = arith.andi %and3A_7, %and3A_104 : vector<16xi32>
    %mul3A_106 = arith.constant 128 : i32
    %mul3A_107 = vector.broadcast %mul3A_106 : i32 to vector<16xi32>
    %mul3A_108 = arith.muli %and3A_105, %mul3A_107 : vector<16xi32>
    %add3A_109 = arith.addi %mul3A_102, %mul3A_108 : vector<16xi32>
    %add3A_110 = arith.addi %add3A_109, %iota3A : vector<16xi32>
    %shift_right_arithmetic3A_111 = arith.constant 3 : i32
    %shift_right_arithmetic3A_112 = vector.broadcast %shift_right_arithmetic3A_111 : i32 to vector<16xi32>
    %shift_right_arithmetic3A_113 = arith.shrsi %and3A_13, %shift_right_arithmetic3A_112 : vector<16xi32>
    %mul3A_114 = arith.constant 8192 : i32
    %mul3A_115 = vector.broadcast %mul3A_114 : i32 to vector<16xi32>
    %mul3A_116 = arith.muli %shift_right_arithmetic3A_113, %mul3A_115 : vector<16xi32>
    %and3A_117 = arith.constant 7 : i32
    %and3A_118 = vector.broadcast %and3A_117 : i32 to vector<16xi32>
    %and3A_119 = arith.andi %and3A_13, %and3A_118 : vector<16xi32>
    %mul3A_120 = arith.constant 128 : i32
    %mul3A_121 = vector.broadcast %mul3A_120 : i32 to vector<16xi32>
    %mul3A_122 = arith.muli %and3A_119, %mul3A_121 : vector<16xi32>
    %add3A_123 = arith.addi %mul3A_116, %mul3A_122 : vector<16xi32>
    %add3A_124 = arith.addi %add3A_123, %iota3A : vector<16xi32>
    %shift_right_arithmetic3A_125 = arith.constant 3 : i32
    %shift_right_arithmetic3A_126 = vector.broadcast %shift_right_arithmetic3A_125 : i32 to vector<16xi32>
    %shift_right_arithmetic3A_127 = arith.shrsi %and3A_19, %shift_right_arithmetic3A_126 : vector<16xi32>
    %mul3A_128 = arith.constant 8192 : i32
    %mul3A_129 = vector.broadcast %mul3A_128 : i32 to vector<16xi32>
    %mul3A_130 = arith.muli %shift_right_arithmetic3A_127, %mul3A_129 : vector<16xi32>
    %and3A_131 = arith.constant 7 : i32
    %and3A_132 = vector.broadcast %and3A_131 : i32 to vector<16xi32>
    %and3A_133 = arith.andi %and3A_19, %and3A_132 : vector<16xi32>
    %mul3A_134 = arith.constant 128 : i32
    %mul3A_135 = vector.broadcast %mul3A_134 : i32 to vector<16xi32>
    %mul3A_136 = arith.muli %and3A_133, %mul3A_135 : vector<16xi32>
    %add3A_137 = arith.addi %mul3A_130, %mul3A_136 : vector<16xi32>
    %add3A_138 = arith.addi %add3A_137, %iota3A : vector<16xi32>
    %shift_right_arithmetic3A_139 = arith.constant 3 : i32
    %shift_right_arithmetic3A_140 = vector.broadcast %shift_right_arithmetic3A_139 : i32 to vector<16xi32>
    %shift_right_arithmetic3A_141 = arith.shrsi %and3A_25, %shift_right_arithmetic3A_140 : vector<16xi32>
    %mul3A_142 = arith.constant 8192 : i32
    %mul3A_143 = vector.broadcast %mul3A_142 : i32 to vector<16xi32>
    %mul3A_144 = arith.muli %shift_right_arithmetic3A_141, %mul3A_143 : vector<16xi32>
    %and3A_145 = arith.constant 7 : i32
    %and3A_146 = vector.broadcast %and3A_145 : i32 to vector<16xi32>
    %and3A_147 = arith.andi %and3A_25, %and3A_146 : vector<16xi32>
    %mul3A_148 = arith.constant 128 : i32
    %mul3A_149 = vector.broadcast %mul3A_148 : i32 to vector<16xi32>
    %mul3A_150 = arith.muli %and3A_147, %mul3A_149 : vector<16xi32>
    %add3A_151 = arith.addi %mul3A_144, %mul3A_150 : vector<16xi32>
    %add3A_152 = arith.addi %add3A_151, %iota3A : vector<16xi32>
    %shift_right_arithmetic3A_153 = arith.constant 3 : i32
    %shift_right_arithmetic3A_154 = vector.broadcast %shift_right_arithmetic3A_153 : i32 to vector<16xi32>
    %shift_right_arithmetic3A_155 = arith.shrsi %and3A_31, %shift_right_arithmetic3A_154 : vector<16xi32>
    %mul3A_156 = arith.constant 8192 : i32
    %mul3A_157 = vector.broadcast %mul3A_156 : i32 to vector<16xi32>
    %mul3A_158 = arith.muli %shift_right_arithmetic3A_155, %mul3A_157 : vector<16xi32>
    %and3A_159 = arith.constant 7 : i32
    %and3A_160 = vector.broadcast %and3A_159 : i32 to vector<16xi32>
    %and3A_161 = arith.andi %and3A_31, %and3A_160 : vector<16xi32>
    %mul3A_162 = arith.constant 128 : i32
    %mul3A_163 = vector.broadcast %mul3A_162 : i32 to vector<16xi32>
    %mul3A_164 = arith.muli %and3A_161, %mul3A_163 : vector<16xi32>
    %add3A_165 = arith.addi %mul3A_158, %mul3A_164 : vector<16xi32>
    %add3A_166 = arith.addi %add3A_165, %iota3A : vector<16xi32>
    %shift_right_arithmetic3A_167 = arith.constant 3 : i32
    %shift_right_arithmetic3A_168 = vector.broadcast %shift_right_arithmetic3A_167 : i32 to vector<16xi32>
    %shift_right_arithmetic3A_169 = arith.shrsi %and3A_37, %shift_right_arithmetic3A_168 : vector<16xi32>
    %mul3A_170 = arith.constant 8192 : i32
    %mul3A_171 = vector.broadcast %mul3A_170 : i32 to vector<16xi32>
    %mul3A_172 = arith.muli %shift_right_arithmetic3A_169, %mul3A_171 : vector<16xi32>
    %and3A_173 = arith.constant 7 : i32
    %and3A_174 = vector.broadcast %and3A_173 : i32 to vector<16xi32>
    %and3A_175 = arith.andi %and3A_37, %and3A_174 : vector<16xi32>
    %mul3A_176 = arith.constant 128 : i32
    %mul3A_177 = vector.broadcast %mul3A_176 : i32 to vector<16xi32>
    %mul3A_178 = arith.muli %and3A_175, %mul3A_177 : vector<16xi32>
    %add3A_179 = arith.addi %mul3A_172, %mul3A_178 : vector<16xi32>
    %add3A_180 = arith.addi %add3A_179, %iota3A : vector<16xi32>
    %shift_right_arithmetic3A_181 = arith.constant 3 : i32
    %shift_right_arithmetic3A_182 = vector.broadcast %shift_right_arithmetic3A_181 : i32 to vector<16xi32>
    %shift_right_arithmetic3A_183 = arith.shrsi %and3A_43, %shift_right_arithmetic3A_182 : vector<16xi32>
    %mul3A_184 = arith.constant 8192 : i32
    %mul3A_185 = vector.broadcast %mul3A_184 : i32 to vector<16xi32>
    %mul3A_186 = arith.muli %shift_right_arithmetic3A_183, %mul3A_185 : vector<16xi32>
    %and3A_187 = arith.constant 7 : i32
    %and3A_188 = vector.broadcast %and3A_187 : i32 to vector<16xi32>
    %and3A_189 = arith.andi %and3A_43, %and3A_188 : vector<16xi32>
    %mul3A_190 = arith.constant 128 : i32
    %mul3A_191 = vector.broadcast %mul3A_190 : i32 to vector<16xi32>
    %mul3A_192 = arith.muli %and3A_189, %mul3A_191 : vector<16xi32>
    %add3A_193 = arith.addi %mul3A_186, %mul3A_192 : vector<16xi32>
    %add3A_194 = arith.addi %add3A_193, %iota3A : vector<16xi32>
    %shift_right_arithmetic3A_195 = arith.constant 3 : i32
    %shift_right_arithmetic3A_196 = vector.broadcast %shift_right_arithmetic3A_195 : i32 to vector<16xi32>
    %shift_right_arithmetic3A_197 = arith.shrsi %and3A_49, %shift_right_arithmetic3A_196 : vector<16xi32>
    %mul3A_198 = arith.constant 8192 : i32
    %mul3A_199 = vector.broadcast %mul3A_198 : i32 to vector<16xi32>
    %mul3A_200 = arith.muli %shift_right_arithmetic3A_197, %mul3A_199 : vector<16xi32>
    %and3A_201 = arith.constant 7 : i32
    %and3A_202 = vector.broadcast %and3A_201 : i32 to vector<16xi32>
    %and3A_203 = arith.andi %and3A_49, %and3A_202 : vector<16xi32>
    %mul3A_204 = arith.constant 128 : i32
    %mul3A_205 = vector.broadcast %mul3A_204 : i32 to vector<16xi32>
    %mul3A_206 = arith.muli %and3A_203, %mul3A_205 : vector<16xi32>
    %add3A_207 = arith.addi %mul3A_200, %mul3A_206 : vector<16xi32>
    %add3A_208 = arith.addi %add3A_207, %iota3A : vector<16xi32>
    %shift_right_arithmetic3A_209 = arith.constant 3 : i32
    %shift_right_arithmetic3A_210 = vector.broadcast %shift_right_arithmetic3A_209 : i32 to vector<16xi32>
    %shift_right_arithmetic3A_211 = arith.shrsi %and3A_55, %shift_right_arithmetic3A_210 : vector<16xi32>
    %mul3A_212 = arith.constant 8192 : i32
    %mul3A_213 = vector.broadcast %mul3A_212 : i32 to vector<16xi32>
    %mul3A_214 = arith.muli %shift_right_arithmetic3A_211, %mul3A_213 : vector<16xi32>
    %and3A_215 = arith.constant 7 : i32
    %and3A_216 = vector.broadcast %and3A_215 : i32 to vector<16xi32>
    %and3A_217 = arith.andi %and3A_55, %and3A_216 : vector<16xi32>
    %mul3A_218 = arith.constant 128 : i32
    %mul3A_219 = vector.broadcast %mul3A_218 : i32 to vector<16xi32>
    %mul3A_220 = arith.muli %and3A_217, %mul3A_219 : vector<16xi32>
    %add3A_221 = arith.addi %mul3A_214, %mul3A_220 : vector<16xi32>
    %add3A_222 = arith.addi %add3A_221, %iota3A : vector<16xi32>
    %shift_right_arithmetic3A_223 = arith.constant 3 : i32
    %shift_right_arithmetic3A_224 = vector.broadcast %shift_right_arithmetic3A_223 : i32 to vector<16xi32>
    %shift_right_arithmetic3A_225 = arith.shrsi %and3A_61, %shift_right_arithmetic3A_224 : vector<16xi32>
    %mul3A_226 = arith.constant 8192 : i32
    %mul3A_227 = vector.broadcast %mul3A_226 : i32 to vector<16xi32>
    %mul3A_228 = arith.muli %shift_right_arithmetic3A_225, %mul3A_227 : vector<16xi32>
    %and3A_229 = arith.constant 7 : i32
    %and3A_230 = vector.broadcast %and3A_229 : i32 to vector<16xi32>
    %and3A_231 = arith.andi %and3A_61, %and3A_230 : vector<16xi32>
    %mul3A_232 = arith.constant 128 : i32
    %mul3A_233 = vector.broadcast %mul3A_232 : i32 to vector<16xi32>
    %mul3A_234 = arith.muli %and3A_231, %mul3A_233 : vector<16xi32>
    %add3A_235 = arith.addi %mul3A_228, %mul3A_234 : vector<16xi32>
    %add3A_236 = arith.addi %add3A_235, %iota3A : vector<16xi32>
    %shift_right_arithmetic3A_237 = arith.constant 3 : i32
    %shift_right_arithmetic3A_238 = vector.broadcast %shift_right_arithmetic3A_237 : i32 to vector<16xi32>
    %shift_right_arithmetic3A_239 = arith.shrsi %and3A_67, %shift_right_arithmetic3A_238 : vector<16xi32>
    %mul3A_240 = arith.constant 8192 : i32
    %mul3A_241 = vector.broadcast %mul3A_240 : i32 to vector<16xi32>
    %mul3A_242 = arith.muli %shift_right_arithmetic3A_239, %mul3A_241 : vector<16xi32>
    %and3A_243 = arith.constant 7 : i32
    %and3A_244 = vector.broadcast %and3A_243 : i32 to vector<16xi32>
    %and3A_245 = arith.andi %and3A_67, %and3A_244 : vector<16xi32>
    %mul3A_246 = arith.constant 128 : i32
    %mul3A_247 = vector.broadcast %mul3A_246 : i32 to vector<16xi32>
    %mul3A_248 = arith.muli %and3A_245, %mul3A_247 : vector<16xi32>
    %add3A_249 = arith.addi %mul3A_242, %mul3A_248 : vector<16xi32>
    %add3A_250 = arith.addi %add3A_249, %iota3A : vector<16xi32>
    %shift_right_arithmetic3A_251 = arith.constant 3 : i32
    %shift_right_arithmetic3A_252 = vector.broadcast %shift_right_arithmetic3A_251 : i32 to vector<16xi32>
    %shift_right_arithmetic3A_253 = arith.shrsi %and3A_73, %shift_right_arithmetic3A_252 : vector<16xi32>
    %mul3A_254 = arith.constant 8192 : i32
    %mul3A_255 = vector.broadcast %mul3A_254 : i32 to vector<16xi32>
    %mul3A_256 = arith.muli %shift_right_arithmetic3A_253, %mul3A_255 : vector<16xi32>
    %and3A_257 = arith.constant 7 : i32
    %and3A_258 = vector.broadcast %and3A_257 : i32 to vector<16xi32>
    %and3A_259 = arith.andi %and3A_73, %and3A_258 : vector<16xi32>
    %mul3A_260 = arith.constant 128 : i32
    %mul3A_261 = vector.broadcast %mul3A_260 : i32 to vector<16xi32>
    %mul3A_262 = arith.muli %and3A_259, %mul3A_261 : vector<16xi32>
    %add3A_263 = arith.addi %mul3A_256, %mul3A_262 : vector<16xi32>
    %add3A_264 = arith.addi %add3A_263, %iota3A : vector<16xi32>
    %shift_right_arithmetic3A_265 = arith.constant 3 : i32
    %shift_right_arithmetic3A_266 = vector.broadcast %shift_right_arithmetic3A_265 : i32 to vector<16xi32>
    %shift_right_arithmetic3A_267 = arith.shrsi %and3A_79, %shift_right_arithmetic3A_266 : vector<16xi32>
    %mul3A_268 = arith.constant 8192 : i32
    %mul3A_269 = vector.broadcast %mul3A_268 : i32 to vector<16xi32>
    %mul3A_270 = arith.muli %shift_right_arithmetic3A_267, %mul3A_269 : vector<16xi32>
    %and3A_271 = arith.constant 7 : i32
    %and3A_272 = vector.broadcast %and3A_271 : i32 to vector<16xi32>
    %and3A_273 = arith.andi %and3A_79, %and3A_272 : vector<16xi32>
    %mul3A_274 = arith.constant 128 : i32
    %mul3A_275 = vector.broadcast %mul3A_274 : i32 to vector<16xi32>
    %mul3A_276 = arith.muli %and3A_273, %mul3A_275 : vector<16xi32>
    %add3A_277 = arith.addi %mul3A_270, %mul3A_276 : vector<16xi32>
    %add3A_278 = arith.addi %add3A_277, %iota3A : vector<16xi32>
    %shift_right_arithmetic3A_279 = arith.constant 3 : i32
    %shift_right_arithmetic3A_280 = vector.broadcast %shift_right_arithmetic3A_279 : i32 to vector<16xi32>
    %shift_right_arithmetic3A_281 = arith.shrsi %and3A_85, %shift_right_arithmetic3A_280 : vector<16xi32>
    %mul3A_282 = arith.constant 8192 : i32
    %mul3A_283 = vector.broadcast %mul3A_282 : i32 to vector<16xi32>
    %mul3A_284 = arith.muli %shift_right_arithmetic3A_281, %mul3A_283 : vector<16xi32>
    %and3A_285 = arith.constant 7 : i32
    %and3A_286 = vector.broadcast %and3A_285 : i32 to vector<16xi32>
    %and3A_287 = arith.andi %and3A_85, %and3A_286 : vector<16xi32>
    %mul3A_288 = arith.constant 128 : i32
    %mul3A_289 = vector.broadcast %mul3A_288 : i32 to vector<16xi32>
    %mul3A_290 = arith.muli %and3A_287, %mul3A_289 : vector<16xi32>
    %add3A_291 = arith.addi %mul3A_284, %mul3A_290 : vector<16xi32>
    %add3A_292 = arith.addi %add3A_291, %iota3A : vector<16xi32>
    %shift_right_arithmetic3A_293 = arith.constant 3 : i32
    %shift_right_arithmetic3A_294 = vector.broadcast %shift_right_arithmetic3A_293 : i32 to vector<16xi32>
    %shift_right_arithmetic3A_295 = arith.shrsi %and3A_91, %shift_right_arithmetic3A_294 : vector<16xi32>
    %mul3A_296 = arith.constant 8192 : i32
    %mul3A_297 = vector.broadcast %mul3A_296 : i32 to vector<16xi32>
    %mul3A_298 = arith.muli %shift_right_arithmetic3A_295, %mul3A_297 : vector<16xi32>
    %and3A_299 = arith.constant 7 : i32
    %and3A_300 = vector.broadcast %and3A_299 : i32 to vector<16xi32>
    %and3A_301 = arith.andi %and3A_91, %and3A_300 : vector<16xi32>
    %mul3A_302 = arith.constant 128 : i32
    %mul3A_303 = vector.broadcast %mul3A_302 : i32 to vector<16xi32>
    %mul3A_304 = arith.muli %and3A_301, %mul3A_303 : vector<16xi32>
    %add3A_305 = arith.addi %mul3A_298, %mul3A_304 : vector<16xi32>
    %add3A_306 = arith.addi %add3A_305, %iota3A : vector<16xi32>
    %shift_right_arithmetic3A_307 = arith.constant 3 : i32
    %shift_right_arithmetic3A_308 = vector.broadcast %shift_right_arithmetic3A_307 : i32 to vector<16xi32>
    %shift_right_arithmetic3A_309 = arith.shrsi %and3A_97, %shift_right_arithmetic3A_308 : vector<16xi32>
    %mul3A_310 = arith.constant 8192 : i32
    %mul3A_311 = vector.broadcast %mul3A_310 : i32 to vector<16xi32>
    %mul3A_312 = arith.muli %shift_right_arithmetic3A_309, %mul3A_311 : vector<16xi32>
    %and3A_313 = arith.constant 7 : i32
    %and3A_314 = vector.broadcast %and3A_313 : i32 to vector<16xi32>
    %and3A_315 = arith.andi %and3A_97, %and3A_314 : vector<16xi32>
    %mul3A_316 = arith.constant 128 : i32
    %mul3A_317 = vector.broadcast %mul3A_316 : i32 to vector<16xi32>
    %mul3A_318 = arith.muli %and3A_315, %mul3A_317 : vector<16xi32>
    %add3A_319 = arith.addi %mul3A_312, %mul3A_318 : vector<16xi32>
    %add3A_320 = arith.addi %add3A_319, %iota3A : vector<16xi32>
    %add3A_321 = arith.constant 0 : i32
    %add3A_322 = arith.addi %mul3A_2, %add3A_321 : i32
    %shift_right_arithmetic3A_323 = arith.constant 4 : i32
    %shift_right_arithmetic3A_324 = arith.shrsi %add3A_322, %shift_right_arithmetic3A_323 : i32
    %and3A_325 = arith.constant 15 : i32
    %and3A_326 = arith.andi %add3A_322, %and3A_325 : i32
    %mul3A_327 = arith.constant 1024 : i32
    %mul3A_328 = arith.muli %and3A_326, %mul3A_327 : i32
    %run_scoped3A = arith.constant 0 : i32
    "tpu.region"() ({
      %run_scoped3A_395 = tpu.sem_alloc : memref<!tpu.dma_semaphore, #tpu.memory_space<semaphore_mem>>
      %dma_start3A_396 = arith.constant 0 : i32
      %dma_start3A_397 = tpu.memref_slice %arg5[%run_scoped3A, %dma_start3A_396] : memref<2x1024xi32, #tpu.memory_space<vmem>> -> memref<1x1024xi32, #tpu.memory_space<vmem>>
      %dma_start3A_398 = tpu.memref_squeeze %dma_start3A_397 : memref<1x1024xi32, #tpu.memory_space<vmem>> -> memref<1024xi32, #tpu.memory_space<vmem>>
      %dma_start3A_399 = tpu.memref_slice %arg2[%shift_right_arithmetic3A_324, %mul3A_328] : memref<200x16384xi32, #tpu.memory_space<hbm>> -> memref<1x1024xi32, #tpu.memory_space<hbm>>
      %dma_start3A_400 = tpu.memref_squeeze %dma_start3A_399 : memref<1x1024xi32, #tpu.memory_space<hbm>> -> memref<1024xi32, #tpu.memory_space<hbm>>
      %dma_start3A_401 = arith.constant 0 : i32
      %dma_start3A_402 = tpu.memref_slice %arg5[%run_scoped3A, %dma_start3A_401] : memref<2x1024xi32, #tpu.memory_space<vmem>> -> memref<1x1024xi32, #tpu.memory_space<vmem>>
      %dma_start3A_403 = tpu.memref_squeeze %dma_start3A_402 : memref<1x1024xi32, #tpu.memory_space<vmem>> -> memref<1024xi32, #tpu.memory_space<vmem>>
      %dma_start3A_404 = tpu.memref_slice %arg2[%shift_right_arithmetic3A_324, %mul3A_328] : memref<200x16384xi32, #tpu.memory_space<hbm>> -> memref<1x1024xi32, #tpu.memory_space<hbm>>
      %dma_start3A_405 = tpu.memref_squeeze %dma_start3A_404 : memref<1x1024xi32, #tpu.memory_space<hbm>> -> memref<1024xi32, #tpu.memory_space<hbm>>
      tpu.enqueue_dma source(%dma_start3A_405 : memref<1024xi32, #tpu.memory_space<hbm>>) target(%dma_start3A_403 : memref<1024xi32, #tpu.memory_space<vmem>>) target_semaphore(%run_scoped3A_395 : memref<!tpu.dma_semaphore, #tpu.memory_space<semaphore_mem>>)
      %dma_wait3A_406 = arith.constant 0 : i32
      %dma_wait3A_407 = tpu.memref_slice %arg5[%run_scoped3A, %dma_wait3A_406] : memref<2x1024xi32, #tpu.memory_space<vmem>> -> memref<1x1024xi32, #tpu.memory_space<vmem>>
      %dma_wait3A_408 = tpu.memref_squeeze %dma_wait3A_407 : memref<1x1024xi32, #tpu.memory_space<vmem>> -> memref<1024xi32, #tpu.memory_space<vmem>>
      %dma_wait3A_409 = tpu.memref_slice %arg2[%shift_right_arithmetic3A_324, %mul3A_328] : memref<200x16384xi32, #tpu.memory_space<hbm>> -> memref<1x1024xi32, #tpu.memory_space<hbm>>
      %dma_wait3A_410 = tpu.memref_squeeze %dma_wait3A_409 : memref<1x1024xi32, #tpu.memory_space<hbm>> -> memref<1024xi32, #tpu.memory_space<hbm>>
      %dma_wait3A_411 = arith.constant 0 : i32
      %dma_wait3A_412 = tpu.memref_slice %arg5[%run_scoped3A, %dma_wait3A_411] : memref<2x1024xi32, #tpu.memory_space<vmem>> -> memref<1x1024xi32, #tpu.memory_space<vmem>>
      %dma_wait3A_413 = tpu.memref_squeeze %dma_wait3A_412 : memref<1x1024xi32, #tpu.memory_space<vmem>> -> memref<1024xi32, #tpu.memory_space<vmem>>
      %dma_wait3A_414 = tpu.memref_slice %arg2[%shift_right_arithmetic3A_324, %mul3A_328] : memref<200x16384xi32, #tpu.memory_space<hbm>> -> memref<1x1024xi32, #tpu.memory_space<hbm>>
      %dma_wait3A_415 = tpu.memref_squeeze %dma_wait3A_414 : memref<1x1024xi32, #tpu.memory_space<hbm>> -> memref<1024xi32, #tpu.memory_space<hbm>>
      tpu.wait_dma2 semaphore(%run_scoped3A_395 : memref<!tpu.dma_semaphore, #tpu.memory_space<semaphore_mem>>) src(%dma_wait3A_415 : memref<1024xi32, #tpu.memory_space<hbm>>) dst(%dma_wait3A_413 : memref<1024xi32, #tpu.memory_space<vmem>>)
      tpu.yield
    }) : () -> ()
    %dma_start3A = arith.constant 0 : i32
    %dma_start3A_329 = arith.constant 0 : i32
    %dma_start3A_330 = tpu.memref_slice %arg5[%dma_start3A, %dma_start3A_329] : memref<2x1024xi32, #tpu.memory_space<vmem>> -> memref<1x1024xi32, #tpu.memory_space<vmem>>
    %dma_start3A_331 = tpu.memref_squeeze %dma_start3A_330 : memref<1x1024xi32, #tpu.memory_space<vmem>> -> memref<1024xi32, #tpu.memory_space<vmem>>
    %dma_start3A_332 = arith.constant 0 : i32
    %dma_start3A_333 = arith.constant 0 : i32
    %dma_start3A_334 = tpu.memref_slice %arg3[%dma_start3A_332, %dma_start3A_333] : memref<1000001x16xf32, #tpu.memory_space<hbm>> -> memref<1000001x16xf32, #tpu.memory_space<hbm>>
    tpu.enqueue_indirect_dma source(%dma_start3A_334 : memref<1000001x16xf32, #tpu.memory_space<hbm>>) target(%arg6 : memref<1024x16xf32, #tpu.memory_space<vmem>>) offsets(%dma_start3A_331 : memref<1024xi32, #tpu.memory_space<vmem>>) semaphore(%arg10 : memref<!tpu.dma_semaphore, #tpu.memory_space<semaphore_mem>>)
    %scan3A = arith.constant 0 : i32
    %scan3A_335 = arith.constant 0 : i32
    %scan3A_336 = arith.constant 50 : i32
    %scan3A_337 = arith.addi %scan3A_335, %scan3A_336 : i32
    %scan3A_338 = arith.constant 1 : i32
    scf.for %scan3A_395 = %scan3A_335 to %scan3A_337 step %scan3A_338  : i32 {
      %mul3A_396 = arith.constant 2 : i32
      %mul3A_397 = arith.muli %scan3A_395, %mul3A_396 : i32
      %add3A_398 = arith.constant 0 : i32
      %add3A_399 = arith.addi %mul3A_397, %add3A_398 : i32
      %add3A_400 = arith.constant 1 : i32
      %add3A_401 = arith.addi %add3A_399, %add3A_400 : i32
      %lt3A = arith.constant 100 : i32
      %lt3A_402 = arith.cmpi slt, %add3A_401, %lt3A : i32
      %convert_element_type3A = arith.extui %lt3A_402 : i1 to i32
      %cond3A = arith.constant 0 : i32
      %cond3A_403 = arith.cmpi ne, %convert_element_type3A, %cond3A : i32
      scf.if %cond3A_403 {
        %add3A_518 = arith.constant 1 : i32
        %add3A_519 = arith.addi %add3A_399, %add3A_518 : i32
        %add3A_520 = arith.addi %mul3A_2, %add3A_519 : i32
        %shift_right_arithmetic3A_521 = arith.constant 4 : i32
        %shift_right_arithmetic3A_522 = arith.shrsi %add3A_520, %shift_right_arithmetic3A_521 : i32
        %and3A_523 = arith.constant 15 : i32
        %and3A_524 = arith.andi %add3A_520, %and3A_523 : i32
        %mul3A_525 = arith.constant 1024 : i32
        %mul3A_526 = arith.muli %and3A_524, %mul3A_525 : i32
        %run_scoped3A_527 = arith.constant 1 : i32
        "tpu.region"() ({
          %run_scoped3A_528 = tpu.sem_alloc : memref<!tpu.dma_semaphore, #tpu.memory_space<semaphore_mem>>
          %dma_start3A_529 = arith.constant 0 : i32
          %dma_start3A_530 = tpu.memref_slice %arg5[%run_scoped3A_527, %dma_start3A_529] : memref<2x1024xi32, #tpu.memory_space<vmem>> -> memref<1x1024xi32, #tpu.memory_space<vmem>>
          %dma_start3A_531 = tpu.memref_squeeze %dma_start3A_530 : memref<1x1024xi32, #tpu.memory_space<vmem>> -> memref<1024xi32, #tpu.memory_space<vmem>>
          %dma_start3A_532 = tpu.memref_slice %arg2[%shift_right_arithmetic3A_522, %mul3A_526] : memref<200x16384xi32, #tpu.memory_space<hbm>> -> memref<1x1024xi32, #tpu.memory_space<hbm>>
          %dma_start3A_533 = tpu.memref_squeeze %dma_start3A_532 : memref<1x1024xi32, #tpu.memory_space<hbm>> -> memref<1024xi32, #tpu.memory_space<hbm>>
          %dma_start3A_534 = arith.constant 0 : i32
          %dma_start3A_535 = tpu.memref_slice %arg5[%run_scoped3A_527, %dma_start3A_534] : memref<2x1024xi32, #tpu.memory_space<vmem>> -> memref<1x1024xi32, #tpu.memory_space<vmem>>
          %dma_start3A_536 = tpu.memref_squeeze %dma_start3A_535 : memref<1x1024xi32, #tpu.memory_space<vmem>> -> memref<1024xi32, #tpu.memory_space<vmem>>
          %dma_start3A_537 = tpu.memref_slice %arg2[%shift_right_arithmetic3A_522, %mul3A_526] : memref<200x16384xi32, #tpu.memory_space<hbm>> -> memref<1x1024xi32, #tpu.memory_space<hbm>>
          %dma_start3A_538 = tpu.memref_squeeze %dma_start3A_537 : memref<1x1024xi32, #tpu.memory_space<hbm>> -> memref<1024xi32, #tpu.memory_space<hbm>>
          tpu.enqueue_dma source(%dma_start3A_538 : memref<1024xi32, #tpu.memory_space<hbm>>) target(%dma_start3A_536 : memref<1024xi32, #tpu.memory_space<vmem>>) target_semaphore(%run_scoped3A_528 : memref<!tpu.dma_semaphore, #tpu.memory_space<semaphore_mem>>)
          %dma_wait3A_539 = arith.constant 0 : i32
          %dma_wait3A_540 = tpu.memref_slice %arg5[%run_scoped3A_527, %dma_wait3A_539] : memref<2x1024xi32, #tpu.memory_space<vmem>> -> memref<1x1024xi32, #tpu.memory_space<vmem>>
          %dma_wait3A_541 = tpu.memref_squeeze %dma_wait3A_540 : memref<1x1024xi32, #tpu.memory_space<vmem>> -> memref<1024xi32, #tpu.memory_space<vmem>>
          %dma_wait3A_542 = tpu.memref_slice %arg2[%shift_right_arithmetic3A_522, %mul3A_526] : memref<200x16384xi32, #tpu.memory_space<hbm>> -> memref<1x1024xi32, #tpu.memory_space<hbm>>
          %dma_wait3A_543 = tpu.memref_squeeze %dma_wait3A_542 : memref<1x1024xi32, #tpu.memory_space<hbm>> -> memref<1024xi32, #tpu.memory_space<hbm>>
          %dma_wait3A_544 = arith.constant 0 : i32
          %dma_wait3A_545 = tpu.memref_slice %arg5[%run_scoped3A_527, %dma_wait3A_544] : memref<2x1024xi32, #tpu.memory_space<vmem>> -> memref<1x1024xi32, #tpu.memory_space<vmem>>
          %dma_wait3A_546 = tpu.memref_squeeze %dma_wait3A_545 : memref<1x1024xi32, #tpu.memory_space<vmem>> -> memref<1024xi32, #tpu.memory_space<vmem>>
          %dma_wait3A_547 = tpu.memref_slice %arg2[%shift_right_arithmetic3A_522, %mul3A_526] : memref<200x16384xi32, #tpu.memory_space<hbm>> -> memref<1x1024xi32, #tpu.memory_space<hbm>>
          %dma_wait3A_548 = tpu.memref_squeeze %dma_wait3A_547 : memref<1x1024xi32, #tpu.memory_space<hbm>> -> memref<1024xi32, #tpu.memory_space<hbm>>
          tpu.wait_dma2 semaphore(%run_scoped3A_528 : memref<!tpu.dma_semaphore, #tpu.memory_space<semaphore_mem>>) src(%dma_wait3A_548 : memref<1024xi32, #tpu.memory_space<hbm>>) dst(%dma_wait3A_546 : memref<1024xi32, #tpu.memory_space<vmem>>)
          tpu.yield
        }) : () -> ()
      } else {
      }
      %dma_wait3A_404 = arith.constant 0 : i32
      %dma_wait3A_405 = arith.constant 0 : i32
      %dma_wait3A_406 = tpu.memref_slice %arg5[%dma_wait3A_404, %dma_wait3A_405] : memref<2x1024xi32, #tpu.memory_space<vmem>> -> memref<1x1024xi32, #tpu.memory_space<vmem>>
      %dma_wait3A_407 = tpu.memref_squeeze %dma_wait3A_406 : memref<1x1024xi32, #tpu.memory_space<vmem>> -> memref<1024xi32, #tpu.memory_space<vmem>>
      %dma_wait3A_408 = arith.constant 0 : i32
      %dma_wait3A_409 = arith.constant 0 : i32
      %dma_wait3A_410 = tpu.memref_slice %arg3[%dma_wait3A_408, %dma_wait3A_409] : memref<1000001x16xf32, #tpu.memory_space<hbm>> -> memref<1000001x16xf32, #tpu.memory_space<hbm>>
      tpu.wait_indirect_dma semaphore(%arg10 : memref<!tpu.dma_semaphore, #tpu.memory_space<semaphore_mem>>) src(%dma_wait3A_410 : memref<1000001x16xf32, #tpu.memory_space<hbm>>) dst(%arg6 : memref<1024x16xf32, #tpu.memory_space<vmem>>)
      %add3A_411 = arith.constant 1 : i32
      %add3A_412 = arith.addi %add3A_399, %add3A_411 : i32
      %lt3A_413 = arith.constant 100 : i32
      %lt3A_414 = arith.cmpi slt, %add3A_412, %lt3A_413 : i32
      %convert_element_type3A_415 = arith.extui %lt3A_414 : i1 to i32
      %cond3A_416 = arith.constant 0 : i32
      %cond3A_417 = arith.cmpi ne, %convert_element_type3A_415, %cond3A_416 : i32
      scf.if %cond3A_417 {
        %dma_start3A_518 = arith.constant 1 : i32
        %dma_start3A_519 = arith.constant 0 : i32
        %dma_start3A_520 = tpu.memref_slice %arg5[%dma_start3A_518, %dma_start3A_519] : memref<2x1024xi32, #tpu.memory_space<vmem>> -> memref<1x1024xi32, #tpu.memory_space<vmem>>
        %dma_start3A_521 = tpu.memref_squeeze %dma_start3A_520 : memref<1x1024xi32, #tpu.memory_space<vmem>> -> memref<1024xi32, #tpu.memory_space<vmem>>
        %dma_start3A_522 = arith.constant 0 : i32
        %dma_start3A_523 = arith.constant 0 : i32
        %dma_start3A_524 = tpu.memref_slice %arg3[%dma_start3A_522, %dma_start3A_523] : memref<1000001x16xf32, #tpu.memory_space<hbm>> -> memref<1000001x16xf32, #tpu.memory_space<hbm>>
        tpu.enqueue_indirect_dma source(%dma_start3A_524 : memref<1000001x16xf32, #tpu.memory_space<hbm>>) target(%arg7 : memref<1024x16xf32, #tpu.memory_space<vmem>>) offsets(%dma_start3A_521 : memref<1024xi32, #tpu.memory_space<vmem>>) semaphore(%arg10 : memref<!tpu.dma_semaphore, #tpu.memory_space<semaphore_mem>>)
      } else {
      }
      %ge3A = arith.constant 2 : i32
      %ge3A_418 = arith.cmpi sge, %add3A_399, %ge3A : i32
      %convert_element_type3A_419 = arith.extui %ge3A_418 : i1 to i32
      %cond3A_420 = arith.constant 0 : i32
      %cond3A_421 = arith.cmpi ne, %convert_element_type3A_419, %cond3A_420 : i32
      scf.if %cond3A_421 {
        %sub3A = arith.constant 2 : i32
        %sub3A_518 = arith.subi %add3A_399, %sub3A : i32
        %add3A_519 = arith.addi %mul3A_2, %sub3A_518 : i32
        %shift_right_arithmetic3A_520 = arith.constant 4 : i32
        %shift_right_arithmetic3A_521 = arith.shrsi %add3A_519, %shift_right_arithmetic3A_520 : i32
        %and3A_522 = arith.constant 15 : i32
        %and3A_523 = arith.andi %add3A_519, %and3A_522 : i32
        %mul3A_524 = arith.constant 8192 : i32
        %mul3A_525 = arith.muli %and3A_523, %mul3A_524 : i32
        %dma_wait3A_526 = arith.constant 0 : i32
        %dma_wait3A_527 = arith.constant 0 : i32
        %dma_wait3A_528 = tpu.memref_slice %arg8[%dma_wait3A_527] : memref<16384xf32, #tpu.memory_space<vmem>> -> memref<8192xf32, #tpu.memory_space<vmem>>
        %dma_wait3A_529 = tpu.memref_slice %arg4[%shift_right_arithmetic3A_521, %dma_wait3A_526, %mul3A_525] : memref<200x2x131072xf32, #tpu.memory_space<hbm>> -> memref<1x1x8192xf32, #tpu.memory_space<hbm>>
        %dma_wait3A_530 = tpu.memref_squeeze %dma_wait3A_529 : memref<1x1x8192xf32, #tpu.memory_space<hbm>> -> memref<8192xf32, #tpu.memory_space<hbm>>
        %dma_wait3A_531 = tpu.memref_slice %arg4[%shift_right_arithmetic3A_521, %dma_wait3A_526, %mul3A_525] : memref<200x2x131072xf32, #tpu.memory_space<hbm>> -> memref<1x1x8192xf32, #tpu.memory_space<hbm>>
        %dma_wait3A_532 = tpu.memref_squeeze %dma_wait3A_531 : memref<1x1x8192xf32, #tpu.memory_space<hbm>> -> memref<8192xf32, #tpu.memory_space<hbm>>
        %dma_wait3A_533 = arith.constant 0 : i32
        %dma_wait3A_534 = tpu.memref_slice %arg8[%dma_wait3A_533] : memref<16384xf32, #tpu.memory_space<vmem>> -> memref<8192xf32, #tpu.memory_space<vmem>>
        tpu.wait_dma2 semaphore(%arg11 : memref<!tpu.dma_semaphore, #tpu.memory_space<semaphore_mem>>) src(%dma_wait3A_534 : memref<8192xf32, #tpu.memory_space<vmem>>) dst(%dma_wait3A_532 : memref<8192xf32, #tpu.memory_space<hbm>>)
        %mul3A_535 = arith.constant 8192 : i32
        %mul3A_536 = arith.muli %and3A_523, %mul3A_535 : i32
        %dma_wait3A_537 = arith.constant 1 : i32
        %dma_wait3A_538 = arith.constant 8192 : i32
        %dma_wait3A_539 = tpu.memref_slice %arg8[%dma_wait3A_538] : memref<16384xf32, #tpu.memory_space<vmem>> -> memref<8192xf32, #tpu.memory_space<vmem>>
        %dma_wait3A_540 = tpu.memref_slice %arg4[%shift_right_arithmetic3A_521, %dma_wait3A_537, %mul3A_536] : memref<200x2x131072xf32, #tpu.memory_space<hbm>> -> memref<1x1x8192xf32, #tpu.memory_space<hbm>>
        %dma_wait3A_541 = tpu.memref_squeeze %dma_wait3A_540 : memref<1x1x8192xf32, #tpu.memory_space<hbm>> -> memref<8192xf32, #tpu.memory_space<hbm>>
        %dma_wait3A_542 = tpu.memref_slice %arg4[%shift_right_arithmetic3A_521, %dma_wait3A_537, %mul3A_536] : memref<200x2x131072xf32, #tpu.memory_space<hbm>> -> memref<1x1x8192xf32, #tpu.memory_space<hbm>>
        %dma_wait3A_543 = tpu.memref_squeeze %dma_wait3A_542 : memref<1x1x8192xf32, #tpu.memory_space<hbm>> -> memref<8192xf32, #tpu.memory_space<hbm>>
        %dma_wait3A_544 = arith.constant 8192 : i32
        %dma_wait3A_545 = tpu.memref_slice %arg8[%dma_wait3A_544] : memref<16384xf32, #tpu.memory_space<vmem>> -> memref<8192xf32, #tpu.memory_space<vmem>>
        tpu.wait_dma2 semaphore(%arg11 : memref<!tpu.dma_semaphore, #tpu.memory_space<semaphore_mem>>) src(%dma_wait3A_545 : memref<8192xf32, #tpu.memory_space<vmem>>) dst(%dma_wait3A_543 : memref<8192xf32, #tpu.memory_space<hbm>>)
      } else {
      }
      %scan3A_422 = arith.constant 0 : i32
      %scan3A_423 = arith.constant 0 : i32
      %scan3A_424 = arith.constant 8 : i32
      %scan3A_425 = arith.addi %scan3A_423, %scan3A_424 : i32
      %scan3A_426 = arith.constant 1 : i32
      scf.for %scan3A_518 = %scan3A_423 to %scan3A_425 step %scan3A_426  : i32 {
        %mul3A_519 = arith.constant 128 : i32
        %mul3A_520 = arith.muli %scan3A_518, %mul3A_519 : i32
        %add3A_521 = arith.constant 0 : i32
        %add3A_522 = arith.addi %mul3A_520, %add3A_521 : i32
        %mul3A_523 = arith.constant 1024 : i32
        %mul3A_524 = arith.muli %scan3A_518, %mul3A_523 : i32
        %add3A_525 = arith.constant 0 : i32
        %add3A_526 = arith.addi %mul3A_524, %add3A_525 : i32
        %add3A_527 = vector.broadcast %add3A_522 : i32 to vector<16xi32>
        %add3A_528 = arith.addi %iota3A, %add3A_527 : vector<16xi32>
        %gather3A = tpu.vector_load_idx %arg6[%add3A_528, %and3A_7] : memref<1024x16xf32, #tpu.memory_space<vmem>>[vector<16xi32>, vector<16xi32>], vector<16xf32>,
        %gather3A_529 = tpu.vector_load_idx %arg6[%add3A_528, %and3A_13] : memref<1024x16xf32, #tpu.memory_space<vmem>>[vector<16xi32>, vector<16xi32>], vector<16xf32>,
        %gather3A_530 = tpu.vector_load_idx %arg6[%add3A_528, %and3A_19] : memref<1024x16xf32, #tpu.memory_space<vmem>>[vector<16xi32>, vector<16xi32>], vector<16xf32>,
        %gather3A_531 = tpu.vector_load_idx %arg6[%add3A_528, %and3A_25] : memref<1024x16xf32, #tpu.memory_space<vmem>>[vector<16xi32>, vector<16xi32>], vector<16xf32>,
        %gather3A_532 = tpu.vector_load_idx %arg6[%add3A_528, %and3A_31] : memref<1024x16xf32, #tpu.memory_space<vmem>>[vector<16xi32>, vector<16xi32>], vector<16xf32>,
        %gather3A_533 = tpu.vector_load_idx %arg6[%add3A_528, %and3A_37] : memref<1024x16xf32, #tpu.memory_space<vmem>>[vector<16xi32>, vector<16xi32>], vector<16xf32>,
        %gather3A_534 = tpu.vector_load_idx %arg6[%add3A_528, %and3A_43] : memref<1024x16xf32, #tpu.memory_space<vmem>>[vector<16xi32>, vector<16xi32>], vector<16xf32>,
        %gather3A_535 = tpu.vector_load_idx %arg6[%add3A_528, %and3A_49] : memref<1024x16xf32, #tpu.memory_space<vmem>>[vector<16xi32>, vector<16xi32>], vector<16xf32>,
        %gather3A_536 = tpu.vector_load_idx %arg6[%add3A_528, %and3A_55] : memref<1024x16xf32, #tpu.memory_space<vmem>>[vector<16xi32>, vector<16xi32>], vector<16xf32>,
        %gather3A_537 = tpu.vector_load_idx %arg6[%add3A_528, %and3A_61] : memref<1024x16xf32, #tpu.memory_space<vmem>>[vector<16xi32>, vector<16xi32>], vector<16xf32>,
        %gather3A_538 = tpu.vector_load_idx %arg6[%add3A_528, %and3A_67] : memref<1024x16xf32, #tpu.memory_space<vmem>>[vector<16xi32>, vector<16xi32>], vector<16xf32>,
        %gather3A_539 = tpu.vector_load_idx %arg6[%add3A_528, %and3A_73] : memref<1024x16xf32, #tpu.memory_space<vmem>>[vector<16xi32>, vector<16xi32>], vector<16xf32>,
        %gather3A_540 = tpu.vector_load_idx %arg6[%add3A_528, %and3A_79] : memref<1024x16xf32, #tpu.memory_space<vmem>>[vector<16xi32>, vector<16xi32>], vector<16xf32>,
        %gather3A_541 = tpu.vector_load_idx %arg6[%add3A_528, %and3A_85] : memref<1024x16xf32, #tpu.memory_space<vmem>>[vector<16xi32>, vector<16xi32>], vector<16xf32>,
        %gather3A_542 = tpu.vector_load_idx %arg6[%add3A_528, %and3A_91] : memref<1024x16xf32, #tpu.memory_space<vmem>>[vector<16xi32>, vector<16xi32>], vector<16xf32>,
        %gather3A_543 = tpu.vector_load_idx %arg6[%add3A_528, %and3A_97] : memref<1024x16xf32, #tpu.memory_space<vmem>>[vector<16xi32>, vector<16xi32>], vector<16xf32>,
        %add3A_544 = vector.broadcast %add3A_526 : i32 to vector<16xi32>
        %add3A_545 = arith.addi %add3A_110, %add3A_544 : vector<16xi32>
        tpu.vector_store_idx %arg8[%add3A_545], %gather3A : memref<16384xf32, #tpu.memory_space<vmem>>[vector<16xi32>], vector<16xf32>,
        %add3A_546 = vector.broadcast %add3A_526 : i32 to vector<16xi32>
        %add3A_547 = arith.addi %add3A_124, %add3A_546 : vector<16xi32>
        tpu.vector_store_idx %arg8[%add3A_547], %gather3A_529 : memref<16384xf32, #tpu.memory_space<vmem>>[vector<16xi32>], vector<16xf32>,
        %add3A_548 = vector.broadcast %add3A_526 : i32 to vector<16xi32>
        %add3A_549 = arith.addi %add3A_138, %add3A_548 : vector<16xi32>
        tpu.vector_store_idx %arg8[%add3A_549], %gather3A_530 : memref<16384xf32, #tpu.memory_space<vmem>>[vector<16xi32>], vector<16xf32>,
        %add3A_550 = vector.broadcast %add3A_526 : i32 to vector<16xi32>
        %add3A_551 = arith.addi %add3A_152, %add3A_550 : vector<16xi32>
        tpu.vector_store_idx %arg8[%add3A_551], %gather3A_531 : memref<16384xf32, #tpu.memory_space<vmem>>[vector<16xi32>], vector<16xf32>,
        %add3A_552 = vector.broadcast %add3A_526 : i32 to vector<16xi32>
        %add3A_553 = arith.addi %add3A_166, %add3A_552 : vector<16xi32>
        tpu.vector_store_idx %arg8[%add3A_553], %gather3A_532 : memref<16384xf32, #tpu.memory_space<vmem>>[vector<16xi32>], vector<16xf32>,
        %add3A_554 = vector.broadcast %add3A_526 : i32 to vector<16xi32>
        %add3A_555 = arith.addi %add3A_180, %add3A_554 : vector<16xi32>
        tpu.vector_store_idx %arg8[%add3A_555], %gather3A_533 : memref<16384xf32, #tpu.memory_space<vmem>>[vector<16xi32>], vector<16xf32>,
        %add3A_556 = vector.broadcast %add3A_526 : i32 to vector<16xi32>
        %add3A_557 = arith.addi %add3A_194, %add3A_556 : vector<16xi32>
        tpu.vector_store_idx %arg8[%add3A_557], %gather3A_534 : memref<16384xf32, #tpu.memory_space<vmem>>[vector<16xi32>], vector<16xf32>,
        %add3A_558 = vector.broadcast %add3A_526 : i32 to vector<16xi32>
        %add3A_559 = arith.addi %add3A_208, %add3A_558 : vector<16xi32>
        tpu.vector_store_idx %arg8[%add3A_559], %gather3A_535 : memref<16384xf32, #tpu.memory_space<vmem>>[vector<16xi32>], vector<16xf32>,
        %add3A_560 = vector.broadcast %add3A_526 : i32 to vector<16xi32>
        %add3A_561 = arith.addi %add3A_222, %add3A_560 : vector<16xi32>
        tpu.vector_store_idx %arg8[%add3A_561], %gather3A_536 : memref<16384xf32, #tpu.memory_space<vmem>>[vector<16xi32>], vector<16xf32>,
        %add3A_562 = vector.broadcast %add3A_526 : i32 to vector<16xi32>
        %add3A_563 = arith.addi %add3A_236, %add3A_562 : vector<16xi32>
        tpu.vector_store_idx %arg8[%add3A_563], %gather3A_537 : memref<16384xf32, #tpu.memory_space<vmem>>[vector<16xi32>], vector<16xf32>,
        %add3A_564 = vector.broadcast %add3A_526 : i32 to vector<16xi32>
        %add3A_565 = arith.addi %add3A_250, %add3A_564 : vector<16xi32>
        tpu.vector_store_idx %arg8[%add3A_565], %gather3A_538 : memref<16384xf32, #tpu.memory_space<vmem>>[vector<16xi32>], vector<16xf32>,
        %add3A_566 = vector.broadcast %add3A_526 : i32 to vector<16xi32>
        %add3A_567 = arith.addi %add3A_264, %add3A_566 : vector<16xi32>
        tpu.vector_store_idx %arg8[%add3A_567], %gather3A_539 : memref<16384xf32, #tpu.memory_space<vmem>>[vector<16xi32>], vector<16xf32>,
        %add3A_568 = vector.broadcast %add3A_526 : i32 to vector<16xi32>
        %add3A_569 = arith.addi %add3A_278, %add3A_568 : vector<16xi32>
        tpu.vector_store_idx %arg8[%add3A_569], %gather3A_540 : memref<16384xf32, #tpu.memory_space<vmem>>[vector<16xi32>], vector<16xf32>,
        %add3A_570 = vector.broadcast %add3A_526 : i32 to vector<16xi32>
        %add3A_571 = arith.addi %add3A_292, %add3A_570 : vector<16xi32>
        tpu.vector_store_idx %arg8[%add3A_571], %gather3A_541 : memref<16384xf32, #tpu.memory_space<vmem>>[vector<16xi32>], vector<16xf32>,
        %add3A_572 = vector.broadcast %add3A_526 : i32 to vector<16xi32>
        %add3A_573 = arith.addi %add3A_306, %add3A_572 : vector<16xi32>
        tpu.vector_store_idx %arg8[%add3A_573], %gather3A_542 : memref<16384xf32, #tpu.memory_space<vmem>>[vector<16xi32>], vector<16xf32>,
        %add3A_574 = vector.broadcast %add3A_526 : i32 to vector<16xi32>
        %add3A_575 = arith.addi %add3A_320, %add3A_574 : vector<16xi32>
        tpu.vector_store_idx %arg8[%add3A_575], %gather3A_543 : memref<16384xf32, #tpu.memory_space<vmem>>[vector<16xi32>], vector<16xf32>,
        %mul3A_576 = arith.constant 128 : i32
        %mul3A_577 = arith.muli %scan3A_518, %mul3A_576 : i32
        %add3A_578 = arith.constant 16 : i32
        %add3A_579 = arith.addi %mul3A_577, %add3A_578 : i32
        %mul3A_580 = arith.constant 1024 : i32
        %mul3A_581 = arith.muli %scan3A_518, %mul3A_580 : i32
        %add3A_582 = arith.constant 16 : i32
        %add3A_583 = arith.addi %mul3A_581, %add3A_582 : i32
        %add3A_584 = vector.broadcast %add3A_579 : i32 to vector<16xi32>
        %add3A_585 = arith.addi %iota3A, %add3A_584 : vector<16xi32>
        %gather3A_586 = tpu.vector_load_idx %arg6[%add3A_585, %and3A_7] : memref<1024x16xf32, #tpu.memory_space<vmem>>[vector<16xi32>, vector<16xi32>], vector<16xf32>,
        %gather3A_587 = tpu.vector_load_idx %arg6[%add3A_585, %and3A_13] : memref<1024x16xf32, #tpu.memory_space<vmem>>[vector<16xi32>, vector<16xi32>], vector<16xf32>,
        %gather3A_588 = tpu.vector_load_idx %arg6[%add3A_585, %and3A_19] : memref<1024x16xf32, #tpu.memory_space<vmem>>[vector<16xi32>, vector<16xi32>], vector<16xf32>,
        %gather3A_589 = tpu.vector_load_idx %arg6[%add3A_585, %and3A_25] : memref<1024x16xf32, #tpu.memory_space<vmem>>[vector<16xi32>, vector<16xi32>], vector<16xf32>,
        %gather3A_590 = tpu.vector_load_idx %arg6[%add3A_585, %and3A_31] : memref<1024x16xf32, #tpu.memory_space<vmem>>[vector<16xi32>, vector<16xi32>], vector<16xf32>,
        %gather3A_591 = tpu.vector_load_idx %arg6[%add3A_585, %and3A_37] : memref<1024x16xf32, #tpu.memory_space<vmem>>[vector<16xi32>, vector<16xi32>], vector<16xf32>,
        %gather3A_592 = tpu.vector_load_idx %arg6[%add3A_585, %and3A_43] : memref<1024x16xf32, #tpu.memory_space<vmem>>[vector<16xi32>, vector<16xi32>], vector<16xf32>,
        %gather3A_593 = tpu.vector_load_idx %arg6[%add3A_585, %and3A_49] : memref<1024x16xf32, #tpu.memory_space<vmem>>[vector<16xi32>, vector<16xi32>], vector<16xf32>,
        %gather3A_594 = tpu.vector_load_idx %arg6[%add3A_585, %and3A_55] : memref<1024x16xf32, #tpu.memory_space<vmem>>[vector<16xi32>, vector<16xi32>], vector<16xf32>,
        %gather3A_595 = tpu.vector_load_idx %arg6[%add3A_585, %and3A_61] : memref<1024x16xf32, #tpu.memory_space<vmem>>[vector<16xi32>, vector<16xi32>], vector<16xf32>,
        %gather3A_596 = tpu.vector_load_idx %arg6[%add3A_585, %and3A_67] : memref<1024x16xf32, #tpu.memory_space<vmem>>[vector<16xi32>, vector<16xi32>], vector<16xf32>,
        %gather3A_597 = tpu.vector_load_idx %arg6[%add3A_585, %and3A_73] : memref<1024x16xf32, #tpu.memory_space<vmem>>[vector<16xi32>, vector<16xi32>], vector<16xf32>,
        %gather3A_598 = tpu.vector_load_idx %arg6[%add3A_585, %and3A_79] : memref<1024x16xf32, #tpu.memory_space<vmem>>[vector<16xi32>, vector<16xi32>], vector<16xf32>,
        %gather3A_599 = tpu.vector_load_idx %arg6[%add3A_585, %and3A_85] : memref<1024x16xf32, #tpu.memory_space<vmem>>[vector<16xi32>, vector<16xi32>], vector<16xf32>,
        %gather3A_600 = tpu.vector_load_idx %arg6[%add3A_585, %and3A_91] : memref<1024x16xf32, #tpu.memory_space<vmem>>[vector<16xi32>, vector<16xi32>], vector<16xf32>,
        %gather3A_601 = tpu.vector_load_idx %arg6[%add3A_585, %and3A_97] : memref<1024x16xf32, #tpu.memory_space<vmem>>[vector<16xi32>, vector<16xi32>], vector<16xf32>,
        %add3A_602 = vector.broadcast %add3A_583 : i32 to vector<16xi32>
        %add3A_603 = arith.addi %add3A_110, %add3A_602 : vector<16xi32>
        tpu.vector_store_idx %arg8[%add3A_603], %gather3A_586 : memref<16384xf32, #tpu.memory_space<vmem>>[vector<16xi32>], vector<16xf32>,
        %add3A_604 = vector.broadcast %add3A_583 : i32 to vector<16xi32>
        %add3A_605 = arith.addi %add3A_124, %add3A_604 : vector<16xi32>
        tpu.vector_store_idx %arg8[%add3A_605], %gather3A_587 : memref<16384xf32, #tpu.memory_space<vmem>>[vector<16xi32>], vector<16xf32>,
        %add3A_606 = vector.broadcast %add3A_583 : i32 to vector<16xi32>
        %add3A_607 = arith.addi %add3A_138, %add3A_606 : vector<16xi32>
        tpu.vector_store_idx %arg8[%add3A_607], %gather3A_588 : memref<16384xf32, #tpu.memory_space<vmem>>[vector<16xi32>], vector<16xf32>,
        %add3A_608 = vector.broadcast %add3A_583 : i32 to vector<16xi32>
        %add3A_609 = arith.addi %add3A_152, %add3A_608 : vector<16xi32>
        tpu.vector_store_idx %arg8[%add3A_609], %gather3A_589 : memref<16384xf32, #tpu.memory_space<vmem>>[vector<16xi32>], vector<16xf32>,
        %add3A_610 = vector.broadcast %add3A_583 : i32 to vector<16xi32>
        %add3A_611 = arith.addi %add3A_166, %add3A_610 : vector<16xi32>
        tpu.vector_store_idx %arg8[%add3A_611], %gather3A_590 : memref<16384xf32, #tpu.memory_space<vmem>>[vector<16xi32>], vector<16xf32>,
        %add3A_612 = vector.broadcast %add3A_583 : i32 to vector<16xi32>
        %add3A_613 = arith.addi %add3A_180, %add3A_612 : vector<16xi32>
        tpu.vector_store_idx %arg8[%add3A_613], %gather3A_591 : memref<16384xf32, #tpu.memory_space<vmem>>[vector<16xi32>], vector<16xf32>,
        %add3A_614 = vector.broadcast %add3A_583 : i32 to vector<16xi32>
        %add3A_615 = arith.addi %add3A_194, %add3A_614 : vector<16xi32>
        tpu.vector_store_idx %arg8[%add3A_615], %gather3A_592 : memref<16384xf32, #tpu.memory_space<vmem>>[vector<16xi32>], vector<16xf32>,
        %add3A_616 = vector.broadcast %add3A_583 : i32 to vector<16xi32>
        %add3A_617 = arith.addi %add3A_208, %add3A_616 : vector<16xi32>
        tpu.vector_store_idx %arg8[%add3A_617], %gather3A_593 : memref<16384xf32, #tpu.memory_space<vmem>>[vector<16xi32>], vector<16xf32>,
        %add3A_618 = vector.broadcast %add3A_583 : i32 to vector<16xi32>
        %add3A_619 = arith.addi %add3A_222, %add3A_618 : vector<16xi32>
        tpu.vector_store_idx %arg8[%add3A_619], %gather3A_594 : memref<16384xf32, #tpu.memory_space<vmem>>[vector<16xi32>], vector<16xf32>,
        %add3A_620 = vector.broadcast %add3A_583 : i32 to vector<16xi32>
        %add3A_621 = arith.addi %add3A_236, %add3A_620 : vector<16xi32>
        tpu.vector_store_idx %arg8[%add3A_621], %gather3A_595 : memref<16384xf32, #tpu.memory_space<vmem>>[vector<16xi32>], vector<16xf32>,
        %add3A_622 = vector.broadcast %add3A_583 : i32 to vector<16xi32>
        %add3A_623 = arith.addi %add3A_250, %add3A_622 : vector<16xi32>
        tpu.vector_store_idx %arg8[%add3A_623], %gather3A_596 : memref<16384xf32, #tpu.memory_space<vmem>>[vector<16xi32>], vector<16xf32>,
        %add3A_624 = vector.broadcast %add3A_583 : i32 to vector<16xi32>
        %add3A_625 = arith.addi %add3A_264, %add3A_624 : vector<16xi32>
        tpu.vector_store_idx %arg8[%add3A_625], %gather3A_597 : memref<16384xf32, #tpu.memory_space<vmem>>[vector<16xi32>], vector<16xf32>,
        %add3A_626 = vector.broadcast %add3A_583 : i32 to vector<16xi32>
        %add3A_627 = arith.addi %add3A_278, %add3A_626 : vector<16xi32>
        tpu.vector_store_idx %arg8[%add3A_627], %gather3A_598 : memref<16384xf32, #tpu.memory_space<vmem>>[vector<16xi32>], vector<16xf32>,
        %add3A_628 = vector.broadcast %add3A_583 : i32 to vector<16xi32>
        %add3A_629 = arith.addi %add3A_292, %add3A_628 : vector<16xi32>
        tpu.vector_store_idx %arg8[%add3A_629], %gather3A_599 : memref<16384xf32, #tpu.memory_space<vmem>>[vector<16xi32>], vector<16xf32>,
        %add3A_630 = vector.broadcast %add3A_583 : i32 to vector<16xi32>
        %add3A_631 = arith.addi %add3A_306, %add3A_630 : vector<16xi32>
        tpu.vector_store_idx %arg8[%add3A_631], %gather3A_600 : memref<16384xf32, #tpu.memory_space<vmem>>[vector<16xi32>], vector<16xf32>,
        %add3A_632 = vector.broadcast %add3A_583 : i32 to vector<16xi32>
        %add3A_633 = arith.addi %add3A_320, %add3A_632 : vector<16xi32>
        tpu.vector_store_idx %arg8[%add3A_633], %gather3A_601 : memref<16384xf32, #tpu.memory_space<vmem>>[vector<16xi32>], vector<16xf32>,
        %mul3A_634 = arith.constant 128 : i32
        %mul3A_635 = arith.muli %scan3A_518, %mul3A_634 : i32
        %add3A_636 = arith.constant 32 : i32
        %add3A_637 = arith.addi %mul3A_635, %add3A_636 : i32
        %mul3A_638 = arith.constant 1024 : i32
        %mul3A_639 = arith.muli %scan3A_518, %mul3A_638 : i32
        %add3A_640 = arith.constant 32 : i32
        %add3A_641 = arith.addi %mul3A_639, %add3A_640 : i32
        %add3A_642 = vector.broadcast %add3A_637 : i32 to vector<16xi32>
        %add3A_643 = arith.addi %iota3A, %add3A_642 : vector<16xi32>
        %gather3A_644 = tpu.vector_load_idx %arg6[%add3A_643, %and3A_7] : memref<1024x16xf32, #tpu.memory_space<vmem>>[vector<16xi32>, vector<16xi32>], vector<16xf32>,
        %gather3A_645 = tpu.vector_load_idx %arg6[%add3A_643, %and3A_13] : memref<1024x16xf32, #tpu.memory_space<vmem>>[vector<16xi32>, vector<16xi32>], vector<16xf32>,
        %gather3A_646 = tpu.vector_load_idx %arg6[%add3A_643, %and3A_19] : memref<1024x16xf32, #tpu.memory_space<vmem>>[vector<16xi32>, vector<16xi32>], vector<16xf32>,
        %gather3A_647 = tpu.vector_load_idx %arg6[%add3A_643, %and3A_25] : memref<1024x16xf32, #tpu.memory_space<vmem>>[vector<16xi32>, vector<16xi32>], vector<16xf32>,
        %gather3A_648 = tpu.vector_load_idx %arg6[%add3A_643, %and3A_31] : memref<1024x16xf32, #tpu.memory_space<vmem>>[vector<16xi32>, vector<16xi32>], vector<16xf32>,
        %gather3A_649 = tpu.vector_load_idx %arg6[%add3A_643, %and3A_37] : memref<1024x16xf32, #tpu.memory_space<vmem>>[vector<16xi32>, vector<16xi32>], vector<16xf32>,
        %gather3A_650 = tpu.vector_load_idx %arg6[%add3A_643, %and3A_43] : memref<1024x16xf32, #tpu.memory_space<vmem>>[vector<16xi32>, vector<16xi32>], vector<16xf32>,
        %gather3A_651 = tpu.vector_load_idx %arg6[%add3A_643, %and3A_49] : memref<1024x16xf32, #tpu.memory_space<vmem>>[vector<16xi32>, vector<16xi32>], vector<16xf32>,
        %gather3A_652 = tpu.vector_load_idx %arg6[%add3A_643, %and3A_55] : memref<1024x16xf32, #tpu.memory_space<vmem>>[vector<16xi32>, vector<16xi32>], vector<16xf32>,
        %gather3A_653 = tpu.vector_load_idx %arg6[%add3A_643, %and3A_61] : memref<1024x16xf32, #tpu.memory_space<vmem>>[vector<16xi32>, vector<16xi32>], vector<16xf32>,
        %gather3A_654 = tpu.vector_load_idx %arg6[%add3A_643, %and3A_67] : memref<1024x16xf32, #tpu.memory_space<vmem>>[vector<16xi32>, vector<16xi32>], vector<16xf32>,
        %gather3A_655 = tpu.vector_load_idx %arg6[%add3A_643, %and3A_73] : memref<1024x16xf32, #tpu.memory_space<vmem>>[vector<16xi32>, vector<16xi32>], vector<16xf32>,
        %gather3A_656 = tpu.vector_load_idx %arg6[%add3A_643, %and3A_79] : memref<1024x16xf32, #tpu.memory_space<vmem>>[vector<16xi32>, vector<16xi32>], vector<16xf32>,
        %gather3A_657 = tpu.vector_load_idx %arg6[%add3A_643, %and3A_85] : memref<1024x16xf32, #tpu.memory_space<vmem>>[vector<16xi32>, vector<16xi32>], vector<16xf32>,
        %gather3A_658 = tpu.vector_load_idx %arg6[%add3A_643, %and3A_91] : memref<1024x16xf32, #tpu.memory_space<vmem>>[vector<16xi32>, vector<16xi32>], vector<16xf32>,
        %gather3A_659 = tpu.vector_load_idx %arg6[%add3A_643, %and3A_97] : memref<1024x16xf32, #tpu.memory_space<vmem>>[vector<16xi32>, vector<16xi32>], vector<16xf32>,
        %add3A_660 = vector.broadcast %add3A_641 : i32 to vector<16xi32>
        %add3A_661 = arith.addi %add3A_110, %add3A_660 : vector<16xi32>
        tpu.vector_store_idx %arg8[%add3A_661], %gather3A_644 : memref<16384xf32, #tpu.memory_space<vmem>>[vector<16xi32>], vector<16xf32>,
        %add3A_662 = vector.broadcast %add3A_641 : i32 to vector<16xi32>
        %add3A_663 = arith.addi %add3A_124, %add3A_662 : vector<16xi32>
        tpu.vector_store_idx %arg8[%add3A_663], %gather3A_645 : memref<16384xf32, #tpu.memory_space<vmem>>[vector<16xi32>], vector<16xf32>,
        %add3A_664 = vector.broadcast %add3A_641 : i32 to vector<16xi32>
        %add3A_665 = arith.addi %add3A_138, %add3A_664 : vector<16xi32>
        tpu.vector_store_idx %arg8[%add3A_665], %gather3A_646 : memref<16384xf32, #tpu.memory_space<vmem>>[vector<16xi32>], vector<16xf32>,
        %add3A_666 = vector.broadcast %add3A_641 : i32 to vector<16xi32>
        %add3A_667 = arith.addi %add3A_152, %add3A_666 : vector<16xi32>
        tpu.vector_store_idx %arg8[%add3A_667], %gather3A_647 : memref<16384xf32, #tpu.memory_space<vmem>>[vector<16xi32>], vector<16xf32>,
        %add3A_668 = vector.broadcast %add3A_641 : i32 to vector<16xi32>
        %add3A_669 = arith.addi %add3A_166, %add3A_668 : vector<16xi32>
        tpu.vector_store_idx %arg8[%add3A_669], %gather3A_648 : memref<16384xf32, #tpu.memory_space<vmem>>[vector<16xi32>], vector<16xf32>,
        %add3A_670 = vector.broadcast %add3A_641 : i32 to vector<16xi32>
        %add3A_671 = arith.addi %add3A_180, %add3A_670 : vector<16xi32>
        tpu.vector_store_idx %arg8[%add3A_671], %gather3A_649 : memref<16384xf32, #tpu.memory_space<vmem>>[vector<16xi32>], vector<16xf32>,
        %add3A_672 = vector.broadcast %add3A_641 : i32 to vector<16xi32>
        %add3A_673 = arith.addi %add3A_194, %add3A_672 : vector<16xi32>
        tpu.vector_store_idx %arg8[%add3A_673], %gather3A_650 : memref<16384xf32, #tpu.memory_space<vmem>>[vector<16xi32>], vector<16xf32>,
        %add3A_674 = vector.broadcast %add3A_641 : i32 to vector<16xi32>
        %add3A_675 = arith.addi %add3A_208, %add3A_674 : vector<16xi32>
        tpu.vector_store_idx %arg8[%add3A_675], %gather3A_651 : memref<16384xf32, #tpu.memory_space<vmem>>[vector<16xi32>], vector<16xf32>,
        %add3A_676 = vector.broadcast %add3A_641 : i32 to vector<16xi32>
        %add3A_677 = arith.addi %add3A_222, %add3A_676 : vector<16xi32>
        tpu.vector_store_idx %arg8[%add3A_677], %gather3A_652 : memref<16384xf32, #tpu.memory_space<vmem>>[vector<16xi32>], vector<16xf32>,
        %add3A_678 = vector.broadcast %add3A_641 : i32 to vector<16xi32>
        %add3A_679 = arith.addi %add3A_236, %add3A_678 : vector<16xi32>
        tpu.vector_store_idx %arg8[%add3A_679], %gather3A_653 : memref<16384xf32, #tpu.memory_space<vmem>>[vector<16xi32>], vector<16xf32>,
        %add3A_680 = vector.broadcast %add3A_641 : i32 to vector<16xi32>
        %add3A_681 = arith.addi %add3A_250, %add3A_680 : vector<16xi32>
        tpu.vector_store_idx %arg8[%add3A_681], %gather3A_654 : memref<16384xf32, #tpu.memory_space<vmem>>[vector<16xi32>], vector<16xf32>,
        %add3A_682 = vector.broadcast %add3A_641 : i32 to vector<16xi32>
        %add3A_683 = arith.addi %add3A_264, %add3A_682 : vector<16xi32>
        tpu.vector_store_idx %arg8[%add3A_683], %gather3A_655 : memref<16384xf32, #tpu.memory_space<vmem>>[vector<16xi32>], vector<16xf32>,
        %add3A_684 = vector.broadcast %add3A_641 : i32 to vector<16xi32>
        %add3A_685 = arith.addi %add3A_278, %add3A_684 : vector<16xi32>
        tpu.vector_store_idx %arg8[%add3A_685], %gather3A_656 : memref<16384xf32, #tpu.memory_space<vmem>>[vector<16xi32>], vector<16xf32>,
        %add3A_686 = vector.broadcast %add3A_641 : i32 to vector<16xi32>
        %add3A_687 = arith.addi %add3A_292, %add3A_686 : vector<16xi32>
        tpu.vector_store_idx %arg8[%add3A_687], %gather3A_657 : memref<16384xf32, #tpu.memory_space<vmem>>[vector<16xi32>], vector<16xf32>,
        %add3A_688 = vector.broadcast %add3A_641 : i32 to vector<16xi32>
        %add3A_689 = arith.addi %add3A_306, %add3A_688 : vector<16xi32>
        tpu.vector_store_idx %arg8[%add3A_689], %gather3A_658 : memref<16384xf32, #tpu.memory_space<vmem>>[vector<16xi32>], vector<16xf32>,
        %add3A_690 = vector.broadcast %add3A_641 : i32 to vector<16xi32>
        %add3A_691 = arith.addi %add3A_320, %add3A_690 : vector<16xi32>
        tpu.vector_store_idx %arg8[%add3A_691], %gather3A_659 : memref<16384xf32, #tpu.memory_space<vmem>>[vector<16xi32>], vector<16xf32>,
        %mul3A_692 = arith.constant 128 : i32
        %mul3A_693 = arith.muli %scan3A_518, %mul3A_692 : i32
        %add3A_694 = arith.constant 48 : i32
        %add3A_695 = arith.addi %mul3A_693, %add3A_694 : i32
        %mul3A_696 = arith.constant 1024 : i32
        %mul3A_697 = arith.muli %scan3A_518, %mul3A_696 : i32
        %add3A_698 = arith.constant 48 : i32
        %add3A_699 = arith.addi %mul3A_697, %add3A_698 : i32
        %add3A_700 = vector.broadcast %add3A_695 : i32 to vector<16xi32>
        %add3A_701 = arith.addi %iota3A, %add3A_700 : vector<16xi32>
        %gather3A_702 = tpu.vector_load_idx %arg6[%add3A_701, %and3A_7] : memref<1024x16xf32, #tpu.memory_space<vmem>>[vector<16xi32>, vector<16xi32>], vector<16xf32>,
        %gather3A_703 = tpu.vector_load_idx %arg6[%add3A_701, %and3A_13] : memref<1024x16xf32, #tpu.memory_space<vmem>>[vector<16xi32>, vector<16xi32>], vector<16xf32>,
        %gather3A_704 = tpu.vector_load_idx %arg6[%add3A_701, %and3A_19] : memref<1024x16xf32, #tpu.memory_space<vmem>>[vector<16xi32>, vector<16xi32>], vector<16xf32>,
        %gather3A_705 = tpu.vector_load_idx %arg6[%add3A_701, %and3A_25] : memref<1024x16xf32, #tpu.memory_space<vmem>>[vector<16xi32>, vector<16xi32>], vector<16xf32>,
        %gather3A_706 = tpu.vector_load_idx %arg6[%add3A_701, %and3A_31] : memref<1024x16xf32, #tpu.memory_space<vmem>>[vector<16xi32>, vector<16xi32>], vector<16xf32>,
        %gather3A_707 = tpu.vector_load_idx %arg6[%add3A_701, %and3A_37] : memref<1024x16xf32, #tpu.memory_space<vmem>>[vector<16xi32>, vector<16xi32>], vector<16xf32>,
        %gather3A_708 = tpu.vector_load_idx %arg6[%add3A_701, %and3A_43] : memref<1024x16xf32, #tpu.memory_space<vmem>>[vector<16xi32>, vector<16xi32>], vector<16xf32>,
        %gather3A_709 = tpu.vector_load_idx %arg6[%add3A_701, %and3A_49] : memref<1024x16xf32, #tpu.memory_space<vmem>>[vector<16xi32>, vector<16xi32>], vector<16xf32>,
        %gather3A_710 = tpu.vector_load_idx %arg6[%add3A_701, %and3A_55] : memref<1024x16xf32, #tpu.memory_space<vmem>>[vector<16xi32>, vector<16xi32>], vector<16xf32>,
        %gather3A_711 = tpu.vector_load_idx %arg6[%add3A_701, %and3A_61] : memref<1024x16xf32, #tpu.memory_space<vmem>>[vector<16xi32>, vector<16xi32>], vector<16xf32>,
        %gather3A_712 = tpu.vector_load_idx %arg6[%add3A_701, %and3A_67] : memref<1024x16xf32, #tpu.memory_space<vmem>>[vector<16xi32>, vector<16xi32>], vector<16xf32>,
        %gather3A_713 = tpu.vector_load_idx %arg6[%add3A_701, %and3A_73] : memref<1024x16xf32, #tpu.memory_space<vmem>>[vector<16xi32>, vector<16xi32>], vector<16xf32>,
        %gather3A_714 = tpu.vector_load_idx %arg6[%add3A_701, %and3A_79] : memref<1024x16xf32, #tpu.memory_space<vmem>>[vector<16xi32>, vector<16xi32>], vector<16xf32>,
        %gather3A_715 = tpu.vector_load_idx %arg6[%add3A_701, %and3A_85] : memref<1024x16xf32, #tpu.memory_space<vmem>>[vector<16xi32>, vector<16xi32>], vector<16xf32>,
        %gather3A_716 = tpu.vector_load_idx %arg6[%add3A_701, %and3A_91] : memref<1024x16xf32, #tpu.memory_space<vmem>>[vector<16xi32>, vector<16xi32>], vector<16xf32>,
        %gather3A_717 = tpu.vector_load_idx %arg6[%add3A_701, %and3A_97] : memref<1024x16xf32, #tpu.memory_space<vmem>>[vector<16xi32>, vector<16xi32>], vector<16xf32>,
        %add3A_718 = vector.broadcast %add3A_699 : i32 to vector<16xi32>
        %add3A_719 = arith.addi %add3A_110, %add3A_718 : vector<16xi32>
        tpu.vector_store_idx %arg8[%add3A_719], %gather3A_702 : memref<16384xf32, #tpu.memory_space<vmem>>[vector<16xi32>], vector<16xf32>,
        %add3A_720 = vector.broadcast %add3A_699 : i32 to vector<16xi32>
        %add3A_721 = arith.addi %add3A_124, %add3A_720 : vector<16xi32>
        tpu.vector_store_idx %arg8[%add3A_721], %gather3A_703 : memref<16384xf32, #tpu.memory_space<vmem>>[vector<16xi32>], vector<16xf32>,
        %add3A_722 = vector.broadcast %add3A_699 : i32 to vector<16xi32>
        %add3A_723 = arith.addi %add3A_138, %add3A_722 : vector<16xi32>
        tpu.vector_store_idx %arg8[%add3A_723], %gather3A_704 : memref<16384xf32, #tpu.memory_space<vmem>>[vector<16xi32>], vector<16xf32>,
        %add3A_724 = vector.broadcast %add3A_699 : i32 to vector<16xi32>
        %add3A_725 = arith.addi %add3A_152, %add3A_724 : vector<16xi32>
        tpu.vector_store_idx %arg8[%add3A_725], %gather3A_705 : memref<16384xf32, #tpu.memory_space<vmem>>[vector<16xi32>], vector<16xf32>,
        %add3A_726 = vector.broadcast %add3A_699 : i32 to vector<16xi32>
        %add3A_727 = arith.addi %add3A_166, %add3A_726 : vector<16xi32>
        tpu.vector_store_idx %arg8[%add3A_727], %gather3A_706 : memref<16384xf32, #tpu.memory_space<vmem>>[vector<16xi32>], vector<16xf32>,
        %add3A_728 = vector.broadcast %add3A_699 : i32 to vector<16xi32>
        %add3A_729 = arith.addi %add3A_180, %add3A_728 : vector<16xi32>
        tpu.vector_store_idx %arg8[%add3A_729], %gather3A_707 : memref<16384xf32, #tpu.memory_space<vmem>>[vector<16xi32>], vector<16xf32>,
        %add3A_730 = vector.broadcast %add3A_699 : i32 to vector<16xi32>
        %add3A_731 = arith.addi %add3A_194, %add3A_730 : vector<16xi32>
        tpu.vector_store_idx %arg8[%add3A_731], %gather3A_708 : memref<16384xf32, #tpu.memory_space<vmem>>[vector<16xi32>], vector<16xf32>,
        %add3A_732 = vector.broadcast %add3A_699 : i32 to vector<16xi32>
        %add3A_733 = arith.addi %add3A_208, %add3A_732 : vector<16xi32>
        tpu.vector_store_idx %arg8[%add3A_733], %gather3A_709 : memref<16384xf32, #tpu.memory_space<vmem>>[vector<16xi32>], vector<16xf32>,
        %add3A_734 = vector.broadcast %add3A_699 : i32 to vector<16xi32>
        %add3A_735 = arith.addi %add3A_222, %add3A_734 : vector<16xi32>
        tpu.vector_store_idx %arg8[%add3A_735], %gather3A_710 : memref<16384xf32, #tpu.memory_space<vmem>>[vector<16xi32>], vector<16xf32>,
        %add3A_736 = vector.broadcast %add3A_699 : i32 to vector<16xi32>
        %add3A_737 = arith.addi %add3A_236, %add3A_736 : vector<16xi32>
        tpu.vector_store_idx %arg8[%add3A_737], %gather3A_711 : memref<16384xf32, #tpu.memory_space<vmem>>[vector<16xi32>], vector<16xf32>,
        %add3A_738 = vector.broadcast %add3A_699 : i32 to vector<16xi32>
        %add3A_739 = arith.addi %add3A_250, %add3A_738 : vector<16xi32>
        tpu.vector_store_idx %arg8[%add3A_739], %gather3A_712 : memref<16384xf32, #tpu.memory_space<vmem>>[vector<16xi32>], vector<16xf32>,
        %add3A_740 = vector.broadcast %add3A_699 : i32 to vector<16xi32>
        %add3A_741 = arith.addi %add3A_264, %add3A_740 : vector<16xi32>
        tpu.vector_store_idx %arg8[%add3A_741], %gather3A_713 : memref<16384xf32, #tpu.memory_space<vmem>>[vector<16xi32>], vector<16xf32>,
        %add3A_742 = vector.broadcast %add3A_699 : i32 to vector<16xi32>
        %add3A_743 = arith.addi %add3A_278, %add3A_742 : vector<16xi32>
        tpu.vector_store_idx %arg8[%add3A_743], %gather3A_714 : memref<16384xf32, #tpu.memory_space<vmem>>[vector<16xi32>], vector<16xf32>,
        %add3A_744 = vector.broadcast %add3A_699 : i32 to vector<16xi32>
        %add3A_745 = arith.addi %add3A_292, %add3A_744 : vector<16xi32>
        tpu.vector_store_idx %arg8[%add3A_745], %gather3A_715 : memref<16384xf32, #tpu.memory_space<vmem>>[vector<16xi32>], vector<16xf32>,
        %add3A_746 = vector.broadcast %add3A_699 : i32 to vector<16xi32>
        %add3A_747 = arith.addi %add3A_306, %add3A_746 : vector<16xi32>
        tpu.vector_store_idx %arg8[%add3A_747], %gather3A_716 : memref<16384xf32, #tpu.memory_space<vmem>>[vector<16xi32>], vector<16xf32>,
        %add3A_748 = vector.broadcast %add3A_699 : i32 to vector<16xi32>
        %add3A_749 = arith.addi %add3A_320, %add3A_748 : vector<16xi32>
        tpu.vector_store_idx %arg8[%add3A_749], %gather3A_717 : memref<16384xf32, #tpu.memory_space<vmem>>[vector<16xi32>], vector<16xf32>,
        %mul3A_750 = arith.constant 128 : i32
        %mul3A_751 = arith.muli %scan3A_518, %mul3A_750 : i32
        %add3A_752 = arith.constant 64 : i32
        %add3A_753 = arith.addi %mul3A_751, %add3A_752 : i32
        %mul3A_754 = arith.constant 1024 : i32
        %mul3A_755 = arith.muli %scan3A_518, %mul3A_754 : i32
        %add3A_756 = arith.constant 64 : i32
        %add3A_757 = arith.addi %mul3A_755, %add3A_756 : i32
        %add3A_758 = vector.broadcast %add3A_753 : i32 to vector<16xi32>
        %add3A_759 = arith.addi %iota3A, %add3A_758 : vector<16xi32>
        %gather3A_760 = tpu.vector_load_idx %arg6[%add3A_759, %and3A_7] : memref<1024x16xf32, #tpu.memory_space<vmem>>[vector<16xi32>, vector<16xi32>], vector<16xf32>,
        %gather3A_761 = tpu.vector_load_idx %arg6[%add3A_759, %and3A_13] : memref<1024x16xf32, #tpu.memory_space<vmem>>[vector<16xi32>, vector<16xi32>], vector<16xf32>,
        %gather3A_762 = tpu.vector_load_idx %arg6[%add3A_759, %and3A_19] : memref<1024x16xf32, #tpu.memory_space<vmem>>[vector<16xi32>, vector<16xi32>], vector<16xf32>,
        %gather3A_763 = tpu.vector_load_idx %arg6[%add3A_759, %and3A_25] : memref<1024x16xf32, #tpu.memory_space<vmem>>[vector<16xi32>, vector<16xi32>], vector<16xf32>,
        %gather3A_764 = tpu.vector_load_idx %arg6[%add3A_759, %and3A_31] : memref<1024x16xf32, #tpu.memory_space<vmem>>[vector<16xi32>, vector<16xi32>], vector<16xf32>,
        %gather3A_765 = tpu.vector_load_idx %arg6[%add3A_759, %and3A_37] : memref<1024x16xf32, #tpu.memory_space<vmem>>[vector<16xi32>, vector<16xi32>], vector<16xf32>,
        %gather3A_766 = tpu.vector_load_idx %arg6[%add3A_759, %and3A_43] : memref<1024x16xf32, #tpu.memory_space<vmem>>[vector<16xi32>, vector<16xi32>], vector<16xf32>,
        %gather3A_767 = tpu.vector_load_idx %arg6[%add3A_759, %and3A_49] : memref<1024x16xf32, #tpu.memory_space<vmem>>[vector<16xi32>, vector<16xi32>], vector<16xf32>,
        %gather3A_768 = tpu.vector_load_idx %arg6[%add3A_759, %and3A_55] : memref<1024x16xf32, #tpu.memory_space<vmem>>[vector<16xi32>, vector<16xi32>], vector<16xf32>,
        %gather3A_769 = tpu.vector_load_idx %arg6[%add3A_759, %and3A_61] : memref<1024x16xf32, #tpu.memory_space<vmem>>[vector<16xi32>, vector<16xi32>], vector<16xf32>,
        %gather3A_770 = tpu.vector_load_idx %arg6[%add3A_759, %and3A_67] : memref<1024x16xf32, #tpu.memory_space<vmem>>[vector<16xi32>, vector<16xi32>], vector<16xf32>,
        %gather3A_771 = tpu.vector_load_idx %arg6[%add3A_759, %and3A_73] : memref<1024x16xf32, #tpu.memory_space<vmem>>[vector<16xi32>, vector<16xi32>], vector<16xf32>,
        %gather3A_772 = tpu.vector_load_idx %arg6[%add3A_759, %and3A_79] : memref<1024x16xf32, #tpu.memory_space<vmem>>[vector<16xi32>, vector<16xi32>], vector<16xf32>,
        %gather3A_773 = tpu.vector_load_idx %arg6[%add3A_759, %and3A_85] : memref<1024x16xf32, #tpu.memory_space<vmem>>[vector<16xi32>, vector<16xi32>], vector<16xf32>,
        %gather3A_774 = tpu.vector_load_idx %arg6[%add3A_759, %and3A_91] : memref<1024x16xf32, #tpu.memory_space<vmem>>[vector<16xi32>, vector<16xi32>], vector<16xf32>,
        %gather3A_775 = tpu.vector_load_idx %arg6[%add3A_759, %and3A_97] : memref<1024x16xf32, #tpu.memory_space<vmem>>[vector<16xi32>, vector<16xi32>], vector<16xf32>,
        %add3A_776 = vector.broadcast %add3A_757 : i32 to vector<16xi32>
        %add3A_777 = arith.addi %add3A_110, %add3A_776 : vector<16xi32>
        tpu.vector_store_idx %arg8[%add3A_777], %gather3A_760 : memref<16384xf32, #tpu.memory_space<vmem>>[vector<16xi32>], vector<16xf32>,
        %add3A_778 = vector.broadcast %add3A_757 : i32 to vector<16xi32>
        %add3A_779 = arith.addi %add3A_124, %add3A_778 : vector<16xi32>
        tpu.vector_store_idx %arg8[%add3A_779], %gather3A_761 : memref<16384xf32, #tpu.memory_space<vmem>>[vector<16xi32>], vector<16xf32>,
        %add3A_780 = vector.broadcast %add3A_757 : i32 to vector<16xi32>
        %add3A_781 = arith.addi %add3A_138, %add3A_780 : vector<16xi32>
        tpu.vector_store_idx %arg8[%add3A_781], %gather3A_762 : memref<16384xf32, #tpu.memory_space<vmem>>[vector<16xi32>], vector<16xf32>,
        %add3A_782 = vector.broadcast %add3A_757 : i32 to vector<16xi32>
        %add3A_783 = arith.addi %add3A_152, %add3A_782 : vector<16xi32>
        tpu.vector_store_idx %arg8[%add3A_783], %gather3A_763 : memref<16384xf32, #tpu.memory_space<vmem>>[vector<16xi32>], vector<16xf32>,
        %add3A_784 = vector.broadcast %add3A_757 : i32 to vector<16xi32>
        %add3A_785 = arith.addi %add3A_166, %add3A_784 : vector<16xi32>
        tpu.vector_store_idx %arg8[%add3A_785], %gather3A_764 : memref<16384xf32, #tpu.memory_space<vmem>>[vector<16xi32>], vector<16xf32>,
        %add3A_786 = vector.broadcast %add3A_757 : i32 to vector<16xi32>
        %add3A_787 = arith.addi %add3A_180, %add3A_786 : vector<16xi32>
        tpu.vector_store_idx %arg8[%add3A_787], %gather3A_765 : memref<16384xf32, #tpu.memory_space<vmem>>[vector<16xi32>], vector<16xf32>,
        %add3A_788 = vector.broadcast %add3A_757 : i32 to vector<16xi32>
        %add3A_789 = arith.addi %add3A_194, %add3A_788 : vector<16xi32>
        tpu.vector_store_idx %arg8[%add3A_789], %gather3A_766 : memref<16384xf32, #tpu.memory_space<vmem>>[vector<16xi32>], vector<16xf32>,
        %add3A_790 = vector.broadcast %add3A_757 : i32 to vector<16xi32>
        %add3A_791 = arith.addi %add3A_208, %add3A_790 : vector<16xi32>
        tpu.vector_store_idx %arg8[%add3A_791], %gather3A_767 : memref<16384xf32, #tpu.memory_space<vmem>>[vector<16xi32>], vector<16xf32>,
        %add3A_792 = vector.broadcast %add3A_757 : i32 to vector<16xi32>
        %add3A_793 = arith.addi %add3A_222, %add3A_792 : vector<16xi32>
        tpu.vector_store_idx %arg8[%add3A_793], %gather3A_768 : memref<16384xf32, #tpu.memory_space<vmem>>[vector<16xi32>], vector<16xf32>,
        %add3A_794 = vector.broadcast %add3A_757 : i32 to vector<16xi32>
        %add3A_795 = arith.addi %add3A_236, %add3A_794 : vector<16xi32>
        tpu.vector_store_idx %arg8[%add3A_795], %gather3A_769 : memref<16384xf32, #tpu.memory_space<vmem>>[vector<16xi32>], vector<16xf32>,
        %add3A_796 = vector.broadcast %add3A_757 : i32 to vector<16xi32>
        %add3A_797 = arith.addi %add3A_250, %add3A_796 : vector<16xi32>
        tpu.vector_store_idx %arg8[%add3A_797], %gather3A_770 : memref<16384xf32, #tpu.memory_space<vmem>>[vector<16xi32>], vector<16xf32>,
        %add3A_798 = vector.broadcast %add3A_757 : i32 to vector<16xi32>
        %add3A_799 = arith.addi %add3A_264, %add3A_798 : vector<16xi32>
        tpu.vector_store_idx %arg8[%add3A_799], %gather3A_771 : memref<16384xf32, #tpu.memory_space<vmem>>[vector<16xi32>], vector<16xf32>,
        %add3A_800 = vector.broadcast %add3A_757 : i32 to vector<16xi32>
        %add3A_801 = arith.addi %add3A_278, %add3A_800 : vector<16xi32>
        tpu.vector_store_idx %arg8[%add3A_801], %gather3A_772 : memref<16384xf32, #tpu.memory_space<vmem>>[vector<16xi32>], vector<16xf32>,
        %add3A_802 = vector.broadcast %add3A_757 : i32 to vector<16xi32>
        %add3A_803 = arith.addi %add3A_292, %add3A_802 : vector<16xi32>
        tpu.vector_store_idx %arg8[%add3A_803], %gather3A_773 : memref<16384xf32, #tpu.memory_space<vmem>>[vector<16xi32>], vector<16xf32>,
        %add3A_804 = vector.broadcast %add3A_757 : i32 to vector<16xi32>
        %add3A_805 = arith.addi %add3A_306, %add3A_804 : vector<16xi32>
        tpu.vector_store_idx %arg8[%add3A_805], %gather3A_774 : memref<16384xf32, #tpu.memory_space<vmem>>[vector<16xi32>], vector<16xf32>,
        %add3A_806 = vector.broadcast %add3A_757 : i32 to vector<16xi32>
        %add3A_807 = arith.addi %add3A_320, %add3A_806 : vector<16xi32>
        tpu.vector_store_idx %arg8[%add3A_807], %gather3A_775 : memref<16384xf32, #tpu.memory_space<vmem>>[vector<16xi32>], vector<16xf32>,
        %mul3A_808 = arith.constant 128 : i32
        %mul3A_809 = arith.muli %scan3A_518, %mul3A_808 : i32
        %add3A_810 = arith.constant 80 : i32
        %add3A_811 = arith.addi %mul3A_809, %add3A_810 : i32
        %mul3A_812 = arith.constant 1024 : i32
        %mul3A_813 = arith.muli %scan3A_518, %mul3A_812 : i32
        %add3A_814 = arith.constant 80 : i32
        %add3A_815 = arith.addi %mul3A_813, %add3A_814 : i32
        %add3A_816 = vector.broadcast %add3A_811 : i32 to vector<16xi32>
        %add3A_817 = arith.addi %iota3A, %add3A_816 : vector<16xi32>
        %gather3A_818 = tpu.vector_load_idx %arg6[%add3A_817, %and3A_7] : memref<1024x16xf32, #tpu.memory_space<vmem>>[vector<16xi32>, vector<16xi32>], vector<16xf32>,
        %gather3A_819 = tpu.vector_load_idx %arg6[%add3A_817, %and3A_13] : memref<1024x16xf32, #tpu.memory_space<vmem>>[vector<16xi32>, vector<16xi32>], vector<16xf32>,
        %gather3A_820 = tpu.vector_load_idx %arg6[%add3A_817, %and3A_19] : memref<1024x16xf32, #tpu.memory_space<vmem>>[vector<16xi32>, vector<16xi32>], vector<16xf32>,
        %gather3A_821 = tpu.vector_load_idx %arg6[%add3A_817, %and3A_25] : memref<1024x16xf32, #tpu.memory_space<vmem>>[vector<16xi32>, vector<16xi32>], vector<16xf32>,
        %gather3A_822 = tpu.vector_load_idx %arg6[%add3A_817, %and3A_31] : memref<1024x16xf32, #tpu.memory_space<vmem>>[vector<16xi32>, vector<16xi32>], vector<16xf32>,
        %gather3A_823 = tpu.vector_load_idx %arg6[%add3A_817, %and3A_37] : memref<1024x16xf32, #tpu.memory_space<vmem>>[vector<16xi32>, vector<16xi32>], vector<16xf32>,
        %gather3A_824 = tpu.vector_load_idx %arg6[%add3A_817, %and3A_43] : memref<1024x16xf32, #tpu.memory_space<vmem>>[vector<16xi32>, vector<16xi32>], vector<16xf32>,
        %gather3A_825 = tpu.vector_load_idx %arg6[%add3A_817, %and3A_49] : memref<1024x16xf32, #tpu.memory_space<vmem>>[vector<16xi32>, vector<16xi32>], vector<16xf32>,
        %gather3A_826 = tpu.vector_load_idx %arg6[%add3A_817, %and3A_55] : memref<1024x16xf32, #tpu.memory_space<vmem>>[vector<16xi32>, vector<16xi32>], vector<16xf32>,
        %gather3A_827 = tpu.vector_load_idx %arg6[%add3A_817, %and3A_61] : memref<1024x16xf32, #tpu.memory_space<vmem>>[vector<16xi32>, vector<16xi32>], vector<16xf32>,
        %gather3A_828 = tpu.vector_load_idx %arg6[%add3A_817, %and3A_67] : memref<1024x16xf32, #tpu.memory_space<vmem>>[vector<16xi32>, vector<16xi32>], vector<16xf32>,
        %gather3A_829 = tpu.vector_load_idx %arg6[%add3A_817, %and3A_73] : memref<1024x16xf32, #tpu.memory_space<vmem>>[vector<16xi32>, vector<16xi32>], vector<16xf32>,
        %gather3A_830 = tpu.vector_load_idx %arg6[%add3A_817, %and3A_79] : memref<1024x16xf32, #tpu.memory_space<vmem>>[vector<16xi32>, vector<16xi32>], vector<16xf32>,
        %gather3A_831 = tpu.vector_load_idx %arg6[%add3A_817, %and3A_85] : memref<1024x16xf32, #tpu.memory_space<vmem>>[vector<16xi32>, vector<16xi32>], vector<16xf32>,
        %gather3A_832 = tpu.vector_load_idx %arg6[%add3A_817, %and3A_91] : memref<1024x16xf32, #tpu.memory_space<vmem>>[vector<16xi32>, vector<16xi32>], vector<16xf32>,
        %gather3A_833 = tpu.vector_load_idx %arg6[%add3A_817, %and3A_97] : memref<1024x16xf32, #tpu.memory_space<vmem>>[vector<16xi32>, vector<16xi32>], vector<16xf32>,
        %add3A_834 = vector.broadcast %add3A_815 : i32 to vector<16xi32>
        %add3A_835 = arith.addi %add3A_110, %add3A_834 : vector<16xi32>
        tpu.vector_store_idx %arg8[%add3A_835], %gather3A_818 : memref<16384xf32, #tpu.memory_space<vmem>>[vector<16xi32>], vector<16xf32>,
        %add3A_836 = vector.broadcast %add3A_815 : i32 to vector<16xi32>
        %add3A_837 = arith.addi %add3A_124, %add3A_836 : vector<16xi32>
        tpu.vector_store_idx %arg8[%add3A_837], %gather3A_819 : memref<16384xf32, #tpu.memory_space<vmem>>[vector<16xi32>], vector<16xf32>,
        %add3A_838 = vector.broadcast %add3A_815 : i32 to vector<16xi32>
        %add3A_839 = arith.addi %add3A_138, %add3A_838 : vector<16xi32>
        tpu.vector_store_idx %arg8[%add3A_839], %gather3A_820 : memref<16384xf32, #tpu.memory_space<vmem>>[vector<16xi32>], vector<16xf32>,
        %add3A_840 = vector.broadcast %add3A_815 : i32 to vector<16xi32>
        %add3A_841 = arith.addi %add3A_152, %add3A_840 : vector<16xi32>
        tpu.vector_store_idx %arg8[%add3A_841], %gather3A_821 : memref<16384xf32, #tpu.memory_space<vmem>>[vector<16xi32>], vector<16xf32>,
        %add3A_842 = vector.broadcast %add3A_815 : i32 to vector<16xi32>
        %add3A_843 = arith.addi %add3A_166, %add3A_842 : vector<16xi32>
        tpu.vector_store_idx %arg8[%add3A_843], %gather3A_822 : memref<16384xf32, #tpu.memory_space<vmem>>[vector<16xi32>], vector<16xf32>,
        %add3A_844 = vector.broadcast %add3A_815 : i32 to vector<16xi32>
        %add3A_845 = arith.addi %add3A_180, %add3A_844 : vector<16xi32>
        tpu.vector_store_idx %arg8[%add3A_845], %gather3A_823 : memref<16384xf32, #tpu.memory_space<vmem>>[vector<16xi32>], vector<16xf32>,
        %add3A_846 = vector.broadcast %add3A_815 : i32 to vector<16xi32>
        %add3A_847 = arith.addi %add3A_194, %add3A_846 : vector<16xi32>
        tpu.vector_store_idx %arg8[%add3A_847], %gather3A_824 : memref<16384xf32, #tpu.memory_space<vmem>>[vector<16xi32>], vector<16xf32>,
        %add3A_848 = vector.broadcast %add3A_815 : i32 to vector<16xi32>
        %add3A_849 = arith.addi %add3A_208, %add3A_848 : vector<16xi32>
        tpu.vector_store_idx %arg8[%add3A_849], %gather3A_825 : memref<16384xf32, #tpu.memory_space<vmem>>[vector<16xi32>], vector<16xf32>,
        %add3A_850 = vector.broadcast %add3A_815 : i32 to vector<16xi32>
        %add3A_851 = arith.addi %add3A_222, %add3A_850 : vector<16xi32>
        tpu.vector_store_idx %arg8[%add3A_851], %gather3A_826 : memref<16384xf32, #tpu.memory_space<vmem>>[vector<16xi32>], vector<16xf32>,
        %add3A_852 = vector.broadcast %add3A_815 : i32 to vector<16xi32>
        %add3A_853 = arith.addi %add3A_236, %add3A_852 : vector<16xi32>
        tpu.vector_store_idx %arg8[%add3A_853], %gather3A_827 : memref<16384xf32, #tpu.memory_space<vmem>>[vector<16xi32>], vector<16xf32>,
        %add3A_854 = vector.broadcast %add3A_815 : i32 to vector<16xi32>
        %add3A_855 = arith.addi %add3A_250, %add3A_854 : vector<16xi32>
        tpu.vector_store_idx %arg8[%add3A_855], %gather3A_828 : memref<16384xf32, #tpu.memory_space<vmem>>[vector<16xi32>], vector<16xf32>,
        %add3A_856 = vector.broadcast %add3A_815 : i32 to vector<16xi32>
        %add3A_857 = arith.addi %add3A_264, %add3A_856 : vector<16xi32>
        tpu.vector_store_idx %arg8[%add3A_857], %gather3A_829 : memref<16384xf32, #tpu.memory_space<vmem>>[vector<16xi32>], vector<16xf32>,
        %add3A_858 = vector.broadcast %add3A_815 : i32 to vector<16xi32>
        %add3A_859 = arith.addi %add3A_278, %add3A_858 : vector<16xi32>
        tpu.vector_store_idx %arg8[%add3A_859], %gather3A_830 : memref<16384xf32, #tpu.memory_space<vmem>>[vector<16xi32>], vector<16xf32>,
        %add3A_860 = vector.broadcast %add3A_815 : i32 to vector<16xi32>
        %add3A_861 = arith.addi %add3A_292, %add3A_860 : vector<16xi32>
        tpu.vector_store_idx %arg8[%add3A_861], %gather3A_831 : memref<16384xf32, #tpu.memory_space<vmem>>[vector<16xi32>], vector<16xf32>,
        %add3A_862 = vector.broadcast %add3A_815 : i32 to vector<16xi32>
        %add3A_863 = arith.addi %add3A_306, %add3A_862 : vector<16xi32>
        tpu.vector_store_idx %arg8[%add3A_863], %gather3A_832 : memref<16384xf32, #tpu.memory_space<vmem>>[vector<16xi32>], vector<16xf32>,
        %add3A_864 = vector.broadcast %add3A_815 : i32 to vector<16xi32>
        %add3A_865 = arith.addi %add3A_320, %add3A_864 : vector<16xi32>
        tpu.vector_store_idx %arg8[%add3A_865], %gather3A_833 : memref<16384xf32, #tpu.memory_space<vmem>>[vector<16xi32>], vector<16xf32>,
        %mul3A_866 = arith.constant 128 : i32
        %mul3A_867 = arith.muli %scan3A_518, %mul3A_866 : i32
        %add3A_868 = arith.constant 96 : i32
        %add3A_869 = arith.addi %mul3A_867, %add3A_868 : i32
        %mul3A_870 = arith.constant 1024 : i32
        %mul3A_871 = arith.muli %scan3A_518, %mul3A_870 : i32
        %add3A_872 = arith.constant 96 : i32
        %add3A_873 = arith.addi %mul3A_871, %add3A_872 : i32
        %add3A_874 = vector.broadcast %add3A_869 : i32 to vector<16xi32>
        %add3A_875 = arith.addi %iota3A, %add3A_874 : vector<16xi32>
        %gather3A_876 = tpu.vector_load_idx %arg6[%add3A_875, %and3A_7] : memref<1024x16xf32, #tpu.memory_space<vmem>>[vector<16xi32>, vector<16xi32>], vector<16xf32>,
        %gather3A_877 = tpu.vector_load_idx %arg6[%add3A_875, %and3A_13] : memref<1024x16xf32, #tpu.memory_space<vmem>>[vector<16xi32>, vector<16xi32>], vector<16xf32>,
        %gather3A_878 = tpu.vector_load_idx %arg6[%add3A_875, %and3A_19] : memref<1024x16xf32, #tpu.memory_space<vmem>>[vector<16xi32>, vector<16xi32>], vector<16xf32>,
        %gather3A_879 = tpu.vector_load_idx %arg6[%add3A_875, %and3A_25] : memref<1024x16xf32, #tpu.memory_space<vmem>>[vector<16xi32>, vector<16xi32>], vector<16xf32>,
        %gather3A_880 = tpu.vector_load_idx %arg6[%add3A_875, %and3A_31] : memref<1024x16xf32, #tpu.memory_space<vmem>>[vector<16xi32>, vector<16xi32>], vector<16xf32>,
        %gather3A_881 = tpu.vector_load_idx %arg6[%add3A_875, %and3A_37] : memref<1024x16xf32, #tpu.memory_space<vmem>>[vector<16xi32>, vector<16xi32>], vector<16xf32>,
        %gather3A_882 = tpu.vector_load_idx %arg6[%add3A_875, %and3A_43] : memref<1024x16xf32, #tpu.memory_space<vmem>>[vector<16xi32>, vector<16xi32>], vector<16xf32>,
        %gather3A_883 = tpu.vector_load_idx %arg6[%add3A_875, %and3A_49] : memref<1024x16xf32, #tpu.memory_space<vmem>>[vector<16xi32>, vector<16xi32>], vector<16xf32>,
        %gather3A_884 = tpu.vector_load_idx %arg6[%add3A_875, %and3A_55] : memref<1024x16xf32, #tpu.memory_space<vmem>>[vector<16xi32>, vector<16xi32>], vector<16xf32>,
        %gather3A_885 = tpu.vector_load_idx %arg6[%add3A_875, %and3A_61] : memref<1024x16xf32, #tpu.memory_space<vmem>>[vector<16xi32>, vector<16xi32>], vector<16xf32>,
        %gather3A_886 = tpu.vector_load_idx %arg6[%add3A_875, %and3A_67] : memref<1024x16xf32, #tpu.memory_space<vmem>>[vector<16xi32>, vector<16xi32>], vector<16xf32>,
        %gather3A_887 = tpu.vector_load_idx %arg6[%add3A_875, %and3A_73] : memref<1024x16xf32, #tpu.memory_space<vmem>>[vector<16xi32>, vector<16xi32>], vector<16xf32>,
        %gather3A_888 = tpu.vector_load_idx %arg6[%add3A_875, %and3A_79] : memref<1024x16xf32, #tpu.memory_space<vmem>>[vector<16xi32>, vector<16xi32>], vector<16xf32>,
        %gather3A_889 = tpu.vector_load_idx %arg6[%add3A_875, %and3A_85] : memref<1024x16xf32, #tpu.memory_space<vmem>>[vector<16xi32>, vector<16xi32>], vector<16xf32>,
        %gather3A_890 = tpu.vector_load_idx %arg6[%add3A_875, %and3A_91] : memref<1024x16xf32, #tpu.memory_space<vmem>>[vector<16xi32>, vector<16xi32>], vector<16xf32>,
        %gather3A_891 = tpu.vector_load_idx %arg6[%add3A_875, %and3A_97] : memref<1024x16xf32, #tpu.memory_space<vmem>>[vector<16xi32>, vector<16xi32>], vector<16xf32>,
        %add3A_892 = vector.broadcast %add3A_873 : i32 to vector<16xi32>
        %add3A_893 = arith.addi %add3A_110, %add3A_892 : vector<16xi32>
        tpu.vector_store_idx %arg8[%add3A_893], %gather3A_876 : memref<16384xf32, #tpu.memory_space<vmem>>[vector<16xi32>], vector<16xf32>,
        %add3A_894 = vector.broadcast %add3A_873 : i32 to vector<16xi32>
        %add3A_895 = arith.addi %add3A_124, %add3A_894 : vector<16xi32>
        tpu.vector_store_idx %arg8[%add3A_895], %gather3A_877 : memref<16384xf32, #tpu.memory_space<vmem>>[vector<16xi32>], vector<16xf32>,
        %add3A_896 = vector.broadcast %add3A_873 : i32 to vector<16xi32>
        %add3A_897 = arith.addi %add3A_138, %add3A_896 : vector<16xi32>
        tpu.vector_store_idx %arg8[%add3A_897], %gather3A_878 : memref<16384xf32, #tpu.memory_space<vmem>>[vector<16xi32>], vector<16xf32>,
        %add3A_898 = vector.broadcast %add3A_873 : i32 to vector<16xi32>
        %add3A_899 = arith.addi %add3A_152, %add3A_898 : vector<16xi32>
        tpu.vector_store_idx %arg8[%add3A_899], %gather3A_879 : memref<16384xf32, #tpu.memory_space<vmem>>[vector<16xi32>], vector<16xf32>,
        %add3A_900 = vector.broadcast %add3A_873 : i32 to vector<16xi32>
        %add3A_901 = arith.addi %add3A_166, %add3A_900 : vector<16xi32>
        tpu.vector_store_idx %arg8[%add3A_901], %gather3A_880 : memref<16384xf32, #tpu.memory_space<vmem>>[vector<16xi32>], vector<16xf32>,
        %add3A_902 = vector.broadcast %add3A_873 : i32 to vector<16xi32>
        %add3A_903 = arith.addi %add3A_180, %add3A_902 : vector<16xi32>
        tpu.vector_store_idx %arg8[%add3A_903], %gather3A_881 : memref<16384xf32, #tpu.memory_space<vmem>>[vector<16xi32>], vector<16xf32>,
        %add3A_904 = vector.broadcast %add3A_873 : i32 to vector<16xi32>
        %add3A_905 = arith.addi %add3A_194, %add3A_904 : vector<16xi32>
        tpu.vector_store_idx %arg8[%add3A_905], %gather3A_882 : memref<16384xf32, #tpu.memory_space<vmem>>[vector<16xi32>], vector<16xf32>,
        %add3A_906 = vector.broadcast %add3A_873 : i32 to vector<16xi32>
        %add3A_907 = arith.addi %add3A_208, %add3A_906 : vector<16xi32>
        tpu.vector_store_idx %arg8[%add3A_907], %gather3A_883 : memref<16384xf32, #tpu.memory_space<vmem>>[vector<16xi32>], vector<16xf32>,
        %add3A_908 = vector.broadcast %add3A_873 : i32 to vector<16xi32>
        %add3A_909 = arith.addi %add3A_222, %add3A_908 : vector<16xi32>
        tpu.vector_store_idx %arg8[%add3A_909], %gather3A_884 : memref<16384xf32, #tpu.memory_space<vmem>>[vector<16xi32>], vector<16xf32>,
        %add3A_910 = vector.broadcast %add3A_873 : i32 to vector<16xi32>
        %add3A_911 = arith.addi %add3A_236, %add3A_910 : vector<16xi32>
        tpu.vector_store_idx %arg8[%add3A_911], %gather3A_885 : memref<16384xf32, #tpu.memory_space<vmem>>[vector<16xi32>], vector<16xf32>,
        %add3A_912 = vector.broadcast %add3A_873 : i32 to vector<16xi32>
        %add3A_913 = arith.addi %add3A_250, %add3A_912 : vector<16xi32>
        tpu.vector_store_idx %arg8[%add3A_913], %gather3A_886 : memref<16384xf32, #tpu.memory_space<vmem>>[vector<16xi32>], vector<16xf32>,
        %add3A_914 = vector.broadcast %add3A_873 : i32 to vector<16xi32>
        %add3A_915 = arith.addi %add3A_264, %add3A_914 : vector<16xi32>
        tpu.vector_store_idx %arg8[%add3A_915], %gather3A_887 : memref<16384xf32, #tpu.memory_space<vmem>>[vector<16xi32>], vector<16xf32>,
        %add3A_916 = vector.broadcast %add3A_873 : i32 to vector<16xi32>
        %add3A_917 = arith.addi %add3A_278, %add3A_916 : vector<16xi32>
        tpu.vector_store_idx %arg8[%add3A_917], %gather3A_888 : memref<16384xf32, #tpu.memory_space<vmem>>[vector<16xi32>], vector<16xf32>,
        %add3A_918 = vector.broadcast %add3A_873 : i32 to vector<16xi32>
        %add3A_919 = arith.addi %add3A_292, %add3A_918 : vector<16xi32>
        tpu.vector_store_idx %arg8[%add3A_919], %gather3A_889 : memref<16384xf32, #tpu.memory_space<vmem>>[vector<16xi32>], vector<16xf32>,
        %add3A_920 = vector.broadcast %add3A_873 : i32 to vector<16xi32>
        %add3A_921 = arith.addi %add3A_306, %add3A_920 : vector<16xi32>
        tpu.vector_store_idx %arg8[%add3A_921], %gather3A_890 : memref<16384xf32, #tpu.memory_space<vmem>>[vector<16xi32>], vector<16xf32>,
        %add3A_922 = vector.broadcast %add3A_873 : i32 to vector<16xi32>
        %add3A_923 = arith.addi %add3A_320, %add3A_922 : vector<16xi32>
        tpu.vector_store_idx %arg8[%add3A_923], %gather3A_891 : memref<16384xf32, #tpu.memory_space<vmem>>[vector<16xi32>], vector<16xf32>,
        %mul3A_924 = arith.constant 128 : i32
        %mul3A_925 = arith.muli %scan3A_518, %mul3A_924 : i32
        %add3A_926 = arith.constant 112 : i32
        %add3A_927 = arith.addi %mul3A_925, %add3A_926 : i32
        %mul3A_928 = arith.constant 1024 : i32
        %mul3A_929 = arith.muli %scan3A_518, %mul3A_928 : i32
        %add3A_930 = arith.constant 112 : i32
        %add3A_931 = arith.addi %mul3A_929, %add3A_930 : i32
        %add3A_932 = vector.broadcast %add3A_927 : i32 to vector<16xi32>
        %add3A_933 = arith.addi %iota3A, %add3A_932 : vector<16xi32>
        %gather3A_934 = tpu.vector_load_idx %arg6[%add3A_933, %and3A_7] : memref<1024x16xf32, #tpu.memory_space<vmem>>[vector<16xi32>, vector<16xi32>], vector<16xf32>,
        %gather3A_935 = tpu.vector_load_idx %arg6[%add3A_933, %and3A_13] : memref<1024x16xf32, #tpu.memory_space<vmem>>[vector<16xi32>, vector<16xi32>], vector<16xf32>,
        %gather3A_936 = tpu.vector_load_idx %arg6[%add3A_933, %and3A_19] : memref<1024x16xf32, #tpu.memory_space<vmem>>[vector<16xi32>, vector<16xi32>], vector<16xf32>,
        %gather3A_937 = tpu.vector_load_idx %arg6[%add3A_933, %and3A_25] : memref<1024x16xf32, #tpu.memory_space<vmem>>[vector<16xi32>, vector<16xi32>], vector<16xf32>,
        %gather3A_938 = tpu.vector_load_idx %arg6[%add3A_933, %and3A_31] : memref<1024x16xf32, #tpu.memory_space<vmem>>[vector<16xi32>, vector<16xi32>], vector<16xf32>,
        %gather3A_939 = tpu.vector_load_idx %arg6[%add3A_933, %and3A_37] : memref<1024x16xf32, #tpu.memory_space<vmem>>[vector<16xi32>, vector<16xi32>], vector<16xf32>,
        %gather3A_940 = tpu.vector_load_idx %arg6[%add3A_933, %and3A_43] : memref<1024x16xf32, #tpu.memory_space<vmem>>[vector<16xi32>, vector<16xi32>], vector<16xf32>,
        %gather3A_941 = tpu.vector_load_idx %arg6[%add3A_933, %and3A_49] : memref<1024x16xf32, #tpu.memory_space<vmem>>[vector<16xi32>, vector<16xi32>], vector<16xf32>,
        %gather3A_942 = tpu.vector_load_idx %arg6[%add3A_933, %and3A_55] : memref<1024x16xf32, #tpu.memory_space<vmem>>[vector<16xi32>, vector<16xi32>], vector<16xf32>,
        %gather3A_943 = tpu.vector_load_idx %arg6[%add3A_933, %and3A_61] : memref<1024x16xf32, #tpu.memory_space<vmem>>[vector<16xi32>, vector<16xi32>], vector<16xf32>,
        %gather3A_944 = tpu.vector_load_idx %arg6[%add3A_933, %and3A_67] : memref<1024x16xf32, #tpu.memory_space<vmem>>[vector<16xi32>, vector<16xi32>], vector<16xf32>,
        %gather3A_945 = tpu.vector_load_idx %arg6[%add3A_933, %and3A_73] : memref<1024x16xf32, #tpu.memory_space<vmem>>[vector<16xi32>, vector<16xi32>], vector<16xf32>,
        %gather3A_946 = tpu.vector_load_idx %arg6[%add3A_933, %and3A_79] : memref<1024x16xf32, #tpu.memory_space<vmem>>[vector<16xi32>, vector<16xi32>], vector<16xf32>,
        %gather3A_947 = tpu.vector_load_idx %arg6[%add3A_933, %and3A_85] : memref<1024x16xf32, #tpu.memory_space<vmem>>[vector<16xi32>, vector<16xi32>], vector<16xf32>,
        %gather3A_948 = tpu.vector_load_idx %arg6[%add3A_933, %and3A_91] : memref<1024x16xf32, #tpu.memory_space<vmem>>[vector<16xi32>, vector<16xi32>], vector<16xf32>,
        %gather3A_949 = tpu.vector_load_idx %arg6[%add3A_933, %and3A_97] : memref<1024x16xf32, #tpu.memory_space<vmem>>[vector<16xi32>, vector<16xi32>], vector<16xf32>,
        %add3A_950 = vector.broadcast %add3A_931 : i32 to vector<16xi32>
        %add3A_951 = arith.addi %add3A_110, %add3A_950 : vector<16xi32>
        tpu.vector_store_idx %arg8[%add3A_951], %gather3A_934 : memref<16384xf32, #tpu.memory_space<vmem>>[vector<16xi32>], vector<16xf32>,
        %add3A_952 = vector.broadcast %add3A_931 : i32 to vector<16xi32>
        %add3A_953 = arith.addi %add3A_124, %add3A_952 : vector<16xi32>
        tpu.vector_store_idx %arg8[%add3A_953], %gather3A_935 : memref<16384xf32, #tpu.memory_space<vmem>>[vector<16xi32>], vector<16xf32>,
        %add3A_954 = vector.broadcast %add3A_931 : i32 to vector<16xi32>
        %add3A_955 = arith.addi %add3A_138, %add3A_954 : vector<16xi32>
        tpu.vector_store_idx %arg8[%add3A_955], %gather3A_936 : memref<16384xf32, #tpu.memory_space<vmem>>[vector<16xi32>], vector<16xf32>,
        %add3A_956 = vector.broadcast %add3A_931 : i32 to vector<16xi32>
        %add3A_957 = arith.addi %add3A_152, %add3A_956 : vector<16xi32>
        tpu.vector_store_idx %arg8[%add3A_957], %gather3A_937 : memref<16384xf32, #tpu.memory_space<vmem>>[vector<16xi32>], vector<16xf32>,
        %add3A_958 = vector.broadcast %add3A_931 : i32 to vector<16xi32>
        %add3A_959 = arith.addi %add3A_166, %add3A_958 : vector<16xi32>
        tpu.vector_store_idx %arg8[%add3A_959], %gather3A_938 : memref<16384xf32, #tpu.memory_space<vmem>>[vector<16xi32>], vector<16xf32>,
        %add3A_960 = vector.broadcast %add3A_931 : i32 to vector<16xi32>
        %add3A_961 = arith.addi %add3A_180, %add3A_960 : vector<16xi32>
        tpu.vector_store_idx %arg8[%add3A_961], %gather3A_939 : memref<16384xf32, #tpu.memory_space<vmem>>[vector<16xi32>], vector<16xf32>,
        %add3A_962 = vector.broadcast %add3A_931 : i32 to vector<16xi32>
        %add3A_963 = arith.addi %add3A_194, %add3A_962 : vector<16xi32>
        tpu.vector_store_idx %arg8[%add3A_963], %gather3A_940 : memref<16384xf32, #tpu.memory_space<vmem>>[vector<16xi32>], vector<16xf32>,
        %add3A_964 = vector.broadcast %add3A_931 : i32 to vector<16xi32>
        %add3A_965 = arith.addi %add3A_208, %add3A_964 : vector<16xi32>
        tpu.vector_store_idx %arg8[%add3A_965], %gather3A_941 : memref<16384xf32, #tpu.memory_space<vmem>>[vector<16xi32>], vector<16xf32>,
        %add3A_966 = vector.broadcast %add3A_931 : i32 to vector<16xi32>
        %add3A_967 = arith.addi %add3A_222, %add3A_966 : vector<16xi32>
        tpu.vector_store_idx %arg8[%add3A_967], %gather3A_942 : memref<16384xf32, #tpu.memory_space<vmem>>[vector<16xi32>], vector<16xf32>,
        %add3A_968 = vector.broadcast %add3A_931 : i32 to vector<16xi32>
        %add3A_969 = arith.addi %add3A_236, %add3A_968 : vector<16xi32>
        tpu.vector_store_idx %arg8[%add3A_969], %gather3A_943 : memref<16384xf32, #tpu.memory_space<vmem>>[vector<16xi32>], vector<16xf32>,
        %add3A_970 = vector.broadcast %add3A_931 : i32 to vector<16xi32>
        %add3A_971 = arith.addi %add3A_250, %add3A_970 : vector<16xi32>
        tpu.vector_store_idx %arg8[%add3A_971], %gather3A_944 : memref<16384xf32, #tpu.memory_space<vmem>>[vector<16xi32>], vector<16xf32>,
        %add3A_972 = vector.broadcast %add3A_931 : i32 to vector<16xi32>
        %add3A_973 = arith.addi %add3A_264, %add3A_972 : vector<16xi32>
        tpu.vector_store_idx %arg8[%add3A_973], %gather3A_945 : memref<16384xf32, #tpu.memory_space<vmem>>[vector<16xi32>], vector<16xf32>,
        %add3A_974 = vector.broadcast %add3A_931 : i32 to vector<16xi32>
        %add3A_975 = arith.addi %add3A_278, %add3A_974 : vector<16xi32>
        tpu.vector_store_idx %arg8[%add3A_975], %gather3A_946 : memref<16384xf32, #tpu.memory_space<vmem>>[vector<16xi32>], vector<16xf32>,
        %add3A_976 = vector.broadcast %add3A_931 : i32 to vector<16xi32>
        %add3A_977 = arith.addi %add3A_292, %add3A_976 : vector<16xi32>
        tpu.vector_store_idx %arg8[%add3A_977], %gather3A_947 : memref<16384xf32, #tpu.memory_space<vmem>>[vector<16xi32>], vector<16xf32>,
        %add3A_978 = vector.broadcast %add3A_931 : i32 to vector<16xi32>
        %add3A_979 = arith.addi %add3A_306, %add3A_978 : vector<16xi32>
        tpu.vector_store_idx %arg8[%add3A_979], %gather3A_948 : memref<16384xf32, #tpu.memory_space<vmem>>[vector<16xi32>], vector<16xf32>,
        %add3A_980 = vector.broadcast %add3A_931 : i32 to vector<16xi32>
        %add3A_981 = arith.addi %add3A_320, %add3A_980 : vector<16xi32>
        tpu.vector_store_idx %arg8[%add3A_981], %gather3A_949 : memref<16384xf32, #tpu.memory_space<vmem>>[vector<16xi32>], vector<16xf32>,
      }
      %scan3A_427 = arith.constant 8 : i32
      %add3A_428 = arith.addi %mul3A_2, %add3A_399 : i32
      %shift_right_arithmetic3A_429 = arith.constant 4 : i32
      %shift_right_arithmetic3A_430 = arith.shrsi %add3A_428, %shift_right_arithmetic3A_429 : i32
      %and3A_431 = arith.constant 15 : i32
      %and3A_432 = arith.andi %add3A_428, %and3A_431 : i32
      %mul3A_433 = arith.constant 8192 : i32
      %mul3A_434 = arith.muli %and3A_432, %mul3A_433 : i32
      %dma_start3A_435 = arith.constant 0 : i32
      %dma_start3A_436 = arith.constant 0 : i32
      %dma_start3A_437 = tpu.memref_slice %arg8[%dma_start3A_436] : memref<16384xf32, #tpu.memory_space<vmem>> -> memref<8192xf32, #tpu.memory_space<vmem>>
      %dma_start3A_438 = tpu.memref_slice %arg4[%shift_right_arithmetic3A_430, %dma_start3A_435, %mul3A_434] : memref<200x2x131072xf32, #tpu.memory_space<hbm>> -> memref<1x1x8192xf32, #tpu.memory_space<hbm>>
      %dma_start3A_439 = tpu.memref_squeeze %dma_start3A_438 : memref<1x1x8192xf32, #tpu.memory_space<hbm>> -> memref<8192xf32, #tpu.memory_space<hbm>>
      %dma_start3A_440 = tpu.memref_slice %arg4[%shift_right_arithmetic3A_430, %dma_start3A_435, %mul3A_434] : memref<200x2x131072xf32, #tpu.memory_space<hbm>> -> memref<1x1x8192xf32, #tpu.memory_space<hbm>>
      %dma_start3A_441 = tpu.memref_squeeze %dma_start3A_440 : memref<1x1x8192xf32, #tpu.memory_space<hbm>> -> memref<8192xf32, #tpu.memory_space<hbm>>
      %dma_start3A_442 = arith.constant 0 : i32
      %dma_start3A_443 = tpu.memref_slice %arg8[%dma_start3A_442] : memref<16384xf32, #tpu.memory_space<vmem>> -> memref<8192xf32, #tpu.memory_space<vmem>>
      tpu.enqueue_dma source(%dma_start3A_443 : memref<8192xf32, #tpu.memory_space<vmem>>) target(%dma_start3A_441 : memref<8192xf32, #tpu.memory_space<hbm>>) target_semaphore(%arg11 : memref<!tpu.dma_semaphore, #tpu.memory_space<semaphore_mem>>)
      %mul3A_444 = arith.constant 8192 : i32
      %mul3A_445 = arith.muli %and3A_432, %mul3A_444 : i32
      %dma_start3A_446 = arith.constant 1 : i32
      %dma_start3A_447 = arith.constant 8192 : i32
      %dma_start3A_448 = tpu.memref_slice %arg8[%dma_start3A_447] : memref<16384xf32, #tpu.memory_space<vmem>> -> memref<8192xf32, #tpu.memory_space<vmem>>
      %dma_start3A_449 = tpu.memref_slice %arg4[%shift_right_arithmetic3A_430, %dma_start3A_446, %mul3A_445] : memref<200x2x131072xf32, #tpu.memory_space<hbm>> -> memref<1x1x8192xf32, #tpu.memory_space<hbm>>
      %dma_start3A_450 = tpu.memref_squeeze %dma_start3A_449 : memref<1x1x8192xf32, #tpu.memory_space<hbm>> -> memref<8192xf32, #tpu.memory_space<hbm>>
      %dma_start3A_451 = tpu.memref_slice %arg4[%shift_right_arithmetic3A_430, %dma_start3A_446, %mul3A_445] : memref<200x2x131072xf32, #tpu.memory_space<hbm>> -> memref<1x1x8192xf32, #tpu.memory_space<hbm>>
      %dma_start3A_452 = tpu.memref_squeeze %dma_start3A_451 : memref<1x1x8192xf32, #tpu.memory_space<hbm>> -> memref<8192xf32, #tpu.memory_space<hbm>>
      %dma_start3A_453 = arith.constant 8192 : i32
      %dma_start3A_454 = tpu.memref_slice %arg8[%dma_start3A_453] : memref<16384xf32, #tpu.memory_space<vmem>> -> memref<8192xf32, #tpu.memory_space<vmem>>
      tpu.enqueue_dma source(%dma_start3A_454 : memref<8192xf32, #tpu.memory_space<vmem>>) target(%dma_start3A_452 : memref<8192xf32, #tpu.memory_space<hbm>>) target_semaphore(%arg11 : memref<!tpu.dma_semaphore, #tpu.memory_space<semaphore_mem>>)
      %mul3A_455 = arith.constant 2 : i32
      %mul3A_456 = arith.muli %scan3A_395, %mul3A_455 : i32
      %add3A_457 = arith.constant 1 : i32
      %add3A_458 = arith.addi %mul3A_456, %add3A_457 : i32
      %add3A_459 = arith.constant 1 : i32
      %add3A_460 = arith.addi %add3A_458, %add3A_459 : i32
      %lt3A_461 = arith.constant 100 : i32
      %lt3A_462 = arith.cmpi slt, %add3A_460, %lt3A_461 : i32
      %convert_element_type3A_463 = arith.extui %lt3A_462 : i1 to i32
      %cond3A_464 = arith.constant 0 : i32
      %cond3A_465 = arith.cmpi ne, %convert_element_type3A_463, %cond3A_464 : i32
      scf.if %cond3A_465 {
        %add3A_518 = arith.constant 1 : i32
        %add3A_519 = arith.addi %add3A_458, %add3A_518 : i32
        %add3A_520 = arith.addi %mul3A_2, %add3A_519 : i32
        %shift_right_arithmetic3A_521 = arith.constant 4 : i32
        %shift_right_arithmetic3A_522 = arith.shrsi %add3A_520, %shift_right_arithmetic3A_521 : i32
        %and3A_523 = arith.constant 15 : i32
        %and3A_524 = arith.andi %add3A_520, %and3A_523 : i32
        %mul3A_525 = arith.constant 1024 : i32
        %mul3A_526 = arith.muli %and3A_524, %mul3A_525 : i32
        %run_scoped3A_527 = arith.constant 0 : i32
        "tpu.region"() ({
          %run_scoped3A_528 = tpu.sem_alloc : memref<!tpu.dma_semaphore, #tpu.memory_space<semaphore_mem>>
          %dma_start3A_529 = arith.constant 0 : i32
          %dma_start3A_530 = tpu.memref_slice %arg5[%run_scoped3A_527, %dma_start3A_529] : memref<2x1024xi32, #tpu.memory_space<vmem>> -> memref<1x1024xi32, #tpu.memory_space<vmem>>
          %dma_start3A_531 = tpu.memref_squeeze %dma_start3A_530 : memref<1x1024xi32, #tpu.memory_space<vmem>> -> memref<1024xi32, #tpu.memory_space<vmem>>
          %dma_start3A_532 = tpu.memref_slice %arg2[%shift_right_arithmetic3A_522, %mul3A_526] : memref<200x16384xi32, #tpu.memory_space<hbm>> -> memref<1x1024xi32, #tpu.memory_space<hbm>>
          %dma_start3A_533 = tpu.memref_squeeze %dma_start3A_532 : memref<1x1024xi32, #tpu.memory_space<hbm>> -> memref<1024xi32, #tpu.memory_space<hbm>>
          %dma_start3A_534 = arith.constant 0 : i32
          %dma_start3A_535 = tpu.memref_slice %arg5[%run_scoped3A_527, %dma_start3A_534] : memref<2x1024xi32, #tpu.memory_space<vmem>> -> memref<1x1024xi32, #tpu.memory_space<vmem>>
          %dma_start3A_536 = tpu.memref_squeeze %dma_start3A_535 : memref<1x1024xi32, #tpu.memory_space<vmem>> -> memref<1024xi32, #tpu.memory_space<vmem>>
          %dma_start3A_537 = tpu.memref_slice %arg2[%shift_right_arithmetic3A_522, %mul3A_526] : memref<200x16384xi32, #tpu.memory_space<hbm>> -> memref<1x1024xi32, #tpu.memory_space<hbm>>
          %dma_start3A_538 = tpu.memref_squeeze %dma_start3A_537 : memref<1x1024xi32, #tpu.memory_space<hbm>> -> memref<1024xi32, #tpu.memory_space<hbm>>
          tpu.enqueue_dma source(%dma_start3A_538 : memref<1024xi32, #tpu.memory_space<hbm>>) target(%dma_start3A_536 : memref<1024xi32, #tpu.memory_space<vmem>>) target_semaphore(%run_scoped3A_528 : memref<!tpu.dma_semaphore, #tpu.memory_space<semaphore_mem>>)
          %dma_wait3A_539 = arith.constant 0 : i32
          %dma_wait3A_540 = tpu.memref_slice %arg5[%run_scoped3A_527, %dma_wait3A_539] : memref<2x1024xi32, #tpu.memory_space<vmem>> -> memref<1x1024xi32, #tpu.memory_space<vmem>>
          %dma_wait3A_541 = tpu.memref_squeeze %dma_wait3A_540 : memref<1x1024xi32, #tpu.memory_space<vmem>> -> memref<1024xi32, #tpu.memory_space<vmem>>
          %dma_wait3A_542 = tpu.memref_slice %arg2[%shift_right_arithmetic3A_522, %mul3A_526] : memref<200x16384xi32, #tpu.memory_space<hbm>> -> memref<1x1024xi32, #tpu.memory_space<hbm>>
          %dma_wait3A_543 = tpu.memref_squeeze %dma_wait3A_542 : memref<1x1024xi32, #tpu.memory_space<hbm>> -> memref<1024xi32, #tpu.memory_space<hbm>>
          %dma_wait3A_544 = arith.constant 0 : i32
          %dma_wait3A_545 = tpu.memref_slice %arg5[%run_scoped3A_527, %dma_wait3A_544] : memref<2x1024xi32, #tpu.memory_space<vmem>> -> memref<1x1024xi32, #tpu.memory_space<vmem>>
          %dma_wait3A_546 = tpu.memref_squeeze %dma_wait3A_545 : memref<1x1024xi32, #tpu.memory_space<vmem>> -> memref<1024xi32, #tpu.memory_space<vmem>>
          %dma_wait3A_547 = tpu.memref_slice %arg2[%shift_right_arithmetic3A_522, %mul3A_526] : memref<200x16384xi32, #tpu.memory_space<hbm>> -> memref<1x1024xi32, #tpu.memory_space<hbm>>
          %dma_wait3A_548 = tpu.memref_squeeze %dma_wait3A_547 : memref<1x1024xi32, #tpu.memory_space<hbm>> -> memref<1024xi32, #tpu.memory_space<hbm>>
          tpu.wait_dma2 semaphore(%run_scoped3A_528 : memref<!tpu.dma_semaphore, #tpu.memory_space<semaphore_mem>>) src(%dma_wait3A_548 : memref<1024xi32, #tpu.memory_space<hbm>>) dst(%dma_wait3A_546 : memref<1024xi32, #tpu.memory_space<vmem>>)
          tpu.yield
        }) : () -> ()
      } else {
      }
      %dma_wait3A_466 = arith.constant 1 : i32
      %dma_wait3A_467 = arith.constant 0 : i32
      %dma_wait3A_468 = tpu.memref_slice %arg5[%dma_wait3A_466, %dma_wait3A_467] : memref<2x1024xi32, #tpu.memory_space<vmem>> -> memref<1x1024xi32, #tpu.memory_space<vmem>>
      %dma_wait3A_469 = tpu.memref_squeeze %dma_wait3A_468 : memref<1x1024xi32, #tpu.memory_space<vmem>> -> memref<1024xi32, #tpu.memory_space<vmem>>
      %dma_wait3A_470 = arith.constant 0 : i32
      %dma_wait3A_471 = arith.constant 0 : i32
      %dma_wait3A_472 = tpu.memref_slice %arg3[%dma_wait3A_470, %dma_wait3A_471] : memref<1000001x16xf32, #tpu.memory_space<hbm>> -> memref<1000001x16xf32, #tpu.memory_space<hbm>>
      tpu.wait_indirect_dma semaphore(%arg10 : memref<!tpu.dma_semaphore, #tpu.memory_space<semaphore_mem>>) src(%dma_wait3A_472 : memref<1000001x16xf32, #tpu.memory_space<hbm>>) dst(%arg7 : memref<1024x16xf32, #tpu.memory_space<vmem>>)
      %add3A_473 = arith.constant 1 : i32
      %add3A_474 = arith.addi %add3A_458, %add3A_473 : i32
      %lt3A_475 = arith.constant 100 : i32
      %lt3A_476 = arith.cmpi slt, %add3A_474, %lt3A_475 : i32
      %convert_element_type3A_477 = arith.extui %lt3A_476 : i1 to i32
      %cond3A_478 = arith.constant 0 : i32
      %cond3A_479 = arith.cmpi ne, %convert_element_type3A_477, %cond3A_478 : i32
      scf.if %cond3A_479 {
        %dma_start3A_518 = arith.constant 0 : i32
        %dma_start3A_519 = arith.constant 0 : i32
        %dma_start3A_520 = tpu.memref_slice %arg5[%dma_start3A_518, %dma_start3A_519] : memref<2x1024xi32, #tpu.memory_space<vmem>> -> memref<1x1024xi32, #tpu.memory_space<vmem>>
        %dma_start3A_521 = tpu.memref_squeeze %dma_start3A_520 : memref<1x1024xi32, #tpu.memory_space<vmem>> -> memref<1024xi32, #tpu.memory_space<vmem>>
        %dma_start3A_522 = arith.constant 0 : i32
        %dma_start3A_523 = arith.constant 0 : i32
        %dma_start3A_524 = tpu.memref_slice %arg3[%dma_start3A_522, %dma_start3A_523] : memref<1000001x16xf32, #tpu.memory_space<hbm>> -> memref<1000001x16xf32, #tpu.memory_space<hbm>>
        tpu.enqueue_indirect_dma source(%dma_start3A_524 : memref<1000001x16xf32, #tpu.memory_space<hbm>>) target(%arg6 : memref<1024x16xf32, #tpu.memory_space<vmem>>) offsets(%dma_start3A_521 : memref<1024xi32, #tpu.memory_space<vmem>>) semaphore(%arg10 : memref<!tpu.dma_semaphore, #tpu.memory_space<semaphore_mem>>)
      } else {
      }
      %ge3A_480 = arith.constant 2 : i32
      %ge3A_481 = arith.cmpi sge, %add3A_458, %ge3A_480 : i32
      %convert_element_type3A_482 = arith.extui %ge3A_481 : i1 to i32
      %cond3A_483 = arith.constant 0 : i32
      %cond3A_484 = arith.cmpi ne, %convert_element_type3A_482, %cond3A_483 : i32
      scf.if %cond3A_484 {
        %sub3A = arith.constant 2 : i32
        %sub3A_518 = arith.subi %add3A_458, %sub3A : i32
        %add3A_519 = arith.addi %mul3A_2, %sub3A_518 : i32
        %shift_right_arithmetic3A_520 = arith.constant 4 : i32
        %shift_right_arithmetic3A_521 = arith.shrsi %add3A_519, %shift_right_arithmetic3A_520 : i32
        %and3A_522 = arith.constant 15 : i32
        %and3A_523 = arith.andi %add3A_519, %and3A_522 : i32
        %mul3A_524 = arith.constant 8192 : i32
        %mul3A_525 = arith.muli %and3A_523, %mul3A_524 : i32
        %dma_wait3A_526 = arith.constant 0 : i32
        %dma_wait3A_527 = arith.constant 0 : i32
        %dma_wait3A_528 = tpu.memref_slice %arg9[%dma_wait3A_527] : memref<16384xf32, #tpu.memory_space<vmem>> -> memref<8192xf32, #tpu.memory_space<vmem>>
        %dma_wait3A_529 = tpu.memref_slice %arg4[%shift_right_arithmetic3A_521, %dma_wait3A_526, %mul3A_525] : memref<200x2x131072xf32, #tpu.memory_space<hbm>> -> memref<1x1x8192xf32, #tpu.memory_space<hbm>>
        %dma_wait3A_530 = tpu.memref_squeeze %dma_wait3A_529 : memref<1x1x8192xf32, #tpu.memory_space<hbm>> -> memref<8192xf32, #tpu.memory_space<hbm>>
        %dma_wait3A_531 = tpu.memref_slice %arg4[%shift_right_arithmetic3A_521, %dma_wait3A_526, %mul3A_525] : memref<200x2x131072xf32, #tpu.memory_space<hbm>> -> memref<1x1x8192xf32, #tpu.memory_space<hbm>>
        %dma_wait3A_532 = tpu.memref_squeeze %dma_wait3A_531 : memref<1x1x8192xf32, #tpu.memory_space<hbm>> -> memref<8192xf32, #tpu.memory_space<hbm>>
        %dma_wait3A_533 = arith.constant 0 : i32
        %dma_wait3A_534 = tpu.memref_slice %arg9[%dma_wait3A_533] : memref<16384xf32, #tpu.memory_space<vmem>> -> memref<8192xf32, #tpu.memory_space<vmem>>
        tpu.wait_dma2 semaphore(%arg11 : memref<!tpu.dma_semaphore, #tpu.memory_space<semaphore_mem>>) src(%dma_wait3A_534 : memref<8192xf32, #tpu.memory_space<vmem>>) dst(%dma_wait3A_532 : memref<8192xf32, #tpu.memory_space<hbm>>)
        %mul3A_535 = arith.constant 8192 : i32
        %mul3A_536 = arith.muli %and3A_523, %mul3A_535 : i32
        %dma_wait3A_537 = arith.constant 1 : i32
        %dma_wait3A_538 = arith.constant 8192 : i32
        %dma_wait3A_539 = tpu.memref_slice %arg9[%dma_wait3A_538] : memref<16384xf32, #tpu.memory_space<vmem>> -> memref<8192xf32, #tpu.memory_space<vmem>>
        %dma_wait3A_540 = tpu.memref_slice %arg4[%shift_right_arithmetic3A_521, %dma_wait3A_537, %mul3A_536] : memref<200x2x131072xf32, #tpu.memory_space<hbm>> -> memref<1x1x8192xf32, #tpu.memory_space<hbm>>
        %dma_wait3A_541 = tpu.memref_squeeze %dma_wait3A_540 : memref<1x1x8192xf32, #tpu.memory_space<hbm>> -> memref<8192xf32, #tpu.memory_space<hbm>>
        %dma_wait3A_542 = tpu.memref_slice %arg4[%shift_right_arithmetic3A_521, %dma_wait3A_537, %mul3A_536] : memref<200x2x131072xf32, #tpu.memory_space<hbm>> -> memref<1x1x8192xf32, #tpu.memory_space<hbm>>
        %dma_wait3A_543 = tpu.memref_squeeze %dma_wait3A_542 : memref<1x1x8192xf32, #tpu.memory_space<hbm>> -> memref<8192xf32, #tpu.memory_space<hbm>>
        %dma_wait3A_544 = arith.constant 8192 : i32
        %dma_wait3A_545 = tpu.memref_slice %arg9[%dma_wait3A_544] : memref<16384xf32, #tpu.memory_space<vmem>> -> memref<8192xf32, #tpu.memory_space<vmem>>
        tpu.wait_dma2 semaphore(%arg11 : memref<!tpu.dma_semaphore, #tpu.memory_space<semaphore_mem>>) src(%dma_wait3A_545 : memref<8192xf32, #tpu.memory_space<vmem>>) dst(%dma_wait3A_543 : memref<8192xf32, #tpu.memory_space<hbm>>)
      } else {
      }
      %scan3A_485 = arith.constant 0 : i32
      %scan3A_486 = arith.constant 0 : i32
      %scan3A_487 = arith.constant 8 : i32
      %scan3A_488 = arith.addi %scan3A_486, %scan3A_487 : i32
      %scan3A_489 = arith.constant 1 : i32
      scf.for %scan3A_518 = %scan3A_486 to %scan3A_488 step %scan3A_489  : i32 {
        %mul3A_519 = arith.constant 128 : i32
        %mul3A_520 = arith.muli %scan3A_518, %mul3A_519 : i32
        %add3A_521 = arith.constant 0 : i32
        %add3A_522 = arith.addi %mul3A_520, %add3A_521 : i32
        %mul3A_523 = arith.constant 1024 : i32
        %mul3A_524 = arith.muli %scan3A_518, %mul3A_523 : i32
        %add3A_525 = arith.constant 0 : i32
        %add3A_526 = arith.addi %mul3A_524, %add3A_525 : i32
        %add3A_527 = vector.broadcast %add3A_522 : i32 to vector<16xi32>
        %add3A_528 = arith.addi %iota3A, %add3A_527 : vector<16xi32>
        %gather3A = tpu.vector_load_idx %arg7[%add3A_528, %and3A_7] : memref<1024x16xf32, #tpu.memory_space<vmem>>[vector<16xi32>, vector<16xi32>], vector<16xf32>,
        %gather3A_529 = tpu.vector_load_idx %arg7[%add3A_528, %and3A_13] : memref<1024x16xf32, #tpu.memory_space<vmem>>[vector<16xi32>, vector<16xi32>], vector<16xf32>,
        %gather3A_530 = tpu.vector_load_idx %arg7[%add3A_528, %and3A_19] : memref<1024x16xf32, #tpu.memory_space<vmem>>[vector<16xi32>, vector<16xi32>], vector<16xf32>,
        %gather3A_531 = tpu.vector_load_idx %arg7[%add3A_528, %and3A_25] : memref<1024x16xf32, #tpu.memory_space<vmem>>[vector<16xi32>, vector<16xi32>], vector<16xf32>,
        %gather3A_532 = tpu.vector_load_idx %arg7[%add3A_528, %and3A_31] : memref<1024x16xf32, #tpu.memory_space<vmem>>[vector<16xi32>, vector<16xi32>], vector<16xf32>,
        %gather3A_533 = tpu.vector_load_idx %arg7[%add3A_528, %and3A_37] : memref<1024x16xf32, #tpu.memory_space<vmem>>[vector<16xi32>, vector<16xi32>], vector<16xf32>,
        %gather3A_534 = tpu.vector_load_idx %arg7[%add3A_528, %and3A_43] : memref<1024x16xf32, #tpu.memory_space<vmem>>[vector<16xi32>, vector<16xi32>], vector<16xf32>,
        %gather3A_535 = tpu.vector_load_idx %arg7[%add3A_528, %and3A_49] : memref<1024x16xf32, #tpu.memory_space<vmem>>[vector<16xi32>, vector<16xi32>], vector<16xf32>,
        %gather3A_536 = tpu.vector_load_idx %arg7[%add3A_528, %and3A_55] : memref<1024x16xf32, #tpu.memory_space<vmem>>[vector<16xi32>, vector<16xi32>], vector<16xf32>,
        %gather3A_537 = tpu.vector_load_idx %arg7[%add3A_528, %and3A_61] : memref<1024x16xf32, #tpu.memory_space<vmem>>[vector<16xi32>, vector<16xi32>], vector<16xf32>,
        %gather3A_538 = tpu.vector_load_idx %arg7[%add3A_528, %and3A_67] : memref<1024x16xf32, #tpu.memory_space<vmem>>[vector<16xi32>, vector<16xi32>], vector<16xf32>,
        %gather3A_539 = tpu.vector_load_idx %arg7[%add3A_528, %and3A_73] : memref<1024x16xf32, #tpu.memory_space<vmem>>[vector<16xi32>, vector<16xi32>], vector<16xf32>,
        %gather3A_540 = tpu.vector_load_idx %arg7[%add3A_528, %and3A_79] : memref<1024x16xf32, #tpu.memory_space<vmem>>[vector<16xi32>, vector<16xi32>], vector<16xf32>,
        %gather3A_541 = tpu.vector_load_idx %arg7[%add3A_528, %and3A_85] : memref<1024x16xf32, #tpu.memory_space<vmem>>[vector<16xi32>, vector<16xi32>], vector<16xf32>,
        %gather3A_542 = tpu.vector_load_idx %arg7[%add3A_528, %and3A_91] : memref<1024x16xf32, #tpu.memory_space<vmem>>[vector<16xi32>, vector<16xi32>], vector<16xf32>,
        %gather3A_543 = tpu.vector_load_idx %arg7[%add3A_528, %and3A_97] : memref<1024x16xf32, #tpu.memory_space<vmem>>[vector<16xi32>, vector<16xi32>], vector<16xf32>,
        %add3A_544 = vector.broadcast %add3A_526 : i32 to vector<16xi32>
        %add3A_545 = arith.addi %add3A_110, %add3A_544 : vector<16xi32>
        tpu.vector_store_idx %arg9[%add3A_545], %gather3A : memref<16384xf32, #tpu.memory_space<vmem>>[vector<16xi32>], vector<16xf32>,
        %add3A_546 = vector.broadcast %add3A_526 : i32 to vector<16xi32>
        %add3A_547 = arith.addi %add3A_124, %add3A_546 : vector<16xi32>
        tpu.vector_store_idx %arg9[%add3A_547], %gather3A_529 : memref<16384xf32, #tpu.memory_space<vmem>>[vector<16xi32>], vector<16xf32>,
        %add3A_548 = vector.broadcast %add3A_526 : i32 to vector<16xi32>
        %add3A_549 = arith.addi %add3A_138, %add3A_548 : vector<16xi32>
        tpu.vector_store_idx %arg9[%add3A_549], %gather3A_530 : memref<16384xf32, #tpu.memory_space<vmem>>[vector<16xi32>], vector<16xf32>,
        %add3A_550 = vector.broadcast %add3A_526 : i32 to vector<16xi32>
        %add3A_551 = arith.addi %add3A_152, %add3A_550 : vector<16xi32>
        tpu.vector_store_idx %arg9[%add3A_551], %gather3A_531 : memref<16384xf32, #tpu.memory_space<vmem>>[vector<16xi32>], vector<16xf32>,
        %add3A_552 = vector.broadcast %add3A_526 : i32 to vector<16xi32>
        %add3A_553 = arith.addi %add3A_166, %add3A_552 : vector<16xi32>
        tpu.vector_store_idx %arg9[%add3A_553], %gather3A_532 : memref<16384xf32, #tpu.memory_space<vmem>>[vector<16xi32>], vector<16xf32>,
        %add3A_554 = vector.broadcast %add3A_526 : i32 to vector<16xi32>
        %add3A_555 = arith.addi %add3A_180, %add3A_554 : vector<16xi32>
        tpu.vector_store_idx %arg9[%add3A_555], %gather3A_533 : memref<16384xf32, #tpu.memory_space<vmem>>[vector<16xi32>], vector<16xf32>,
        %add3A_556 = vector.broadcast %add3A_526 : i32 to vector<16xi32>
        %add3A_557 = arith.addi %add3A_194, %add3A_556 : vector<16xi32>
        tpu.vector_store_idx %arg9[%add3A_557], %gather3A_534 : memref<16384xf32, #tpu.memory_space<vmem>>[vector<16xi32>], vector<16xf32>,
        %add3A_558 = vector.broadcast %add3A_526 : i32 to vector<16xi32>
        %add3A_559 = arith.addi %add3A_208, %add3A_558 : vector<16xi32>
        tpu.vector_store_idx %arg9[%add3A_559], %gather3A_535 : memref<16384xf32, #tpu.memory_space<vmem>>[vector<16xi32>], vector<16xf32>,
        %add3A_560 = vector.broadcast %add3A_526 : i32 to vector<16xi32>
        %add3A_561 = arith.addi %add3A_222, %add3A_560 : vector<16xi32>
        tpu.vector_store_idx %arg9[%add3A_561], %gather3A_536 : memref<16384xf32, #tpu.memory_space<vmem>>[vector<16xi32>], vector<16xf32>,
        %add3A_562 = vector.broadcast %add3A_526 : i32 to vector<16xi32>
        %add3A_563 = arith.addi %add3A_236, %add3A_562 : vector<16xi32>
        tpu.vector_store_idx %arg9[%add3A_563], %gather3A_537 : memref<16384xf32, #tpu.memory_space<vmem>>[vector<16xi32>], vector<16xf32>,
        %add3A_564 = vector.broadcast %add3A_526 : i32 to vector<16xi32>
        %add3A_565 = arith.addi %add3A_250, %add3A_564 : vector<16xi32>
        tpu.vector_store_idx %arg9[%add3A_565], %gather3A_538 : memref<16384xf32, #tpu.memory_space<vmem>>[vector<16xi32>], vector<16xf32>,
        %add3A_566 = vector.broadcast %add3A_526 : i32 to vector<16xi32>
        %add3A_567 = arith.addi %add3A_264, %add3A_566 : vector<16xi32>
        tpu.vector_store_idx %arg9[%add3A_567], %gather3A_539 : memref<16384xf32, #tpu.memory_space<vmem>>[vector<16xi32>], vector<16xf32>,
        %add3A_568 = vector.broadcast %add3A_526 : i32 to vector<16xi32>
        %add3A_569 = arith.addi %add3A_278, %add3A_568 : vector<16xi32>
        tpu.vector_store_idx %arg9[%add3A_569], %gather3A_540 : memref<16384xf32, #tpu.memory_space<vmem>>[vector<16xi32>], vector<16xf32>,
        %add3A_570 = vector.broadcast %add3A_526 : i32 to vector<16xi32>
        %add3A_571 = arith.addi %add3A_292, %add3A_570 : vector<16xi32>
        tpu.vector_store_idx %arg9[%add3A_571], %gather3A_541 : memref<16384xf32, #tpu.memory_space<vmem>>[vector<16xi32>], vector<16xf32>,
        %add3A_572 = vector.broadcast %add3A_526 : i32 to vector<16xi32>
        %add3A_573 = arith.addi %add3A_306, %add3A_572 : vector<16xi32>
        tpu.vector_store_idx %arg9[%add3A_573], %gather3A_542 : memref<16384xf32, #tpu.memory_space<vmem>>[vector<16xi32>], vector<16xf32>,
        %add3A_574 = vector.broadcast %add3A_526 : i32 to vector<16xi32>
        %add3A_575 = arith.addi %add3A_320, %add3A_574 : vector<16xi32>
        tpu.vector_store_idx %arg9[%add3A_575], %gather3A_543 : memref<16384xf32, #tpu.memory_space<vmem>>[vector<16xi32>], vector<16xf32>,
        %mul3A_576 = arith.constant 128 : i32
        %mul3A_577 = arith.muli %scan3A_518, %mul3A_576 : i32
        %add3A_578 = arith.constant 16 : i32
        %add3A_579 = arith.addi %mul3A_577, %add3A_578 : i32
        %mul3A_580 = arith.constant 1024 : i32
        %mul3A_581 = arith.muli %scan3A_518, %mul3A_580 : i32
        %add3A_582 = arith.constant 16 : i32
        %add3A_583 = arith.addi %mul3A_581, %add3A_582 : i32
        %add3A_584 = vector.broadcast %add3A_579 : i32 to vector<16xi32>
        %add3A_585 = arith.addi %iota3A, %add3A_584 : vector<16xi32>
        %gather3A_586 = tpu.vector_load_idx %arg7[%add3A_585, %and3A_7] : memref<1024x16xf32, #tpu.memory_space<vmem>>[vector<16xi32>, vector<16xi32>], vector<16xf32>,
        %gather3A_587 = tpu.vector_load_idx %arg7[%add3A_585, %and3A_13] : memref<1024x16xf32, #tpu.memory_space<vmem>>[vector<16xi32>, vector<16xi32>], vector<16xf32>,
        %gather3A_588 = tpu.vector_load_idx %arg7[%add3A_585, %and3A_19] : memref<1024x16xf32, #tpu.memory_space<vmem>>[vector<16xi32>, vector<16xi32>], vector<16xf32>,
        %gather3A_589 = tpu.vector_load_idx %arg7[%add3A_585, %and3A_25] : memref<1024x16xf32, #tpu.memory_space<vmem>>[vector<16xi32>, vector<16xi32>], vector<16xf32>,
        %gather3A_590 = tpu.vector_load_idx %arg7[%add3A_585, %and3A_31] : memref<1024x16xf32, #tpu.memory_space<vmem>>[vector<16xi32>, vector<16xi32>], vector<16xf32>,
        %gather3A_591 = tpu.vector_load_idx %arg7[%add3A_585, %and3A_37] : memref<1024x16xf32, #tpu.memory_space<vmem>>[vector<16xi32>, vector<16xi32>], vector<16xf32>,
        %gather3A_592 = tpu.vector_load_idx %arg7[%add3A_585, %and3A_43] : memref<1024x16xf32, #tpu.memory_space<vmem>>[vector<16xi32>, vector<16xi32>], vector<16xf32>,
        %gather3A_593 = tpu.vector_load_idx %arg7[%add3A_585, %and3A_49] : memref<1024x16xf32, #tpu.memory_space<vmem>>[vector<16xi32>, vector<16xi32>], vector<16xf32>,
        %gather3A_594 = tpu.vector_load_idx %arg7[%add3A_585, %and3A_55] : memref<1024x16xf32, #tpu.memory_space<vmem>>[vector<16xi32>, vector<16xi32>], vector<16xf32>,
        %gather3A_595 = tpu.vector_load_idx %arg7[%add3A_585, %and3A_61] : memref<1024x16xf32, #tpu.memory_space<vmem>>[vector<16xi32>, vector<16xi32>], vector<16xf32>,
        %gather3A_596 = tpu.vector_load_idx %arg7[%add3A_585, %and3A_67] : memref<1024x16xf32, #tpu.memory_space<vmem>>[vector<16xi32>, vector<16xi32>], vector<16xf32>,
        %gather3A_597 = tpu.vector_load_idx %arg7[%add3A_585, %and3A_73] : memref<1024x16xf32, #tpu.memory_space<vmem>>[vector<16xi32>, vector<16xi32>], vector<16xf32>,
        %gather3A_598 = tpu.vector_load_idx %arg7[%add3A_585, %and3A_79] : memref<1024x16xf32, #tpu.memory_space<vmem>>[vector<16xi32>, vector<16xi32>], vector<16xf32>,
        %gather3A_599 = tpu.vector_load_idx %arg7[%add3A_585, %and3A_85] : memref<1024x16xf32, #tpu.memory_space<vmem>>[vector<16xi32>, vector<16xi32>], vector<16xf32>,
        %gather3A_600 = tpu.vector_load_idx %arg7[%add3A_585, %and3A_91] : memref<1024x16xf32, #tpu.memory_space<vmem>>[vector<16xi32>, vector<16xi32>], vector<16xf32>,
        %gather3A_601 = tpu.vector_load_idx %arg7[%add3A_585, %and3A_97] : memref<1024x16xf32, #tpu.memory_space<vmem>>[vector<16xi32>, vector<16xi32>], vector<16xf32>,
        %add3A_602 = vector.broadcast %add3A_583 : i32 to vector<16xi32>
        %add3A_603 = arith.addi %add3A_110, %add3A_602 : vector<16xi32>
        tpu.vector_store_idx %arg9[%add3A_603], %gather3A_586 : memref<16384xf32, #tpu.memory_space<vmem>>[vector<16xi32>], vector<16xf32>,
        %add3A_604 = vector.broadcast %add3A_583 : i32 to vector<16xi32>
        %add3A_605 = arith.addi %add3A_124, %add3A_604 : vector<16xi32>
        tpu.vector_store_idx %arg9[%add3A_605], %gather3A_587 : memref<16384xf32, #tpu.memory_space<vmem>>[vector<16xi32>], vector<16xf32>,
        %add3A_606 = vector.broadcast %add3A_583 : i32 to vector<16xi32>
        %add3A_607 = arith.addi %add3A_138, %add3A_606 : vector<16xi32>
        tpu.vector_store_idx %arg9[%add3A_607], %gather3A_588 : memref<16384xf32, #tpu.memory_space<vmem>>[vector<16xi32>], vector<16xf32>,
        %add3A_608 = vector.broadcast %add3A_583 : i32 to vector<16xi32>
        %add3A_609 = arith.addi %add3A_152, %add3A_608 : vector<16xi32>
        tpu.vector_store_idx %arg9[%add3A_609], %gather3A_589 : memref<16384xf32, #tpu.memory_space<vmem>>[vector<16xi32>], vector<16xf32>,
        %add3A_610 = vector.broadcast %add3A_583 : i32 to vector<16xi32>
        %add3A_611 = arith.addi %add3A_166, %add3A_610 : vector<16xi32>
        tpu.vector_store_idx %arg9[%add3A_611], %gather3A_590 : memref<16384xf32, #tpu.memory_space<vmem>>[vector<16xi32>], vector<16xf32>,
        %add3A_612 = vector.broadcast %add3A_583 : i32 to vector<16xi32>
        %add3A_613 = arith.addi %add3A_180, %add3A_612 : vector<16xi32>
        tpu.vector_store_idx %arg9[%add3A_613], %gather3A_591 : memref<16384xf32, #tpu.memory_space<vmem>>[vector<16xi32>], vector<16xf32>,
        %add3A_614 = vector.broadcast %add3A_583 : i32 to vector<16xi32>
        %add3A_615 = arith.addi %add3A_194, %add3A_614 : vector<16xi32>
        tpu.vector_store_idx %arg9[%add3A_615], %gather3A_592 : memref<16384xf32, #tpu.memory_space<vmem>>[vector<16xi32>], vector<16xf32>,
        %add3A_616 = vector.broadcast %add3A_583 : i32 to vector<16xi32>
        %add3A_617 = arith.addi %add3A_208, %add3A_616 : vector<16xi32>
        tpu.vector_store_idx %arg9[%add3A_617], %gather3A_593 : memref<16384xf32, #tpu.memory_space<vmem>>[vector<16xi32>], vector<16xf32>,
        %add3A_618 = vector.broadcast %add3A_583 : i32 to vector<16xi32>
        %add3A_619 = arith.addi %add3A_222, %add3A_618 : vector<16xi32>
        tpu.vector_store_idx %arg9[%add3A_619], %gather3A_594 : memref<16384xf32, #tpu.memory_space<vmem>>[vector<16xi32>], vector<16xf32>,
        %add3A_620 = vector.broadcast %add3A_583 : i32 to vector<16xi32>
        %add3A_621 = arith.addi %add3A_236, %add3A_620 : vector<16xi32>
        tpu.vector_store_idx %arg9[%add3A_621], %gather3A_595 : memref<16384xf32, #tpu.memory_space<vmem>>[vector<16xi32>], vector<16xf32>,
        %add3A_622 = vector.broadcast %add3A_583 : i32 to vector<16xi32>
        %add3A_623 = arith.addi %add3A_250, %add3A_622 : vector<16xi32>
        tpu.vector_store_idx %arg9[%add3A_623], %gather3A_596 : memref<16384xf32, #tpu.memory_space<vmem>>[vector<16xi32>], vector<16xf32>,
        %add3A_624 = vector.broadcast %add3A_583 : i32 to vector<16xi32>
        %add3A_625 = arith.addi %add3A_264, %add3A_624 : vector<16xi32>
        tpu.vector_store_idx %arg9[%add3A_625], %gather3A_597 : memref<16384xf32, #tpu.memory_space<vmem>>[vector<16xi32>], vector<16xf32>,
        %add3A_626 = vector.broadcast %add3A_583 : i32 to vector<16xi32>
        %add3A_627 = arith.addi %add3A_278, %add3A_626 : vector<16xi32>
        tpu.vector_store_idx %arg9[%add3A_627], %gather3A_598 : memref<16384xf32, #tpu.memory_space<vmem>>[vector<16xi32>], vector<16xf32>,
        %add3A_628 = vector.broadcast %add3A_583 : i32 to vector<16xi32>
        %add3A_629 = arith.addi %add3A_292, %add3A_628 : vector<16xi32>
        tpu.vector_store_idx %arg9[%add3A_629], %gather3A_599 : memref<16384xf32, #tpu.memory_space<vmem>>[vector<16xi32>], vector<16xf32>,
        %add3A_630 = vector.broadcast %add3A_583 : i32 to vector<16xi32>
        %add3A_631 = arith.addi %add3A_306, %add3A_630 : vector<16xi32>
        tpu.vector_store_idx %arg9[%add3A_631], %gather3A_600 : memref<16384xf32, #tpu.memory_space<vmem>>[vector<16xi32>], vector<16xf32>,
        %add3A_632 = vector.broadcast %add3A_583 : i32 to vector<16xi32>
        %add3A_633 = arith.addi %add3A_320, %add3A_632 : vector<16xi32>
        tpu.vector_store_idx %arg9[%add3A_633], %gather3A_601 : memref<16384xf32, #tpu.memory_space<vmem>>[vector<16xi32>], vector<16xf32>,
        %mul3A_634 = arith.constant 128 : i32
        %mul3A_635 = arith.muli %scan3A_518, %mul3A_634 : i32
        %add3A_636 = arith.constant 32 : i32
        %add3A_637 = arith.addi %mul3A_635, %add3A_636 : i32
        %mul3A_638 = arith.constant 1024 : i32
        %mul3A_639 = arith.muli %scan3A_518, %mul3A_638 : i32
        %add3A_640 = arith.constant 32 : i32
        %add3A_641 = arith.addi %mul3A_639, %add3A_640 : i32
        %add3A_642 = vector.broadcast %add3A_637 : i32 to vector<16xi32>
        %add3A_643 = arith.addi %iota3A, %add3A_642 : vector<16xi32>
        %gather3A_644 = tpu.vector_load_idx %arg7[%add3A_643, %and3A_7] : memref<1024x16xf32, #tpu.memory_space<vmem>>[vector<16xi32>, vector<16xi32>], vector<16xf32>,
        %gather3A_645 = tpu.vector_load_idx %arg7[%add3A_643, %and3A_13] : memref<1024x16xf32, #tpu.memory_space<vmem>>[vector<16xi32>, vector<16xi32>], vector<16xf32>,
        %gather3A_646 = tpu.vector_load_idx %arg7[%add3A_643, %and3A_19] : memref<1024x16xf32, #tpu.memory_space<vmem>>[vector<16xi32>, vector<16xi32>], vector<16xf32>,
        %gather3A_647 = tpu.vector_load_idx %arg7[%add3A_643, %and3A_25] : memref<1024x16xf32, #tpu.memory_space<vmem>>[vector<16xi32>, vector<16xi32>], vector<16xf32>,
        %gather3A_648 = tpu.vector_load_idx %arg7[%add3A_643, %and3A_31] : memref<1024x16xf32, #tpu.memory_space<vmem>>[vector<16xi32>, vector<16xi32>], vector<16xf32>,
        %gather3A_649 = tpu.vector_load_idx %arg7[%add3A_643, %and3A_37] : memref<1024x16xf32, #tpu.memory_space<vmem>>[vector<16xi32>, vector<16xi32>], vector<16xf32>,
        %gather3A_650 = tpu.vector_load_idx %arg7[%add3A_643, %and3A_43] : memref<1024x16xf32, #tpu.memory_space<vmem>>[vector<16xi32>, vector<16xi32>], vector<16xf32>,
        %gather3A_651 = tpu.vector_load_idx %arg7[%add3A_643, %and3A_49] : memref<1024x16xf32, #tpu.memory_space<vmem>>[vector<16xi32>, vector<16xi32>], vector<16xf32>,
        %gather3A_652 = tpu.vector_load_idx %arg7[%add3A_643, %and3A_55] : memref<1024x16xf32, #tpu.memory_space<vmem>>[vector<16xi32>, vector<16xi32>], vector<16xf32>,
        %gather3A_653 = tpu.vector_load_idx %arg7[%add3A_643, %and3A_61] : memref<1024x16xf32, #tpu.memory_space<vmem>>[vector<16xi32>, vector<16xi32>], vector<16xf32>,
        %gather3A_654 = tpu.vector_load_idx %arg7[%add3A_643, %and3A_67] : memref<1024x16xf32, #tpu.memory_space<vmem>>[vector<16xi32>, vector<16xi32>], vector<16xf32>,
        %gather3A_655 = tpu.vector_load_idx %arg7[%add3A_643, %and3A_73] : memref<1024x16xf32, #tpu.memory_space<vmem>>[vector<16xi32>, vector<16xi32>], vector<16xf32>,
        %gather3A_656 = tpu.vector_load_idx %arg7[%add3A_643, %and3A_79] : memref<1024x16xf32, #tpu.memory_space<vmem>>[vector<16xi32>, vector<16xi32>], vector<16xf32>,
        %gather3A_657 = tpu.vector_load_idx %arg7[%add3A_643, %and3A_85] : memref<1024x16xf32, #tpu.memory_space<vmem>>[vector<16xi32>, vector<16xi32>], vector<16xf32>,
        %gather3A_658 = tpu.vector_load_idx %arg7[%add3A_643, %and3A_91] : memref<1024x16xf32, #tpu.memory_space<vmem>>[vector<16xi32>, vector<16xi32>], vector<16xf32>,
        %gather3A_659 = tpu.vector_load_idx %arg7[%add3A_643, %and3A_97] : memref<1024x16xf32, #tpu.memory_space<vmem>>[vector<16xi32>, vector<16xi32>], vector<16xf32>,
        %add3A_660 = vector.broadcast %add3A_641 : i32 to vector<16xi32>
        %add3A_661 = arith.addi %add3A_110, %add3A_660 : vector<16xi32>
        tpu.vector_store_idx %arg9[%add3A_661], %gather3A_644 : memref<16384xf32, #tpu.memory_space<vmem>>[vector<16xi32>], vector<16xf32>,
        %add3A_662 = vector.broadcast %add3A_641 : i32 to vector<16xi32>
        %add3A_663 = arith.addi %add3A_124, %add3A_662 : vector<16xi32>
        tpu.vector_store_idx %arg9[%add3A_663], %gather3A_645 : memref<16384xf32, #tpu.memory_space<vmem>>[vector<16xi32>], vector<16xf32>,
        %add3A_664 = vector.broadcast %add3A_641 : i32 to vector<16xi32>
        %add3A_665 = arith.addi %add3A_138, %add3A_664 : vector<16xi32>
        tpu.vector_store_idx %arg9[%add3A_665], %gather3A_646 : memref<16384xf32, #tpu.memory_space<vmem>>[vector<16xi32>], vector<16xf32>,
        %add3A_666 = vector.broadcast %add3A_641 : i32 to vector<16xi32>
        %add3A_667 = arith.addi %add3A_152, %add3A_666 : vector<16xi32>
        tpu.vector_store_idx %arg9[%add3A_667], %gather3A_647 : memref<16384xf32, #tpu.memory_space<vmem>>[vector<16xi32>], vector<16xf32>,
        %add3A_668 = vector.broadcast %add3A_641 : i32 to vector<16xi32>
        %add3A_669 = arith.addi %add3A_166, %add3A_668 : vector<16xi32>
        tpu.vector_store_idx %arg9[%add3A_669], %gather3A_648 : memref<16384xf32, #tpu.memory_space<vmem>>[vector<16xi32>], vector<16xf32>,
        %add3A_670 = vector.broadcast %add3A_641 : i32 to vector<16xi32>
        %add3A_671 = arith.addi %add3A_180, %add3A_670 : vector<16xi32>
        tpu.vector_store_idx %arg9[%add3A_671], %gather3A_649 : memref<16384xf32, #tpu.memory_space<vmem>>[vector<16xi32>], vector<16xf32>,
        %add3A_672 = vector.broadcast %add3A_641 : i32 to vector<16xi32>
        %add3A_673 = arith.addi %add3A_194, %add3A_672 : vector<16xi32>
        tpu.vector_store_idx %arg9[%add3A_673], %gather3A_650 : memref<16384xf32, #tpu.memory_space<vmem>>[vector<16xi32>], vector<16xf32>,
        %add3A_674 = vector.broadcast %add3A_641 : i32 to vector<16xi32>
        %add3A_675 = arith.addi %add3A_208, %add3A_674 : vector<16xi32>
        tpu.vector_store_idx %arg9[%add3A_675], %gather3A_651 : memref<16384xf32, #tpu.memory_space<vmem>>[vector<16xi32>], vector<16xf32>,
        %add3A_676 = vector.broadcast %add3A_641 : i32 to vector<16xi32>
        %add3A_677 = arith.addi %add3A_222, %add3A_676 : vector<16xi32>
        tpu.vector_store_idx %arg9[%add3A_677], %gather3A_652 : memref<16384xf32, #tpu.memory_space<vmem>>[vector<16xi32>], vector<16xf32>,
        %add3A_678 = vector.broadcast %add3A_641 : i32 to vector<16xi32>
        %add3A_679 = arith.addi %add3A_236, %add3A_678 : vector<16xi32>
        tpu.vector_store_idx %arg9[%add3A_679], %gather3A_653 : memref<16384xf32, #tpu.memory_space<vmem>>[vector<16xi32>], vector<16xf32>,
        %add3A_680 = vector.broadcast %add3A_641 : i32 to vector<16xi32>
        %add3A_681 = arith.addi %add3A_250, %add3A_680 : vector<16xi32>
        tpu.vector_store_idx %arg9[%add3A_681], %gather3A_654 : memref<16384xf32, #tpu.memory_space<vmem>>[vector<16xi32>], vector<16xf32>,
        %add3A_682 = vector.broadcast %add3A_641 : i32 to vector<16xi32>
        %add3A_683 = arith.addi %add3A_264, %add3A_682 : vector<16xi32>
        tpu.vector_store_idx %arg9[%add3A_683], %gather3A_655 : memref<16384xf32, #tpu.memory_space<vmem>>[vector<16xi32>], vector<16xf32>,
        %add3A_684 = vector.broadcast %add3A_641 : i32 to vector<16xi32>
        %add3A_685 = arith.addi %add3A_278, %add3A_684 : vector<16xi32>
        tpu.vector_store_idx %arg9[%add3A_685], %gather3A_656 : memref<16384xf32, #tpu.memory_space<vmem>>[vector<16xi32>], vector<16xf32>,
        %add3A_686 = vector.broadcast %add3A_641 : i32 to vector<16xi32>
        %add3A_687 = arith.addi %add3A_292, %add3A_686 : vector<16xi32>
        tpu.vector_store_idx %arg9[%add3A_687], %gather3A_657 : memref<16384xf32, #tpu.memory_space<vmem>>[vector<16xi32>], vector<16xf32>,
        %add3A_688 = vector.broadcast %add3A_641 : i32 to vector<16xi32>
        %add3A_689 = arith.addi %add3A_306, %add3A_688 : vector<16xi32>
        tpu.vector_store_idx %arg9[%add3A_689], %gather3A_658 : memref<16384xf32, #tpu.memory_space<vmem>>[vector<16xi32>], vector<16xf32>,
        %add3A_690 = vector.broadcast %add3A_641 : i32 to vector<16xi32>
        %add3A_691 = arith.addi %add3A_320, %add3A_690 : vector<16xi32>
        tpu.vector_store_idx %arg9[%add3A_691], %gather3A_659 : memref<16384xf32, #tpu.memory_space<vmem>>[vector<16xi32>], vector<16xf32>,
        %mul3A_692 = arith.constant 128 : i32
        %mul3A_693 = arith.muli %scan3A_518, %mul3A_692 : i32
        %add3A_694 = arith.constant 48 : i32
        %add3A_695 = arith.addi %mul3A_693, %add3A_694 : i32
        %mul3A_696 = arith.constant 1024 : i32
        %mul3A_697 = arith.muli %scan3A_518, %mul3A_696 : i32
        %add3A_698 = arith.constant 48 : i32
        %add3A_699 = arith.addi %mul3A_697, %add3A_698 : i32
        %add3A_700 = vector.broadcast %add3A_695 : i32 to vector<16xi32>
        %add3A_701 = arith.addi %iota3A, %add3A_700 : vector<16xi32>
        %gather3A_702 = tpu.vector_load_idx %arg7[%add3A_701, %and3A_7] : memref<1024x16xf32, #tpu.memory_space<vmem>>[vector<16xi32>, vector<16xi32>], vector<16xf32>,
        %gather3A_703 = tpu.vector_load_idx %arg7[%add3A_701, %and3A_13] : memref<1024x16xf32, #tpu.memory_space<vmem>>[vector<16xi32>, vector<16xi32>], vector<16xf32>,
        %gather3A_704 = tpu.vector_load_idx %arg7[%add3A_701, %and3A_19] : memref<1024x16xf32, #tpu.memory_space<vmem>>[vector<16xi32>, vector<16xi32>], vector<16xf32>,
        %gather3A_705 = tpu.vector_load_idx %arg7[%add3A_701, %and3A_25] : memref<1024x16xf32, #tpu.memory_space<vmem>>[vector<16xi32>, vector<16xi32>], vector<16xf32>,
        %gather3A_706 = tpu.vector_load_idx %arg7[%add3A_701, %and3A_31] : memref<1024x16xf32, #tpu.memory_space<vmem>>[vector<16xi32>, vector<16xi32>], vector<16xf32>,
        %gather3A_707 = tpu.vector_load_idx %arg7[%add3A_701, %and3A_37] : memref<1024x16xf32, #tpu.memory_space<vmem>>[vector<16xi32>, vector<16xi32>], vector<16xf32>,
        %gather3A_708 = tpu.vector_load_idx %arg7[%add3A_701, %and3A_43] : memref<1024x16xf32, #tpu.memory_space<vmem>>[vector<16xi32>, vector<16xi32>], vector<16xf32>,
        %gather3A_709 = tpu.vector_load_idx %arg7[%add3A_701, %and3A_49] : memref<1024x16xf32, #tpu.memory_space<vmem>>[vector<16xi32>, vector<16xi32>], vector<16xf32>,
        %gather3A_710 = tpu.vector_load_idx %arg7[%add3A_701, %and3A_55] : memref<1024x16xf32, #tpu.memory_space<vmem>>[vector<16xi32>, vector<16xi32>], vector<16xf32>,
        %gather3A_711 = tpu.vector_load_idx %arg7[%add3A_701, %and3A_61] : memref<1024x16xf32, #tpu.memory_space<vmem>>[vector<16xi32>, vector<16xi32>], vector<16xf32>,
        %gather3A_712 = tpu.vector_load_idx %arg7[%add3A_701, %and3A_67] : memref<1024x16xf32, #tpu.memory_space<vmem>>[vector<16xi32>, vector<16xi32>], vector<16xf32>,
        %gather3A_713 = tpu.vector_load_idx %arg7[%add3A_701, %and3A_73] : memref<1024x16xf32, #tpu.memory_space<vmem>>[vector<16xi32>, vector<16xi32>], vector<16xf32>,
        %gather3A_714 = tpu.vector_load_idx %arg7[%add3A_701, %and3A_79] : memref<1024x16xf32, #tpu.memory_space<vmem>>[vector<16xi32>, vector<16xi32>], vector<16xf32>,
        %gather3A_715 = tpu.vector_load_idx %arg7[%add3A_701, %and3A_85] : memref<1024x16xf32, #tpu.memory_space<vmem>>[vector<16xi32>, vector<16xi32>], vector<16xf32>,
        %gather3A_716 = tpu.vector_load_idx %arg7[%add3A_701, %and3A_91] : memref<1024x16xf32, #tpu.memory_space<vmem>>[vector<16xi32>, vector<16xi32>], vector<16xf32>,
        %gather3A_717 = tpu.vector_load_idx %arg7[%add3A_701, %and3A_97] : memref<1024x16xf32, #tpu.memory_space<vmem>>[vector<16xi32>, vector<16xi32>], vector<16xf32>,
        %add3A_718 = vector.broadcast %add3A_699 : i32 to vector<16xi32>
        %add3A_719 = arith.addi %add3A_110, %add3A_718 : vector<16xi32>
        tpu.vector_store_idx %arg9[%add3A_719], %gather3A_702 : memref<16384xf32, #tpu.memory_space<vmem>>[vector<16xi32>], vector<16xf32>,
        %add3A_720 = vector.broadcast %add3A_699 : i32 to vector<16xi32>
        %add3A_721 = arith.addi %add3A_124, %add3A_720 : vector<16xi32>
        tpu.vector_store_idx %arg9[%add3A_721], %gather3A_703 : memref<16384xf32, #tpu.memory_space<vmem>>[vector<16xi32>], vector<16xf32>,
        %add3A_722 = vector.broadcast %add3A_699 : i32 to vector<16xi32>
        %add3A_723 = arith.addi %add3A_138, %add3A_722 : vector<16xi32>
        tpu.vector_store_idx %arg9[%add3A_723], %gather3A_704 : memref<16384xf32, #tpu.memory_space<vmem>>[vector<16xi32>], vector<16xf32>,
        %add3A_724 = vector.broadcast %add3A_699 : i32 to vector<16xi32>
        %add3A_725 = arith.addi %add3A_152, %add3A_724 : vector<16xi32>
        tpu.vector_store_idx %arg9[%add3A_725], %gather3A_705 : memref<16384xf32, #tpu.memory_space<vmem>>[vector<16xi32>], vector<16xf32>,
        %add3A_726 = vector.broadcast %add3A_699 : i32 to vector<16xi32>
        %add3A_727 = arith.addi %add3A_166, %add3A_726 : vector<16xi32>
        tpu.vector_store_idx %arg9[%add3A_727], %gather3A_706 : memref<16384xf32, #tpu.memory_space<vmem>>[vector<16xi32>], vector<16xf32>,
        %add3A_728 = vector.broadcast %add3A_699 : i32 to vector<16xi32>
        %add3A_729 = arith.addi %add3A_180, %add3A_728 : vector<16xi32>
        tpu.vector_store_idx %arg9[%add3A_729], %gather3A_707 : memref<16384xf32, #tpu.memory_space<vmem>>[vector<16xi32>], vector<16xf32>,
        %add3A_730 = vector.broadcast %add3A_699 : i32 to vector<16xi32>
        %add3A_731 = arith.addi %add3A_194, %add3A_730 : vector<16xi32>
        tpu.vector_store_idx %arg9[%add3A_731], %gather3A_708 : memref<16384xf32, #tpu.memory_space<vmem>>[vector<16xi32>], vector<16xf32>,
        %add3A_732 = vector.broadcast %add3A_699 : i32 to vector<16xi32>
        %add3A_733 = arith.addi %add3A_208, %add3A_732 : vector<16xi32>
        tpu.vector_store_idx %arg9[%add3A_733], %gather3A_709 : memref<16384xf32, #tpu.memory_space<vmem>>[vector<16xi32>], vector<16xf32>,
        %add3A_734 = vector.broadcast %add3A_699 : i32 to vector<16xi32>
        %add3A_735 = arith.addi %add3A_222, %add3A_734 : vector<16xi32>
        tpu.vector_store_idx %arg9[%add3A_735], %gather3A_710 : memref<16384xf32, #tpu.memory_space<vmem>>[vector<16xi32>], vector<16xf32>,
        %add3A_736 = vector.broadcast %add3A_699 : i32 to vector<16xi32>
        %add3A_737 = arith.addi %add3A_236, %add3A_736 : vector<16xi32>
        tpu.vector_store_idx %arg9[%add3A_737], %gather3A_711 : memref<16384xf32, #tpu.memory_space<vmem>>[vector<16xi32>], vector<16xf32>,
        %add3A_738 = vector.broadcast %add3A_699 : i32 to vector<16xi32>
        %add3A_739 = arith.addi %add3A_250, %add3A_738 : vector<16xi32>
        tpu.vector_store_idx %arg9[%add3A_739], %gather3A_712 : memref<16384xf32, #tpu.memory_space<vmem>>[vector<16xi32>], vector<16xf32>,
        %add3A_740 = vector.broadcast %add3A_699 : i32 to vector<16xi32>
        %add3A_741 = arith.addi %add3A_264, %add3A_740 : vector<16xi32>
        tpu.vector_store_idx %arg9[%add3A_741], %gather3A_713 : memref<16384xf32, #tpu.memory_space<vmem>>[vector<16xi32>], vector<16xf32>,
        %add3A_742 = vector.broadcast %add3A_699 : i32 to vector<16xi32>
        %add3A_743 = arith.addi %add3A_278, %add3A_742 : vector<16xi32>
        tpu.vector_store_idx %arg9[%add3A_743], %gather3A_714 : memref<16384xf32, #tpu.memory_space<vmem>>[vector<16xi32>], vector<16xf32>,
        %add3A_744 = vector.broadcast %add3A_699 : i32 to vector<16xi32>
        %add3A_745 = arith.addi %add3A_292, %add3A_744 : vector<16xi32>
        tpu.vector_store_idx %arg9[%add3A_745], %gather3A_715 : memref<16384xf32, #tpu.memory_space<vmem>>[vector<16xi32>], vector<16xf32>,
        %add3A_746 = vector.broadcast %add3A_699 : i32 to vector<16xi32>
        %add3A_747 = arith.addi %add3A_306, %add3A_746 : vector<16xi32>
        tpu.vector_store_idx %arg9[%add3A_747], %gather3A_716 : memref<16384xf32, #tpu.memory_space<vmem>>[vector<16xi32>], vector<16xf32>,
        %add3A_748 = vector.broadcast %add3A_699 : i32 to vector<16xi32>
        %add3A_749 = arith.addi %add3A_320, %add3A_748 : vector<16xi32>
        tpu.vector_store_idx %arg9[%add3A_749], %gather3A_717 : memref<16384xf32, #tpu.memory_space<vmem>>[vector<16xi32>], vector<16xf32>,
        %mul3A_750 = arith.constant 128 : i32
        %mul3A_751 = arith.muli %scan3A_518, %mul3A_750 : i32
        %add3A_752 = arith.constant 64 : i32
        %add3A_753 = arith.addi %mul3A_751, %add3A_752 : i32
        %mul3A_754 = arith.constant 1024 : i32
        %mul3A_755 = arith.muli %scan3A_518, %mul3A_754 : i32
        %add3A_756 = arith.constant 64 : i32
        %add3A_757 = arith.addi %mul3A_755, %add3A_756 : i32
        %add3A_758 = vector.broadcast %add3A_753 : i32 to vector<16xi32>
        %add3A_759 = arith.addi %iota3A, %add3A_758 : vector<16xi32>
        %gather3A_760 = tpu.vector_load_idx %arg7[%add3A_759, %and3A_7] : memref<1024x16xf32, #tpu.memory_space<vmem>>[vector<16xi32>, vector<16xi32>], vector<16xf32>,
        %gather3A_761 = tpu.vector_load_idx %arg7[%add3A_759, %and3A_13] : memref<1024x16xf32, #tpu.memory_space<vmem>>[vector<16xi32>, vector<16xi32>], vector<16xf32>,
        %gather3A_762 = tpu.vector_load_idx %arg7[%add3A_759, %and3A_19] : memref<1024x16xf32, #tpu.memory_space<vmem>>[vector<16xi32>, vector<16xi32>], vector<16xf32>,
        %gather3A_763 = tpu.vector_load_idx %arg7[%add3A_759, %and3A_25] : memref<1024x16xf32, #tpu.memory_space<vmem>>[vector<16xi32>, vector<16xi32>], vector<16xf32>,
        %gather3A_764 = tpu.vector_load_idx %arg7[%add3A_759, %and3A_31] : memref<1024x16xf32, #tpu.memory_space<vmem>>[vector<16xi32>, vector<16xi32>], vector<16xf32>,
        %gather3A_765 = tpu.vector_load_idx %arg7[%add3A_759, %and3A_37] : memref<1024x16xf32, #tpu.memory_space<vmem>>[vector<16xi32>, vector<16xi32>], vector<16xf32>,
        %gather3A_766 = tpu.vector_load_idx %arg7[%add3A_759, %and3A_43] : memref<1024x16xf32, #tpu.memory_space<vmem>>[vector<16xi32>, vector<16xi32>], vector<16xf32>,
        %gather3A_767 = tpu.vector_load_idx %arg7[%add3A_759, %and3A_49] : memref<1024x16xf32, #tpu.memory_space<vmem>>[vector<16xi32>, vector<16xi32>], vector<16xf32>,
        %gather3A_768 = tpu.vector_load_idx %arg7[%add3A_759, %and3A_55] : memref<1024x16xf32, #tpu.memory_space<vmem>>[vector<16xi32>, vector<16xi32>], vector<16xf32>,
        %gather3A_769 = tpu.vector_load_idx %arg7[%add3A_759, %and3A_61] : memref<1024x16xf32, #tpu.memory_space<vmem>>[vector<16xi32>, vector<16xi32>], vector<16xf32>,
        %gather3A_770 = tpu.vector_load_idx %arg7[%add3A_759, %and3A_67] : memref<1024x16xf32, #tpu.memory_space<vmem>>[vector<16xi32>, vector<16xi32>], vector<16xf32>,
        %gather3A_771 = tpu.vector_load_idx %arg7[%add3A_759, %and3A_73] : memref<1024x16xf32, #tpu.memory_space<vmem>>[vector<16xi32>, vector<16xi32>], vector<16xf32>,
        %gather3A_772 = tpu.vector_load_idx %arg7[%add3A_759, %and3A_79] : memref<1024x16xf32, #tpu.memory_space<vmem>>[vector<16xi32>, vector<16xi32>], vector<16xf32>,
        %gather3A_773 = tpu.vector_load_idx %arg7[%add3A_759, %and3A_85] : memref<1024x16xf32, #tpu.memory_space<vmem>>[vector<16xi32>, vector<16xi32>], vector<16xf32>,
        %gather3A_774 = tpu.vector_load_idx %arg7[%add3A_759, %and3A_91] : memref<1024x16xf32, #tpu.memory_space<vmem>>[vector<16xi32>, vector<16xi32>], vector<16xf32>,
        %gather3A_775 = tpu.vector_load_idx %arg7[%add3A_759, %and3A_97] : memref<1024x16xf32, #tpu.memory_space<vmem>>[vector<16xi32>, vector<16xi32>], vector<16xf32>,
        %add3A_776 = vector.broadcast %add3A_757 : i32 to vector<16xi32>
        %add3A_777 = arith.addi %add3A_110, %add3A_776 : vector<16xi32>
        tpu.vector_store_idx %arg9[%add3A_777], %gather3A_760 : memref<16384xf32, #tpu.memory_space<vmem>>[vector<16xi32>], vector<16xf32>,
        %add3A_778 = vector.broadcast %add3A_757 : i32 to vector<16xi32>
        %add3A_779 = arith.addi %add3A_124, %add3A_778 : vector<16xi32>
        tpu.vector_store_idx %arg9[%add3A_779], %gather3A_761 : memref<16384xf32, #tpu.memory_space<vmem>>[vector<16xi32>], vector<16xf32>,
        %add3A_780 = vector.broadcast %add3A_757 : i32 to vector<16xi32>
        %add3A_781 = arith.addi %add3A_138, %add3A_780 : vector<16xi32>
        tpu.vector_store_idx %arg9[%add3A_781], %gather3A_762 : memref<16384xf32, #tpu.memory_space<vmem>>[vector<16xi32>], vector<16xf32>,
        %add3A_782 = vector.broadcast %add3A_757 : i32 to vector<16xi32>
        %add3A_783 = arith.addi %add3A_152, %add3A_782 : vector<16xi32>
        tpu.vector_store_idx %arg9[%add3A_783], %gather3A_763 : memref<16384xf32, #tpu.memory_space<vmem>>[vector<16xi32>], vector<16xf32>,
        %add3A_784 = vector.broadcast %add3A_757 : i32 to vector<16xi32>
        %add3A_785 = arith.addi %add3A_166, %add3A_784 : vector<16xi32>
        tpu.vector_store_idx %arg9[%add3A_785], %gather3A_764 : memref<16384xf32, #tpu.memory_space<vmem>>[vector<16xi32>], vector<16xf32>,
        %add3A_786 = vector.broadcast %add3A_757 : i32 to vector<16xi32>
        %add3A_787 = arith.addi %add3A_180, %add3A_786 : vector<16xi32>
        tpu.vector_store_idx %arg9[%add3A_787], %gather3A_765 : memref<16384xf32, #tpu.memory_space<vmem>>[vector<16xi32>], vector<16xf32>,
        %add3A_788 = vector.broadcast %add3A_757 : i32 to vector<16xi32>
        %add3A_789 = arith.addi %add3A_194, %add3A_788 : vector<16xi32>
        tpu.vector_store_idx %arg9[%add3A_789], %gather3A_766 : memref<16384xf32, #tpu.memory_space<vmem>>[vector<16xi32>], vector<16xf32>,
        %add3A_790 = vector.broadcast %add3A_757 : i32 to vector<16xi32>
        %add3A_791 = arith.addi %add3A_208, %add3A_790 : vector<16xi32>
        tpu.vector_store_idx %arg9[%add3A_791], %gather3A_767 : memref<16384xf32, #tpu.memory_space<vmem>>[vector<16xi32>], vector<16xf32>,
        %add3A_792 = vector.broadcast %add3A_757 : i32 to vector<16xi32>
        %add3A_793 = arith.addi %add3A_222, %add3A_792 : vector<16xi32>
        tpu.vector_store_idx %arg9[%add3A_793], %gather3A_768 : memref<16384xf32, #tpu.memory_space<vmem>>[vector<16xi32>], vector<16xf32>,
        %add3A_794 = vector.broadcast %add3A_757 : i32 to vector<16xi32>
        %add3A_795 = arith.addi %add3A_236, %add3A_794 : vector<16xi32>
        tpu.vector_store_idx %arg9[%add3A_795], %gather3A_769 : memref<16384xf32, #tpu.memory_space<vmem>>[vector<16xi32>], vector<16xf32>,
        %add3A_796 = vector.broadcast %add3A_757 : i32 to vector<16xi32>
        %add3A_797 = arith.addi %add3A_250, %add3A_796 : vector<16xi32>
        tpu.vector_store_idx %arg9[%add3A_797], %gather3A_770 : memref<16384xf32, #tpu.memory_space<vmem>>[vector<16xi32>], vector<16xf32>,
        %add3A_798 = vector.broadcast %add3A_757 : i32 to vector<16xi32>
        %add3A_799 = arith.addi %add3A_264, %add3A_798 : vector<16xi32>
        tpu.vector_store_idx %arg9[%add3A_799], %gather3A_771 : memref<16384xf32, #tpu.memory_space<vmem>>[vector<16xi32>], vector<16xf32>,
        %add3A_800 = vector.broadcast %add3A_757 : i32 to vector<16xi32>
        %add3A_801 = arith.addi %add3A_278, %add3A_800 : vector<16xi32>
        tpu.vector_store_idx %arg9[%add3A_801], %gather3A_772 : memref<16384xf32, #tpu.memory_space<vmem>>[vector<16xi32>], vector<16xf32>,
        %add3A_802 = vector.broadcast %add3A_757 : i32 to vector<16xi32>
        %add3A_803 = arith.addi %add3A_292, %add3A_802 : vector<16xi32>
        tpu.vector_store_idx %arg9[%add3A_803], %gather3A_773 : memref<16384xf32, #tpu.memory_space<vmem>>[vector<16xi32>], vector<16xf32>,
        %add3A_804 = vector.broadcast %add3A_757 : i32 to vector<16xi32>
        %add3A_805 = arith.addi %add3A_306, %add3A_804 : vector<16xi32>
        tpu.vector_store_idx %arg9[%add3A_805], %gather3A_774 : memref<16384xf32, #tpu.memory_space<vmem>>[vector<16xi32>], vector<16xf32>,
        %add3A_806 = vector.broadcast %add3A_757 : i32 to vector<16xi32>
        %add3A_807 = arith.addi %add3A_320, %add3A_806 : vector<16xi32>
        tpu.vector_store_idx %arg9[%add3A_807], %gather3A_775 : memref<16384xf32, #tpu.memory_space<vmem>>[vector<16xi32>], vector<16xf32>,
        %mul3A_808 = arith.constant 128 : i32
        %mul3A_809 = arith.muli %scan3A_518, %mul3A_808 : i32
        %add3A_810 = arith.constant 80 : i32
        %add3A_811 = arith.addi %mul3A_809, %add3A_810 : i32
        %mul3A_812 = arith.constant 1024 : i32
        %mul3A_813 = arith.muli %scan3A_518, %mul3A_812 : i32
        %add3A_814 = arith.constant 80 : i32
        %add3A_815 = arith.addi %mul3A_813, %add3A_814 : i32
        %add3A_816 = vector.broadcast %add3A_811 : i32 to vector<16xi32>
        %add3A_817 = arith.addi %iota3A, %add3A_816 : vector<16xi32>
        %gather3A_818 = tpu.vector_load_idx %arg7[%add3A_817, %and3A_7] : memref<1024x16xf32, #tpu.memory_space<vmem>>[vector<16xi32>, vector<16xi32>], vector<16xf32>,
        %gather3A_819 = tpu.vector_load_idx %arg7[%add3A_817, %and3A_13] : memref<1024x16xf32, #tpu.memory_space<vmem>>[vector<16xi32>, vector<16xi32>], vector<16xf32>,
        %gather3A_820 = tpu.vector_load_idx %arg7[%add3A_817, %and3A_19] : memref<1024x16xf32, #tpu.memory_space<vmem>>[vector<16xi32>, vector<16xi32>], vector<16xf32>,
        %gather3A_821 = tpu.vector_load_idx %arg7[%add3A_817, %and3A_25] : memref<1024x16xf32, #tpu.memory_space<vmem>>[vector<16xi32>, vector<16xi32>], vector<16xf32>,
        %gather3A_822 = tpu.vector_load_idx %arg7[%add3A_817, %and3A_31] : memref<1024x16xf32, #tpu.memory_space<vmem>>[vector<16xi32>, vector<16xi32>], vector<16xf32>,
        %gather3A_823 = tpu.vector_load_idx %arg7[%add3A_817, %and3A_37] : memref<1024x16xf32, #tpu.memory_space<vmem>>[vector<16xi32>, vector<16xi32>], vector<16xf32>,
        %gather3A_824 = tpu.vector_load_idx %arg7[%add3A_817, %and3A_43] : memref<1024x16xf32, #tpu.memory_space<vmem>>[vector<16xi32>, vector<16xi32>], vector<16xf32>,
        %gather3A_825 = tpu.vector_load_idx %arg7[%add3A_817, %and3A_49] : memref<1024x16xf32, #tpu.memory_space<vmem>>[vector<16xi32>, vector<16xi32>], vector<16xf32>,
        %gather3A_826 = tpu.vector_load_idx %arg7[%add3A_817, %and3A_55] : memref<1024x16xf32, #tpu.memory_space<vmem>>[vector<16xi32>, vector<16xi32>], vector<16xf32>,
        %gather3A_827 = tpu.vector_load_idx %arg7[%add3A_817, %and3A_61] : memref<1024x16xf32, #tpu.memory_space<vmem>>[vector<16xi32>, vector<16xi32>], vector<16xf32>,
        %gather3A_828 = tpu.vector_load_idx %arg7[%add3A_817, %and3A_67] : memref<1024x16xf32, #tpu.memory_space<vmem>>[vector<16xi32>, vector<16xi32>], vector<16xf32>,
        %gather3A_829 = tpu.vector_load_idx %arg7[%add3A_817, %and3A_73] : memref<1024x16xf32, #tpu.memory_space<vmem>>[vector<16xi32>, vector<16xi32>], vector<16xf32>,
        %gather3A_830 = tpu.vector_load_idx %arg7[%add3A_817, %and3A_79] : memref<1024x16xf32, #tpu.memory_space<vmem>>[vector<16xi32>, vector<16xi32>], vector<16xf32>,
        %gather3A_831 = tpu.vector_load_idx %arg7[%add3A_817, %and3A_85] : memref<1024x16xf32, #tpu.memory_space<vmem>>[vector<16xi32>, vector<16xi32>], vector<16xf32>,
        %gather3A_832 = tpu.vector_load_idx %arg7[%add3A_817, %and3A_91] : memref<1024x16xf32, #tpu.memory_space<vmem>>[vector<16xi32>, vector<16xi32>], vector<16xf32>,
        %gather3A_833 = tpu.vector_load_idx %arg7[%add3A_817, %and3A_97] : memref<1024x16xf32, #tpu.memory_space<vmem>>[vector<16xi32>, vector<16xi32>], vector<16xf32>,
        %add3A_834 = vector.broadcast %add3A_815 : i32 to vector<16xi32>
        %add3A_835 = arith.addi %add3A_110, %add3A_834 : vector<16xi32>
        tpu.vector_store_idx %arg9[%add3A_835], %gather3A_818 : memref<16384xf32, #tpu.memory_space<vmem>>[vector<16xi32>], vector<16xf32>,
        %add3A_836 = vector.broadcast %add3A_815 : i32 to vector<16xi32>
        %add3A_837 = arith.addi %add3A_124, %add3A_836 : vector<16xi32>
        tpu.vector_store_idx %arg9[%add3A_837], %gather3A_819 : memref<16384xf32, #tpu.memory_space<vmem>>[vector<16xi32>], vector<16xf32>,
        %add3A_838 = vector.broadcast %add3A_815 : i32 to vector<16xi32>
        %add3A_839 = arith.addi %add3A_138, %add3A_838 : vector<16xi32>
        tpu.vector_store_idx %arg9[%add3A_839], %gather3A_820 : memref<16384xf32, #tpu.memory_space<vmem>>[vector<16xi32>], vector<16xf32>,
        %add3A_840 = vector.broadcast %add3A_815 : i32 to vector<16xi32>
        %add3A_841 = arith.addi %add3A_152, %add3A_840 : vector<16xi32>
        tpu.vector_store_idx %arg9[%add3A_841], %gather3A_821 : memref<16384xf32, #tpu.memory_space<vmem>>[vector<16xi32>], vector<16xf32>,
        %add3A_842 = vector.broadcast %add3A_815 : i32 to vector<16xi32>
        %add3A_843 = arith.addi %add3A_166, %add3A_842 : vector<16xi32>
        tpu.vector_store_idx %arg9[%add3A_843], %gather3A_822 : memref<16384xf32, #tpu.memory_space<vmem>>[vector<16xi32>], vector<16xf32>,
        %add3A_844 = vector.broadcast %add3A_815 : i32 to vector<16xi32>
        %add3A_845 = arith.addi %add3A_180, %add3A_844 : vector<16xi32>
        tpu.vector_store_idx %arg9[%add3A_845], %gather3A_823 : memref<16384xf32, #tpu.memory_space<vmem>>[vector<16xi32>], vector<16xf32>,
        %add3A_846 = vector.broadcast %add3A_815 : i32 to vector<16xi32>
        %add3A_847 = arith.addi %add3A_194, %add3A_846 : vector<16xi32>
        tpu.vector_store_idx %arg9[%add3A_847], %gather3A_824 : memref<16384xf32, #tpu.memory_space<vmem>>[vector<16xi32>], vector<16xf32>,
        %add3A_848 = vector.broadcast %add3A_815 : i32 to vector<16xi32>
        %add3A_849 = arith.addi %add3A_208, %add3A_848 : vector<16xi32>
        tpu.vector_store_idx %arg9[%add3A_849], %gather3A_825 : memref<16384xf32, #tpu.memory_space<vmem>>[vector<16xi32>], vector<16xf32>,
        %add3A_850 = vector.broadcast %add3A_815 : i32 to vector<16xi32>
        %add3A_851 = arith.addi %add3A_222, %add3A_850 : vector<16xi32>
        tpu.vector_store_idx %arg9[%add3A_851], %gather3A_826 : memref<16384xf32, #tpu.memory_space<vmem>>[vector<16xi32>], vector<16xf32>,
        %add3A_852 = vector.broadcast %add3A_815 : i32 to vector<16xi32>
        %add3A_853 = arith.addi %add3A_236, %add3A_852 : vector<16xi32>
        tpu.vector_store_idx %arg9[%add3A_853], %gather3A_827 : memref<16384xf32, #tpu.memory_space<vmem>>[vector<16xi32>], vector<16xf32>,
        %add3A_854 = vector.broadcast %add3A_815 : i32 to vector<16xi32>
        %add3A_855 = arith.addi %add3A_250, %add3A_854 : vector<16xi32>
        tpu.vector_store_idx %arg9[%add3A_855], %gather3A_828 : memref<16384xf32, #tpu.memory_space<vmem>>[vector<16xi32>], vector<16xf32>,
        %add3A_856 = vector.broadcast %add3A_815 : i32 to vector<16xi32>
        %add3A_857 = arith.addi %add3A_264, %add3A_856 : vector<16xi32>
        tpu.vector_store_idx %arg9[%add3A_857], %gather3A_829 : memref<16384xf32, #tpu.memory_space<vmem>>[vector<16xi32>], vector<16xf32>,
        %add3A_858 = vector.broadcast %add3A_815 : i32 to vector<16xi32>
        %add3A_859 = arith.addi %add3A_278, %add3A_858 : vector<16xi32>
        tpu.vector_store_idx %arg9[%add3A_859], %gather3A_830 : memref<16384xf32, #tpu.memory_space<vmem>>[vector<16xi32>], vector<16xf32>,
        %add3A_860 = vector.broadcast %add3A_815 : i32 to vector<16xi32>
        %add3A_861 = arith.addi %add3A_292, %add3A_860 : vector<16xi32>
        tpu.vector_store_idx %arg9[%add3A_861], %gather3A_831 : memref<16384xf32, #tpu.memory_space<vmem>>[vector<16xi32>], vector<16xf32>,
        %add3A_862 = vector.broadcast %add3A_815 : i32 to vector<16xi32>
        %add3A_863 = arith.addi %add3A_306, %add3A_862 : vector<16xi32>
        tpu.vector_store_idx %arg9[%add3A_863], %gather3A_832 : memref<16384xf32, #tpu.memory_space<vmem>>[vector<16xi32>], vector<16xf32>,
        %add3A_864 = vector.broadcast %add3A_815 : i32 to vector<16xi32>
        %add3A_865 = arith.addi %add3A_320, %add3A_864 : vector<16xi32>
        tpu.vector_store_idx %arg9[%add3A_865], %gather3A_833 : memref<16384xf32, #tpu.memory_space<vmem>>[vector<16xi32>], vector<16xf32>,
        %mul3A_866 = arith.constant 128 : i32
        %mul3A_867 = arith.muli %scan3A_518, %mul3A_866 : i32
        %add3A_868 = arith.constant 96 : i32
        %add3A_869 = arith.addi %mul3A_867, %add3A_868 : i32
        %mul3A_870 = arith.constant 1024 : i32
        %mul3A_871 = arith.muli %scan3A_518, %mul3A_870 : i32
        %add3A_872 = arith.constant 96 : i32
        %add3A_873 = arith.addi %mul3A_871, %add3A_872 : i32
        %add3A_874 = vector.broadcast %add3A_869 : i32 to vector<16xi32>
        %add3A_875 = arith.addi %iota3A, %add3A_874 : vector<16xi32>
        %gather3A_876 = tpu.vector_load_idx %arg7[%add3A_875, %and3A_7] : memref<1024x16xf32, #tpu.memory_space<vmem>>[vector<16xi32>, vector<16xi32>], vector<16xf32>,
        %gather3A_877 = tpu.vector_load_idx %arg7[%add3A_875, %and3A_13] : memref<1024x16xf32, #tpu.memory_space<vmem>>[vector<16xi32>, vector<16xi32>], vector<16xf32>,
        %gather3A_878 = tpu.vector_load_idx %arg7[%add3A_875, %and3A_19] : memref<1024x16xf32, #tpu.memory_space<vmem>>[vector<16xi32>, vector<16xi32>], vector<16xf32>,
        %gather3A_879 = tpu.vector_load_idx %arg7[%add3A_875, %and3A_25] : memref<1024x16xf32, #tpu.memory_space<vmem>>[vector<16xi32>, vector<16xi32>], vector<16xf32>,
        %gather3A_880 = tpu.vector_load_idx %arg7[%add3A_875, %and3A_31] : memref<1024x16xf32, #tpu.memory_space<vmem>>[vector<16xi32>, vector<16xi32>], vector<16xf32>,
        %gather3A_881 = tpu.vector_load_idx %arg7[%add3A_875, %and3A_37] : memref<1024x16xf32, #tpu.memory_space<vmem>>[vector<16xi32>, vector<16xi32>], vector<16xf32>,
        %gather3A_882 = tpu.vector_load_idx %arg7[%add3A_875, %and3A_43] : memref<1024x16xf32, #tpu.memory_space<vmem>>[vector<16xi32>, vector<16xi32>], vector<16xf32>,
        %gather3A_883 = tpu.vector_load_idx %arg7[%add3A_875, %and3A_49] : memref<1024x16xf32, #tpu.memory_space<vmem>>[vector<16xi32>, vector<16xi32>], vector<16xf32>,
        %gather3A_884 = tpu.vector_load_idx %arg7[%add3A_875, %and3A_55] : memref<1024x16xf32, #tpu.memory_space<vmem>>[vector<16xi32>, vector<16xi32>], vector<16xf32>,
        %gather3A_885 = tpu.vector_load_idx %arg7[%add3A_875, %and3A_61] : memref<1024x16xf32, #tpu.memory_space<vmem>>[vector<16xi32>, vector<16xi32>], vector<16xf32>,
        %gather3A_886 = tpu.vector_load_idx %arg7[%add3A_875, %and3A_67] : memref<1024x16xf32, #tpu.memory_space<vmem>>[vector<16xi32>, vector<16xi32>], vector<16xf32>,
        %gather3A_887 = tpu.vector_load_idx %arg7[%add3A_875, %and3A_73] : memref<1024x16xf32, #tpu.memory_space<vmem>>[vector<16xi32>, vector<16xi32>], vector<16xf32>,
        %gather3A_888 = tpu.vector_load_idx %arg7[%add3A_875, %and3A_79] : memref<1024x16xf32, #tpu.memory_space<vmem>>[vector<16xi32>, vector<16xi32>], vector<16xf32>,
        %gather3A_889 = tpu.vector_load_idx %arg7[%add3A_875, %and3A_85] : memref<1024x16xf32, #tpu.memory_space<vmem>>[vector<16xi32>, vector<16xi32>], vector<16xf32>,
        %gather3A_890 = tpu.vector_load_idx %arg7[%add3A_875, %and3A_91] : memref<1024x16xf32, #tpu.memory_space<vmem>>[vector<16xi32>, vector<16xi32>], vector<16xf32>,
        %gather3A_891 = tpu.vector_load_idx %arg7[%add3A_875, %and3A_97] : memref<1024x16xf32, #tpu.memory_space<vmem>>[vector<16xi32>, vector<16xi32>], vector<16xf32>,
        %add3A_892 = vector.broadcast %add3A_873 : i32 to vector<16xi32>
        %add3A_893 = arith.addi %add3A_110, %add3A_892 : vector<16xi32>
        tpu.vector_store_idx %arg9[%add3A_893], %gather3A_876 : memref<16384xf32, #tpu.memory_space<vmem>>[vector<16xi32>], vector<16xf32>,
        %add3A_894 = vector.broadcast %add3A_873 : i32 to vector<16xi32>
        %add3A_895 = arith.addi %add3A_124, %add3A_894 : vector<16xi32>
        tpu.vector_store_idx %arg9[%add3A_895], %gather3A_877 : memref<16384xf32, #tpu.memory_space<vmem>>[vector<16xi32>], vector<16xf32>,
        %add3A_896 = vector.broadcast %add3A_873 : i32 to vector<16xi32>
        %add3A_897 = arith.addi %add3A_138, %add3A_896 : vector<16xi32>
        tpu.vector_store_idx %arg9[%add3A_897], %gather3A_878 : memref<16384xf32, #tpu.memory_space<vmem>>[vector<16xi32>], vector<16xf32>,
        %add3A_898 = vector.broadcast %add3A_873 : i32 to vector<16xi32>
        %add3A_899 = arith.addi %add3A_152, %add3A_898 : vector<16xi32>
        tpu.vector_store_idx %arg9[%add3A_899], %gather3A_879 : memref<16384xf32, #tpu.memory_space<vmem>>[vector<16xi32>], vector<16xf32>,
        %add3A_900 = vector.broadcast %add3A_873 : i32 to vector<16xi32>
        %add3A_901 = arith.addi %add3A_166, %add3A_900 : vector<16xi32>
        tpu.vector_store_idx %arg9[%add3A_901], %gather3A_880 : memref<16384xf32, #tpu.memory_space<vmem>>[vector<16xi32>], vector<16xf32>,
        %add3A_902 = vector.broadcast %add3A_873 : i32 to vector<16xi32>
        %add3A_903 = arith.addi %add3A_180, %add3A_902 : vector<16xi32>
        tpu.vector_store_idx %arg9[%add3A_903], %gather3A_881 : memref<16384xf32, #tpu.memory_space<vmem>>[vector<16xi32>], vector<16xf32>,
        %add3A_904 = vector.broadcast %add3A_873 : i32 to vector<16xi32>
        %add3A_905 = arith.addi %add3A_194, %add3A_904 : vector<16xi32>
        tpu.vector_store_idx %arg9[%add3A_905], %gather3A_882 : memref<16384xf32, #tpu.memory_space<vmem>>[vector<16xi32>], vector<16xf32>,
        %add3A_906 = vector.broadcast %add3A_873 : i32 to vector<16xi32>
        %add3A_907 = arith.addi %add3A_208, %add3A_906 : vector<16xi32>
        tpu.vector_store_idx %arg9[%add3A_907], %gather3A_883 : memref<16384xf32, #tpu.memory_space<vmem>>[vector<16xi32>], vector<16xf32>,
        %add3A_908 = vector.broadcast %add3A_873 : i32 to vector<16xi32>
        %add3A_909 = arith.addi %add3A_222, %add3A_908 : vector<16xi32>
        tpu.vector_store_idx %arg9[%add3A_909], %gather3A_884 : memref<16384xf32, #tpu.memory_space<vmem>>[vector<16xi32>], vector<16xf32>,
        %add3A_910 = vector.broadcast %add3A_873 : i32 to vector<16xi32>
        %add3A_911 = arith.addi %add3A_236, %add3A_910 : vector<16xi32>
        tpu.vector_store_idx %arg9[%add3A_911], %gather3A_885 : memref<16384xf32, #tpu.memory_space<vmem>>[vector<16xi32>], vector<16xf32>,
        %add3A_912 = vector.broadcast %add3A_873 : i32 to vector<16xi32>
        %add3A_913 = arith.addi %add3A_250, %add3A_912 : vector<16xi32>
        tpu.vector_store_idx %arg9[%add3A_913], %gather3A_886 : memref<16384xf32, #tpu.memory_space<vmem>>[vector<16xi32>], vector<16xf32>,
        %add3A_914 = vector.broadcast %add3A_873 : i32 to vector<16xi32>
        %add3A_915 = arith.addi %add3A_264, %add3A_914 : vector<16xi32>
        tpu.vector_store_idx %arg9[%add3A_915], %gather3A_887 : memref<16384xf32, #tpu.memory_space<vmem>>[vector<16xi32>], vector<16xf32>,
        %add3A_916 = vector.broadcast %add3A_873 : i32 to vector<16xi32>
        %add3A_917 = arith.addi %add3A_278, %add3A_916 : vector<16xi32>
        tpu.vector_store_idx %arg9[%add3A_917], %gather3A_888 : memref<16384xf32, #tpu.memory_space<vmem>>[vector<16xi32>], vector<16xf32>,
        %add3A_918 = vector.broadcast %add3A_873 : i32 to vector<16xi32>
        %add3A_919 = arith.addi %add3A_292, %add3A_918 : vector<16xi32>
        tpu.vector_store_idx %arg9[%add3A_919], %gather3A_889 : memref<16384xf32, #tpu.memory_space<vmem>>[vector<16xi32>], vector<16xf32>,
        %add3A_920 = vector.broadcast %add3A_873 : i32 to vector<16xi32>
        %add3A_921 = arith.addi %add3A_306, %add3A_920 : vector<16xi32>
        tpu.vector_store_idx %arg9[%add3A_921], %gather3A_890 : memref<16384xf32, #tpu.memory_space<vmem>>[vector<16xi32>], vector<16xf32>,
        %add3A_922 = vector.broadcast %add3A_873 : i32 to vector<16xi32>
        %add3A_923 = arith.addi %add3A_320, %add3A_922 : vector<16xi32>
        tpu.vector_store_idx %arg9[%add3A_923], %gather3A_891 : memref<16384xf32, #tpu.memory_space<vmem>>[vector<16xi32>], vector<16xf32>,
        %mul3A_924 = arith.constant 128 : i32
        %mul3A_925 = arith.muli %scan3A_518, %mul3A_924 : i32
        %add3A_926 = arith.constant 112 : i32
        %add3A_927 = arith.addi %mul3A_925, %add3A_926 : i32
        %mul3A_928 = arith.constant 1024 : i32
        %mul3A_929 = arith.muli %scan3A_518, %mul3A_928 : i32
        %add3A_930 = arith.constant 112 : i32
        %add3A_931 = arith.addi %mul3A_929, %add3A_930 : i32
        %add3A_932 = vector.broadcast %add3A_927 : i32 to vector<16xi32>
        %add3A_933 = arith.addi %iota3A, %add3A_932 : vector<16xi32>
        %gather3A_934 = tpu.vector_load_idx %arg7[%add3A_933, %and3A_7] : memref<1024x16xf32, #tpu.memory_space<vmem>>[vector<16xi32>, vector<16xi32>], vector<16xf32>,
        %gather3A_935 = tpu.vector_load_idx %arg7[%add3A_933, %and3A_13] : memref<1024x16xf32, #tpu.memory_space<vmem>>[vector<16xi32>, vector<16xi32>], vector<16xf32>,
        %gather3A_936 = tpu.vector_load_idx %arg7[%add3A_933, %and3A_19] : memref<1024x16xf32, #tpu.memory_space<vmem>>[vector<16xi32>, vector<16xi32>], vector<16xf32>,
        %gather3A_937 = tpu.vector_load_idx %arg7[%add3A_933, %and3A_25] : memref<1024x16xf32, #tpu.memory_space<vmem>>[vector<16xi32>, vector<16xi32>], vector<16xf32>,
        %gather3A_938 = tpu.vector_load_idx %arg7[%add3A_933, %and3A_31] : memref<1024x16xf32, #tpu.memory_space<vmem>>[vector<16xi32>, vector<16xi32>], vector<16xf32>,
        %gather3A_939 = tpu.vector_load_idx %arg7[%add3A_933, %and3A_37] : memref<1024x16xf32, #tpu.memory_space<vmem>>[vector<16xi32>, vector<16xi32>], vector<16xf32>,
        %gather3A_940 = tpu.vector_load_idx %arg7[%add3A_933, %and3A_43] : memref<1024x16xf32, #tpu.memory_space<vmem>>[vector<16xi32>, vector<16xi32>], vector<16xf32>,
        %gather3A_941 = tpu.vector_load_idx %arg7[%add3A_933, %and3A_49] : memref<1024x16xf32, #tpu.memory_space<vmem>>[vector<16xi32>, vector<16xi32>], vector<16xf32>,
        %gather3A_942 = tpu.vector_load_idx %arg7[%add3A_933, %and3A_55] : memref<1024x16xf32, #tpu.memory_space<vmem>>[vector<16xi32>, vector<16xi32>], vector<16xf32>,
        %gather3A_943 = tpu.vector_load_idx %arg7[%add3A_933, %and3A_61] : memref<1024x16xf32, #tpu.memory_space<vmem>>[vector<16xi32>, vector<16xi32>], vector<16xf32>,
        %gather3A_944 = tpu.vector_load_idx %arg7[%add3A_933, %and3A_67] : memref<1024x16xf32, #tpu.memory_space<vmem>>[vector<16xi32>, vector<16xi32>], vector<16xf32>,
        %gather3A_945 = tpu.vector_load_idx %arg7[%add3A_933, %and3A_73] : memref<1024x16xf32, #tpu.memory_space<vmem>>[vector<16xi32>, vector<16xi32>], vector<16xf32>,
        %gather3A_946 = tpu.vector_load_idx %arg7[%add3A_933, %and3A_79] : memref<1024x16xf32, #tpu.memory_space<vmem>>[vector<16xi32>, vector<16xi32>], vector<16xf32>,
        %gather3A_947 = tpu.vector_load_idx %arg7[%add3A_933, %and3A_85] : memref<1024x16xf32, #tpu.memory_space<vmem>>[vector<16xi32>, vector<16xi32>], vector<16xf32>,
        %gather3A_948 = tpu.vector_load_idx %arg7[%add3A_933, %and3A_91] : memref<1024x16xf32, #tpu.memory_space<vmem>>[vector<16xi32>, vector<16xi32>], vector<16xf32>,
        %gather3A_949 = tpu.vector_load_idx %arg7[%add3A_933, %and3A_97] : memref<1024x16xf32, #tpu.memory_space<vmem>>[vector<16xi32>, vector<16xi32>], vector<16xf32>,
        %add3A_950 = vector.broadcast %add3A_931 : i32 to vector<16xi32>
        %add3A_951 = arith.addi %add3A_110, %add3A_950 : vector<16xi32>
        tpu.vector_store_idx %arg9[%add3A_951], %gather3A_934 : memref<16384xf32, #tpu.memory_space<vmem>>[vector<16xi32>], vector<16xf32>,
        %add3A_952 = vector.broadcast %add3A_931 : i32 to vector<16xi32>
        %add3A_953 = arith.addi %add3A_124, %add3A_952 : vector<16xi32>
        tpu.vector_store_idx %arg9[%add3A_953], %gather3A_935 : memref<16384xf32, #tpu.memory_space<vmem>>[vector<16xi32>], vector<16xf32>,
        %add3A_954 = vector.broadcast %add3A_931 : i32 to vector<16xi32>
        %add3A_955 = arith.addi %add3A_138, %add3A_954 : vector<16xi32>
        tpu.vector_store_idx %arg9[%add3A_955], %gather3A_936 : memref<16384xf32, #tpu.memory_space<vmem>>[vector<16xi32>], vector<16xf32>,
        %add3A_956 = vector.broadcast %add3A_931 : i32 to vector<16xi32>
        %add3A_957 = arith.addi %add3A_152, %add3A_956 : vector<16xi32>
        tpu.vector_store_idx %arg9[%add3A_957], %gather3A_937 : memref<16384xf32, #tpu.memory_space<vmem>>[vector<16xi32>], vector<16xf32>,
        %add3A_958 = vector.broadcast %add3A_931 : i32 to vector<16xi32>
        %add3A_959 = arith.addi %add3A_166, %add3A_958 : vector<16xi32>
        tpu.vector_store_idx %arg9[%add3A_959], %gather3A_938 : memref<16384xf32, #tpu.memory_space<vmem>>[vector<16xi32>], vector<16xf32>,
        %add3A_960 = vector.broadcast %add3A_931 : i32 to vector<16xi32>
        %add3A_961 = arith.addi %add3A_180, %add3A_960 : vector<16xi32>
        tpu.vector_store_idx %arg9[%add3A_961], %gather3A_939 : memref<16384xf32, #tpu.memory_space<vmem>>[vector<16xi32>], vector<16xf32>,
        %add3A_962 = vector.broadcast %add3A_931 : i32 to vector<16xi32>
        %add3A_963 = arith.addi %add3A_194, %add3A_962 : vector<16xi32>
        tpu.vector_store_idx %arg9[%add3A_963], %gather3A_940 : memref<16384xf32, #tpu.memory_space<vmem>>[vector<16xi32>], vector<16xf32>,
        %add3A_964 = vector.broadcast %add3A_931 : i32 to vector<16xi32>
        %add3A_965 = arith.addi %add3A_208, %add3A_964 : vector<16xi32>
        tpu.vector_store_idx %arg9[%add3A_965], %gather3A_941 : memref<16384xf32, #tpu.memory_space<vmem>>[vector<16xi32>], vector<16xf32>,
        %add3A_966 = vector.broadcast %add3A_931 : i32 to vector<16xi32>
        %add3A_967 = arith.addi %add3A_222, %add3A_966 : vector<16xi32>
        tpu.vector_store_idx %arg9[%add3A_967], %gather3A_942 : memref<16384xf32, #tpu.memory_space<vmem>>[vector<16xi32>], vector<16xf32>,
        %add3A_968 = vector.broadcast %add3A_931 : i32 to vector<16xi32>
        %add3A_969 = arith.addi %add3A_236, %add3A_968 : vector<16xi32>
        tpu.vector_store_idx %arg9[%add3A_969], %gather3A_943 : memref<16384xf32, #tpu.memory_space<vmem>>[vector<16xi32>], vector<16xf32>,
        %add3A_970 = vector.broadcast %add3A_931 : i32 to vector<16xi32>
        %add3A_971 = arith.addi %add3A_250, %add3A_970 : vector<16xi32>
        tpu.vector_store_idx %arg9[%add3A_971], %gather3A_944 : memref<16384xf32, #tpu.memory_space<vmem>>[vector<16xi32>], vector<16xf32>,
        %add3A_972 = vector.broadcast %add3A_931 : i32 to vector<16xi32>
        %add3A_973 = arith.addi %add3A_264, %add3A_972 : vector<16xi32>
        tpu.vector_store_idx %arg9[%add3A_973], %gather3A_945 : memref<16384xf32, #tpu.memory_space<vmem>>[vector<16xi32>], vector<16xf32>,
        %add3A_974 = vector.broadcast %add3A_931 : i32 to vector<16xi32>
        %add3A_975 = arith.addi %add3A_278, %add3A_974 : vector<16xi32>
        tpu.vector_store_idx %arg9[%add3A_975], %gather3A_946 : memref<16384xf32, #tpu.memory_space<vmem>>[vector<16xi32>], vector<16xf32>,
        %add3A_976 = vector.broadcast %add3A_931 : i32 to vector<16xi32>
        %add3A_977 = arith.addi %add3A_292, %add3A_976 : vector<16xi32>
        tpu.vector_store_idx %arg9[%add3A_977], %gather3A_947 : memref<16384xf32, #tpu.memory_space<vmem>>[vector<16xi32>], vector<16xf32>,
        %add3A_978 = vector.broadcast %add3A_931 : i32 to vector<16xi32>
        %add3A_979 = arith.addi %add3A_306, %add3A_978 : vector<16xi32>
        tpu.vector_store_idx %arg9[%add3A_979], %gather3A_948 : memref<16384xf32, #tpu.memory_space<vmem>>[vector<16xi32>], vector<16xf32>,
        %add3A_980 = vector.broadcast %add3A_931 : i32 to vector<16xi32>
        %add3A_981 = arith.addi %add3A_320, %add3A_980 : vector<16xi32>
        tpu.vector_store_idx %arg9[%add3A_981], %gather3A_949 : memref<16384xf32, #tpu.memory_space<vmem>>[vector<16xi32>], vector<16xf32>,
      }
      %scan3A_490 = arith.constant 8 : i32
      %add3A_491 = arith.addi %mul3A_2, %add3A_458 : i32
      %shift_right_arithmetic3A_492 = arith.constant 4 : i32
      %shift_right_arithmetic3A_493 = arith.shrsi %add3A_491, %shift_right_arithmetic3A_492 : i32
      %and3A_494 = arith.constant 15 : i32
      %and3A_495 = arith.andi %add3A_491, %and3A_494 : i32
      %mul3A_496 = arith.constant 8192 : i32
      %mul3A_497 = arith.muli %and3A_495, %mul3A_496 : i32
      %dma_start3A_498 = arith.constant 0 : i32
      %dma_start3A_499 = arith.constant 0 : i32
      %dma_start3A_500 = tpu.memref_slice %arg9[%dma_start3A_499] : memref<16384xf32, #tpu.memory_space<vmem>> -> memref<8192xf32, #tpu.memory_space<vmem>>
      %dma_start3A_501 = tpu.memref_slice %arg4[%shift_right_arithmetic3A_493, %dma_start3A_498, %mul3A_497] : memref<200x2x131072xf32, #tpu.memory_space<hbm>> -> memref<1x1x8192xf32, #tpu.memory_space<hbm>>
      %dma_start3A_502 = tpu.memref_squeeze %dma_start3A_501 : memref<1x1x8192xf32, #tpu.memory_space<hbm>> -> memref<8192xf32, #tpu.memory_space<hbm>>
      %dma_start3A_503 = tpu.memref_slice %arg4[%shift_right_arithmetic3A_493, %dma_start3A_498, %mul3A_497] : memref<200x2x131072xf32, #tpu.memory_space<hbm>> -> memref<1x1x8192xf32, #tpu.memory_space<hbm>>
      %dma_start3A_504 = tpu.memref_squeeze %dma_start3A_503 : memref<1x1x8192xf32, #tpu.memory_space<hbm>> -> memref<8192xf32, #tpu.memory_space<hbm>>
      %dma_start3A_505 = arith.constant 0 : i32
      %dma_start3A_506 = tpu.memref_slice %arg9[%dma_start3A_505] : memref<16384xf32, #tpu.memory_space<vmem>> -> memref<8192xf32, #tpu.memory_space<vmem>>
      tpu.enqueue_dma source(%dma_start3A_506 : memref<8192xf32, #tpu.memory_space<vmem>>) target(%dma_start3A_504 : memref<8192xf32, #tpu.memory_space<hbm>>) target_semaphore(%arg11 : memref<!tpu.dma_semaphore, #tpu.memory_space<semaphore_mem>>)
      %mul3A_507 = arith.constant 8192 : i32
      %mul3A_508 = arith.muli %and3A_495, %mul3A_507 : i32
      %dma_start3A_509 = arith.constant 1 : i32
      %dma_start3A_510 = arith.constant 8192 : i32
      %dma_start3A_511 = tpu.memref_slice %arg9[%dma_start3A_510] : memref<16384xf32, #tpu.memory_space<vmem>> -> memref<8192xf32, #tpu.memory_space<vmem>>
      %dma_start3A_512 = tpu.memref_slice %arg4[%shift_right_arithmetic3A_493, %dma_start3A_509, %mul3A_508] : memref<200x2x131072xf32, #tpu.memory_space<hbm>> -> memref<1x1x8192xf32, #tpu.memory_space<hbm>>
      %dma_start3A_513 = tpu.memref_squeeze %dma_start3A_512 : memref<1x1x8192xf32, #tpu.memory_space<hbm>> -> memref<8192xf32, #tpu.memory_space<hbm>>
      %dma_start3A_514 = tpu.memref_slice %arg4[%shift_right_arithmetic3A_493, %dma_start3A_509, %mul3A_508] : memref<200x2x131072xf32, #tpu.memory_space<hbm>> -> memref<1x1x8192xf32, #tpu.memory_space<hbm>>
      %dma_start3A_515 = tpu.memref_squeeze %dma_start3A_514 : memref<1x1x8192xf32, #tpu.memory_space<hbm>> -> memref<8192xf32, #tpu.memory_space<hbm>>
      %dma_start3A_516 = arith.constant 8192 : i32
      %dma_start3A_517 = tpu.memref_slice %arg9[%dma_start3A_516] : memref<16384xf32, #tpu.memory_space<vmem>> -> memref<8192xf32, #tpu.memory_space<vmem>>
      tpu.enqueue_dma source(%dma_start3A_517 : memref<8192xf32, #tpu.memory_space<vmem>>) target(%dma_start3A_515 : memref<8192xf32, #tpu.memory_space<hbm>>) target_semaphore(%arg11 : memref<!tpu.dma_semaphore, #tpu.memory_space<semaphore_mem>>)
    }
    %scan3A_339 = arith.constant 50 : i32
    %add3A_340 = arith.constant 98 : i32
    %add3A_341 = arith.addi %mul3A_2, %add3A_340 : i32
    %shift_right_arithmetic3A_342 = arith.constant 4 : i32
    %shift_right_arithmetic3A_343 = arith.shrsi %add3A_341, %shift_right_arithmetic3A_342 : i32
    %and3A_344 = arith.constant 15 : i32
    %and3A_345 = arith.andi %add3A_341, %and3A_344 : i32
    %mul3A_346 = arith.constant 8192 : i32
    %mul3A_347 = arith.muli %and3A_345, %mul3A_346 : i32
    %dma_wait3A = arith.constant 0 : i32
    %dma_wait3A_348 = arith.constant 0 : i32
    %dma_wait3A_349 = tpu.memref_slice %arg8[%dma_wait3A_348] : memref<16384xf32, #tpu.memory_space<vmem>> -> memref<8192xf32, #tpu.memory_space<vmem>>
    %dma_wait3A_350 = tpu.memref_slice %arg4[%shift_right_arithmetic3A_343, %dma_wait3A, %mul3A_347] : memref<200x2x131072xf32, #tpu.memory_space<hbm>> -> memref<1x1x8192xf32, #tpu.memory_space<hbm>>
    %dma_wait3A_351 = tpu.memref_squeeze %dma_wait3A_350 : memref<1x1x8192xf32, #tpu.memory_space<hbm>> -> memref<8192xf32, #tpu.memory_space<hbm>>
    %dma_wait3A_352 = tpu.memref_slice %arg4[%shift_right_arithmetic3A_343, %dma_wait3A, %mul3A_347] : memref<200x2x131072xf32, #tpu.memory_space<hbm>> -> memref<1x1x8192xf32, #tpu.memory_space<hbm>>
    %dma_wait3A_353 = tpu.memref_squeeze %dma_wait3A_352 : memref<1x1x8192xf32, #tpu.memory_space<hbm>> -> memref<8192xf32, #tpu.memory_space<hbm>>
    %dma_wait3A_354 = arith.constant 0 : i32
    %dma_wait3A_355 = tpu.memref_slice %arg8[%dma_wait3A_354] : memref<16384xf32, #tpu.memory_space<vmem>> -> memref<8192xf32, #tpu.memory_space<vmem>>
    tpu.wait_dma2 semaphore(%arg11 : memref<!tpu.dma_semaphore, #tpu.memory_space<semaphore_mem>>) src(%dma_wait3A_355 : memref<8192xf32, #tpu.memory_space<vmem>>) dst(%dma_wait3A_353 : memref<8192xf32, #tpu.memory_space<hbm>>)
    %mul3A_356 = arith.constant 8192 : i32
    %mul3A_357 = arith.muli %and3A_345, %mul3A_356 : i32
    %dma_wait3A_358 = arith.constant 1 : i32
    %dma_wait3A_359 = arith.constant 8192 : i32
    %dma_wait3A_360 = tpu.memref_slice %arg8[%dma_wait3A_359] : memref<16384xf32, #tpu.memory_space<vmem>> -> memref<8192xf32, #tpu.memory_space<vmem>>
    %dma_wait3A_361 = tpu.memref_slice %arg4[%shift_right_arithmetic3A_343, %dma_wait3A_358, %mul3A_357] : memref<200x2x131072xf32, #tpu.memory_space<hbm>> -> memref<1x1x8192xf32, #tpu.memory_space<hbm>>
    %dma_wait3A_362 = tpu.memref_squeeze %dma_wait3A_361 : memref<1x1x8192xf32, #tpu.memory_space<hbm>> -> memref<8192xf32, #tpu.memory_space<hbm>>
    %dma_wait3A_363 = tpu.memref_slice %arg4[%shift_right_arithmetic3A_343, %dma_wait3A_358, %mul3A_357] : memref<200x2x131072xf32, #tpu.memory_space<hbm>> -> memref<1x1x8192xf32, #tpu.memory_space<hbm>>
    %dma_wait3A_364 = tpu.memref_squeeze %dma_wait3A_363 : memref<1x1x8192xf32, #tpu.memory_space<hbm>> -> memref<8192xf32, #tpu.memory_space<hbm>>
    %dma_wait3A_365 = arith.constant 8192 : i32
    %dma_wait3A_366 = tpu.memref_slice %arg8[%dma_wait3A_365] : memref<16384xf32, #tpu.memory_space<vmem>> -> memref<8192xf32, #tpu.memory_space<vmem>>
    tpu.wait_dma2 semaphore(%arg11 : memref<!tpu.dma_semaphore, #tpu.memory_space<semaphore_mem>>) src(%dma_wait3A_366 : memref<8192xf32, #tpu.memory_space<vmem>>) dst(%dma_wait3A_364 : memref<8192xf32, #tpu.memory_space<hbm>>)
    %add3A_367 = arith.constant 99 : i32
    %add3A_368 = arith.addi %mul3A_2, %add3A_367 : i32
    %shift_right_arithmetic3A_369 = arith.constant 4 : i32
    %shift_right_arithmetic3A_370 = arith.shrsi %add3A_368, %shift_right_arithmetic3A_369 : i32
    %and3A_371 = arith.constant 15 : i32
    %and3A_372 = arith.andi %add3A_368, %and3A_371 : i32
    %mul3A_373 = arith.constant 8192 : i32
    %mul3A_374 = arith.muli %and3A_372, %mul3A_373 : i32
    %dma_wait3A_375 = arith.constant 0 : i32
    %dma_wait3A_376 = arith.constant 0 : i32
    %dma_wait3A_377 = tpu.memref_slice %arg9[%dma_wait3A_376] : memref<16384xf32, #tpu.memory_space<vmem>> -> memref<8192xf32, #tpu.memory_space<vmem>>
    %dma_wait3A_378 = tpu.memref_slice %arg4[%shift_right_arithmetic3A_370, %dma_wait3A_375, %mul3A_374] : memref<200x2x131072xf32, #tpu.memory_space<hbm>> -> memref<1x1x8192xf32, #tpu.memory_space<hbm>>
    %dma_wait3A_379 = tpu.memref_squeeze %dma_wait3A_378 : memref<1x1x8192xf32, #tpu.memory_space<hbm>> -> memref<8192xf32, #tpu.memory_space<hbm>>
    %dma_wait3A_380 = tpu.memref_slice %arg4[%shift_right_arithmetic3A_370, %dma_wait3A_375, %mul3A_374] : memref<200x2x131072xf32, #tpu.memory_space<hbm>> -> memref<1x1x8192xf32, #tpu.memory_space<hbm>>
    %dma_wait3A_381 = tpu.memref_squeeze %dma_wait3A_380 : memref<1x1x8192xf32, #tpu.memory_space<hbm>> -> memref<8192xf32, #tpu.memory_space<hbm>>
    %dma_wait3A_382 = arith.constant 0 : i32
    %dma_wait3A_383 = tpu.memref_slice %arg9[%dma_wait3A_382] : memref<16384xf32, #tpu.memory_space<vmem>> -> memref<8192xf32, #tpu.memory_space<vmem>>
    tpu.wait_dma2 semaphore(%arg11 : memref<!tpu.dma_semaphore, #tpu.memory_space<semaphore_mem>>) src(%dma_wait3A_383 : memref<8192xf32, #tpu.memory_space<vmem>>) dst(%dma_wait3A_381 : memref<8192xf32, #tpu.memory_space<hbm>>)
    %mul3A_384 = arith.constant 8192 : i32
    %mul3A_385 = arith.muli %and3A_372, %mul3A_384 : i32
    %dma_wait3A_386 = arith.constant 1 : i32
    %dma_wait3A_387 = arith.constant 8192 : i32
    %dma_wait3A_388 = tpu.memref_slice %arg9[%dma_wait3A_387] : memref<16384xf32, #tpu.memory_space<vmem>> -> memref<8192xf32, #tpu.memory_space<vmem>>
    %dma_wait3A_389 = tpu.memref_slice %arg4[%shift_right_arithmetic3A_370, %dma_wait3A_386, %mul3A_385] : memref<200x2x131072xf32, #tpu.memory_space<hbm>> -> memref<1x1x8192xf32, #tpu.memory_space<hbm>>
    %dma_wait3A_390 = tpu.memref_squeeze %dma_wait3A_389 : memref<1x1x8192xf32, #tpu.memory_space<hbm>> -> memref<8192xf32, #tpu.memory_space<hbm>>
    %dma_wait3A_391 = tpu.memref_slice %arg4[%shift_right_arithmetic3A_370, %dma_wait3A_386, %mul3A_385] : memref<200x2x131072xf32, #tpu.memory_space<hbm>> -> memref<1x1x8192xf32, #tpu.memory_space<hbm>>
    %dma_wait3A_392 = tpu.memref_squeeze %dma_wait3A_391 : memref<1x1x8192xf32, #tpu.memory_space<hbm>> -> memref<8192xf32, #tpu.memory_space<hbm>>
    %dma_wait3A_393 = arith.constant 8192 : i32
    %dma_wait3A_394 = tpu.memref_slice %arg9[%dma_wait3A_393] : memref<16384xf32, #tpu.memory_space<vmem>> -> memref<8192xf32, #tpu.memory_space<vmem>>
    tpu.wait_dma2 semaphore(%arg11 : memref<!tpu.dma_semaphore, #tpu.memory_space<semaphore_mem>>) src(%dma_wait3A_394 : memref<8192xf32, #tpu.memory_space<vmem>>) dst(%dma_wait3A_392 : memref<8192xf32, #tpu.memory_space<hbm>>)
    return
  }
}

</mosaic_0001>

<sc_bundles>
// kernel: kernel.3.cloned.1.call-start
scs
__scs_entry_jumppad:
0x0: {  	(pc) =	sbr.rel $0x88, $3  }
0x1: {  	(tag) =	ssettag $0x0;
	lr =	simm.s32 $0x1  }
0x2: {  	[smem:$0x3F9F] =	sst lr;
	_ =	strace $0xD0000000  }
0x3: {  	_ = 	snop  }
0x4: {  	_ = 	snop  }
0x5: {  	_ = 	snop  }
0x6: {  	_ = 	snop  }
0x7: {  	_ = 	snop  }
__scs_overlays_trampoline_lowered:
0x8: {  	[smem:$0x3FAE] =	sst s0  }
0x9: {  	[smem:$0x3FAF] =	sst s1  }
0xa: {  	[smem:$0x3FB0] =	sst s2  }
0xb: {  	[smem:$0x3FB1] =	sst s3  }
0xc: {  	[smem:$0x3FB2] =	sst s4  }
0xd: {  	[smem:$0x3FB3] =	sst s5  }
0xe: {  	[smem:$0x3FB4] =	sst s6  }
0xf: {  	[smem:$0x3FB5] =	sst s7  }
0x10: {  	[smem:$0x3FB6] =	sst s8  }
0x11: {  	[smem:$0x3FB7] =	sst s9;
	s0 =	simm.s32 @!p0 $0x0  }
0x12: {  	s1 =	sld [smem:$0x3F9D];
	s0 =	simm.s32 @p0 $0x1  }
0x13: {  	[smem:$0x3FB8] =	sst s0;
	s0 =	simm.s32 @!p1 $0x0  }
0x14: {  	s2 =	sld [smem:$0x3F9C];
	s0 =	simm.s32 @p1 $0x1  }
0x15: {  	[smem:$0x3FB9] =	sst s0;
	s0 =	simm.s32 @!p2 $0x0  }
0x16: {  	s3 =	sld [smem:$0x3FDB];
	s0 =	simm.s32 @p2 $0x1  }
0x17: {  	s4 =	simm.s32 $0x1BF5;
	[smem:$0x3FBB] =	sst s0  }
0x18: {  	s0 =	sld [smem:$0x3F9E];
	_ =	swait.ge [sflag:s4], $0x0  }
0x19: {  	s7 =	sld [smem:$0x3F9F]  }
0x1a: {  	s8 =	sadd.s32 $0xFFFFE003, lr  }
0x1b: {  	s9 =	sadd.s32 $0xFFFFFEF7, lr;
	s5 =	simm.s32 $0xFFFFFFFF;
	p2 =	slt.u32 s8, $0xFFFFF086  }
0x1c: {  	p1 =	slt.u32 s9, $0xF7A;
	s5 =	simm.s32 @!p2 $0x0  }
0x1d: {  	s5 =	simm.s32 @p1 $0x1;
	p0 =	seq.s32 s7, s2  }
0x1e: {  	s7 =	smul.u32 @!p0 $0xF7A, s2;
	p2 =	seq.s32 @!p0 s5, $0x0  }
0x1f: {  	s9 =	smul.u32 $0xF7A, s1;
	s8 =	simm.s32 @!p0 $0x1BF5;
	p2 =	por !p2, p0  }
0x20: {  	[sflag:s8] =	ssyncset.s32 @!p0 $0xFFFFF086;
	s6 =	sadd.s32 @!p0 s3, s7;
	s7 =	simm.s32 @!p0 $0x108  }
0x21: {  	s3 =	sadd.s32 s3, s9;
	s6 =	sadd.s32 @!p0 $0x88, s6;
	s7 =	simm.s32 @p2 $0x1082  }
0x22: {  	[simem:s7], [sflag:s8] =	dma.local @!p0 [hbm:s6], $0xF7A  }
0x23: {  	s9 =	sor.u32 $0xD0000000, s2;
	s6 =	simm.s32 $0x108;
	_ =	swait.ge @!p0 [sflag:s8], $0x0  }
0x24: {  	s3 =	sadd.s32 $0x88, s3;
	s6 =	simm.s32 @!p1 $0x1082;
	[sflag:s4] =	ssyncset.s32 $0xFFFFF086  }
0x25: {  	[simem:s6], [sflag:s4] =	dma.local [hbm:s3], $0xF7A  }
0x26: {  	[smem:$0x3F9F] =	sst s1;
	(tag) =	ssettag s2;
	_ =	strace s9  }
0x27: {  	s1 =	sld [smem:$0x3FAF]  }
0x28: {  	s2 =	sld [smem:$0x3FB0]  }
0x29: {  	s4 =	sld [smem:$0x3FB2]  }
0x2a: {  	p0 =	seq.s32 s5, $0x0;
	s5 =	sld [smem:$0x3FB3]  }
0x2b: {  	s6 =	sld [smem:$0x3FB4]  }
0x2c: {  	s7 =	sld [smem:$0x3FB5]  }
0x2d: {  	s3 =	simm.s32 $0x108;
	s8 =	sld [smem:$0x3FB6]  }
0x2e: {  	s3 =	simm.s32 @!p0 $0x1082;
	s9 =	sld [smem:$0x3FB7]  }
0x2f: {  	lr =	sadd.s32 s0, s3;
	s0 =	sld [smem:$0x3FAE]  }
0x30: {  	s3 =	sld [smem:$0x3FB1]  }
0x31: {  	[smem:$0x3FBA] =	sst s10  }
0x32: {  	s10 =	sld [smem:$0x3FB8];
	_ =	sdelay $0x3  }
0x33: {  	p0 =	seq.s32 s10, $0x1;
	s10 =	sld [smem:$0x3FBA];
	_ =	sdelay $0x3  }
0x34: {  	[smem:$0x3FBA] =	sst s10  }
0x35: {  	s10 =	sld [smem:$0x3FB9];
	_ =	sdelay $0x3  }
0x36: {  	p1 =	seq.s32 s10, $0x1;
	s10 =	sld [smem:$0x3FBA];
	_ =	sdelay $0x3  }
0x37: {  	[smem:$0x3FBA] =	sst s10  }
0x38: {  	s10 =	sld [smem:$0x3FBB]  }
0x39: {  	_ = 	snop;
	(pc) =	sbr.ind lr, $3  }
0x3a: {  	_ = 	snop  }
0x3b: {  	_ = 	snop  }
0x3c: {  	p2 =	seq.s32 s10, $0x1;
	s10 =	sld [smem:$0x3FBA]  }
0x3d: {  	_ =	shalt  }
0x3e: {  	_ =	shalt  }
0x3f: {  	_ =	shalt  }
0x40: {  	_ =	shalt  }
0x41: {  	_ =	shalt  }
0x42: {  	_ =	shalt  }
0x43: {  	_ =	shalt  }
0x44: {  	_ =	shalt  }
0x45: {  	_ =	shalt  }
0x46: {  	_ =	shalt  }
0x47: {  	_ =	shalt  }
0x48: {  	_ =	shalt  }
0x49: {  	_ =	shalt  }
0x4a: {  	_ =	shalt  }
0x4b: {  	_ =	shalt  }
0x4c: {  	_ =	shalt  }
0x4d: {  	_ =	shalt  }
0x4e: {  	_ =	shalt  }
0x4f: {  	_ =	shalt  }
0x50: {  	_ =	shalt  }
0x51: {  	_ =	shalt  }
0x52: {  	_ =	shalt  }
0x53: {  	_ =	shalt  }
0x54: {  	_ =	shalt  }
0x55: {  	_ =	shalt  }
0x56: {  	_ =	shalt  }
0x57: {  	_ =	shalt  }
0x58: {  	_ =	shalt  }
0x59: {  	_ =	shalt  }
0x5a: {  	_ =	shalt  }
0x5b: {  	_ =	shalt  }
0x5c: {  	_ =	shalt  }
0x5d: {  	_ =	shalt  }
0x5e: {  	_ =	shalt  }
0x5f: {  	_ =	shalt  }
0x60: {  	_ =	shalt  }
0x61: {  	_ =	shalt  }
0x62: {  	_ =	shalt  }
0x63: {  	_ =	shalt  }
0x64: {  	_ =	shalt  }
0x65: {  	_ =	shalt  }
0x66: {  	_ =	shalt  }
0x67: {  	_ =	shalt  }
0x68: {  	_ =	shalt  }
0x69: {  	_ =	shalt  }
0x6a: {  	_ =	shalt  }
0x6b: {  	_ =	shalt  }
0x6c: {  	_ =	shalt  }
0x6d: {  	_ =	shalt  }
0x6e: {  	_ =	shalt  }
0x6f: {  	_ =	shalt  }
0x70: {  	_ =	shalt  }
0x71: {  	_ =	shalt  }
0x72: {  	_ =	shalt  }
0x73: {  	_ =	shalt  }
0x74: {  	_ =	shalt  }
0x75: {  	_ =	shalt  }
0x76: {  	_ =	shalt  }
0x77: {  	_ =	shalt  }
0x78: {  	_ =	shalt  }
0x79: {  	_ =	shalt  }
0x7a: {  	_ =	shalt  }
0x7b: {  	_ =	shalt  }
0x7c: {  	_ =	shalt  }
0x7d: {  	_ =	shalt  }
0x7e: {  	_ =	shalt  }
0x7f: {  	_ =	shalt  }
0x80: {  	_ =	shalt  }
0x81: {  	_ =	shalt  }
0x82: {  	_ =	shalt  }
0x83: {  	_ =	shalt  }
0x84: {  	_ =	shalt  }
0x85: {  	_ =	shalt  }
0x86: {  	_ =	shalt  }
0x87: {  	_ =	shalt  }
.Lfunc_end0:
.L_simem_size_0:
called_computation_lowered:
.L_overlay_start_0:
0x88: {  	s2 =	sld [smem:$0x3FD9]  }
0x89: {  	s3 =	sld [smem:$0x3FFE];
	_ =	sdelay $0x1  }
0x8a: {  	s1 =	srdreg.scid  }
0x8b: {  	s0 =	sand.u32 $0x1, s1  }
0x8c: {  	s17 =	sshll.u32 s0, $0xA;
	s2 =	sadd.s32 s3, s2  }
0x8d: {  	s2 =	sadd.s32 s2, s17  }
0x8e: {  	[smem:$0x3FC6] =	sst s2  }
0x8f: {  	_ = 	snop  }
0x90: {  	s2 =	sld [smem:$0x3FD0];
	(tm) =	ssettm $0x1  }
0x91: {  	s18 =	sld [smem:$0x3FFB];
	_ =	sdelay $0x3  }
0x92: {  	_ =	strace s18  }
0x93: {  	s3 =	sld [smem:$0x3FFC];
	_ =	sdelay $0x3  }
0x94: {  	_ =	strace s3  }
0x95: {  	s3 =	sld [smem:$0x3FFD];
	_ =	sdelay $0x3  }
0x96: {  	_ =	strace s3  }
0x97: {  	_ =	strace $0x8FFFFFFF  }
0x98: {  	s19 =	sld [smem:$0x3FDB];
	_ =	sdelay $0x1  }
0x99: {  	s4 =	simm.s32 $_scs_section_size  }
0x9a: {  	s5 =	simm.s32 $_size__tile_overlayer_lowered;
	s6 =	simm.s32 $_tile_overlayer_lowered  }
0x9b: {  	s22 =	simm.s32 $0x1BFF;
	s21 =	sshll.u32 s6, $0x1;
	s3 =	sadd.s32 s4, s19  }
0x9c: {  	s7 =	simm.s32 $0x0;
	s20 =	sshll.u32 s5, $0x1;
	s5 =	sadd.s32 s21, s3  }
0x9d: {  	[timem:s7], [sflag:s22] =	dma.local [hbm:s5], s20  }
0x9e: {  	_ =	swait.ge [sflag:s22], s20  }
0x9f: {  	s4 =	ssub.s32 $0x0, s20;
	[sflag:s22] =	ssyncset.done $0x0  }
0xa0: {  	[sflag:s22] =	ssyncadd.s32 s4;
	_ =	sdelay $0x1  }
0xa1: {  	s23 =	simm.s32 $0x1B8B  }
0xa2: {  	_ =	swait.ge [sflag:s23], $0x1  }
0xa3: {  	[sflag:s23] =	ssyncset.done $0x0  }
0xa4: {  	s25 =	simm.s32 $0x1B8E;
	s24 =	sld [smem:$0x3FFE];
	[sflag:s23] =	ssyncadd.s32 $0xFFFFFFFF  }
0xa5: {  	s26 =	simm.s32 $execute0_lowered;
	[smem:$0x3FD2] =	sst s25  }
0xa6: {  	s5 =	sshll.u32 s26, $0x1;
	_ =	strace $0x80000046;
	[dreg:$0x1] =	wrdreg $0xFFFFFFFF  }
0xa7: {  	s28 =	simm.s32 $_size_execute0_lowered;
	s3 =	sadd.s32 s3, s5;
	[dreg:$0x0] =	wrdreg $0x0  }
0xa8: {  	s5 =	sshll.u32 s28, $0x1;
	[dreg:$0x2] =	wrdreg s3  }
0xa9: {  	[dreg:$0x3] =	wrdreg s5  }
0xaa: {  	[dreg:$0x4] =	wrdreg $0xC0  }
0xab: {  	_ =	task [dreg:s7], $0x5FFFF  }
0xac: {  	[dreg:$0x1] =	wrdreg $0xFFFFFFFF  }
0xad: {  	[dreg:$0x0] =	wrdreg $0x60  }
0xae: {  	[dreg:$0x2] =	wrdreg s24  }
0xaf: {  	[dreg:$0x3] =	wrdreg s2  }
0xb0: {  	[dreg:$0x4] =	wrdreg $0x9  }
0xb1: {  	_ =	task.clear_ibuf [dreg:s7], $0x5FFFF;
	_ =	strace $0x90000046  }
0xb2: {  	s29 =	simm.s32 $0x9;
	_ =	strace $0x80000048  }
0xb3: {  	_ =	swait.ge [sflag:s29], $0x1  }
0xb4: {  	[sflag:s29] =	ssyncadd.s32 $0xFFFFFFFF  }
0xb5: {  	_ =	strace $0x90000048  }
0xb6: {  	_ =	sfence  }
0xb7: {  	s30 =	sld [smem:$0x0];
	_ =	sdelay $0x2  }
0xb8: {  	s31 =	sshll.u32 s1, $0xD;
	s1 =	sshrl.u32 s1, $0x2  }
0xb9: {  	s3 =	sand.u32 $0x4000, s31;
	s1 =	sadd.s32 s1, s30  }
0xba: {  	s0 =	sor.u32 s3, s0;
	s1 =	sshll.u32 s1, $0x11  }
0xbb: {  	s0 =	sor.u32 s1, s0  }
0xbc: {  	s0 =	sadd.s32 $0x8F2B, s0  }
0xbd: {  	[sflag:s0] =	ssyncadd.remote.s32 $0x1  }
0xbe: {  	_ =	sfence.sel $0xFFFF  }
0xbf: {  	[dreg:$0x0] =	wrdreg $0xFFFFFFFF;
	(pc) =	sbr.abs _section_cstart, $3  }
0xc0: {  	[dreg:$0x1] =	wrdreg $0xFFFFFFFF  }
0xc1: {  	_ =	task.clear_ibuf [dreg:s7], $0x2FFFF;
	_ =	strace $0x9FFFFFFF  }
0xc2: {  	(tm) =	ssettm $0x7FFFFFFF  }
0xc3: {  	_ =	shalt  }
tec
execute0_lowered:
.L_overlay_start_1:
0x0: {  	(tag) =	ssettag $0x1  }
0x1: {  	v0 =	vimm.s32 $0xFEDCBA9;
	v1 =	vimm.s32 $0x87654321;
	v2 =	vimm.s32 $0x10FEDCBA  }
0x2: {  	v3 =	vimm.s32 $0x98765432;
	v4 =	vimm.s32 $0x210FEDCB;
	v5 =	vimm.s32 $0xA9876543  }
0x3: {  	v6 =	vimm.s32 $0xBA987654;
	v7 =	vimm.s32 $0x543210FE;
	v8 =	vimm.s32 $0xDCBA9876  }
0x4: {  	v9 =	vimm.s32 $0x6543210F;
	v18 =	vimm.s32 $0xEDCBA987;
	v24 =	vimm.s32 $0x76543210  }
0x5: {  	vm14 =	vcmask $0x300;
	vm13 =	vcmask $0x704;
	vm12 =	vcmask $0xB08  }
0x6: {  	vm11 =	vcmask $0xF0C;
	vm10 =	vcmask $0x1310;
	vm9 =	vcmask $0x1714  }
0x7: {  	vm8 =	vcmask $0x1B18;
	vm7 =	vcmask $0x1F1C;
	vm6 =	vcmask $0x2320  }
0x8: {  	vm5 =	vcmask $0x2724;
	vm4 =	vcmask $0x2B28;
	vm3 =	vcmask $0x2F2C  }
0x9: {  	vm2 =	vcmask $0x3330;
	vm1 =	vcmask $0x3734;
	vm0 =	vcmask $0x3B38  }
0xa: {  	v26 =	vimm.s32 $0x200F;
	v27 =	vimm.s32 $0x208F;
	v28 =	vimm.s32 $0x210F  }
0xb: {  	v29 =	vimm.s32 $0x218F;
	v30 =	vimm.s32 $0x220F;
	v31 =	vimm.s32 $0x228F  }
0xc: {  	v32 =	vimm.s32 $0x230F;
	v0 =	vunpack.c.l.s4.s8 v0;
	v1 =	vunpack.c.l.s4.s8 v1  }
0xd: {  	v2 =	vunpack.c.l.s4.s8 v2;
	v3 =	vunpack.c.l.s4.s8 v3;
	v6 =	vunpack.c.l.s4.s8 v6  }
0xe: {  	v7 =	vunpack.c.l.s4.s8 v7;
	v8 =	vunpack.c.l.s4.s8 v8;
	v24 =	vunpack.c.l.s4.s8 v24  }
0xf: {  	v26 =	vsel vm14, $0x2080, v26;
	v27 =	vsel vm14, $0x2100, v27;
	v28 =	vsel vm14, $0x2180, v28  }
0x10: {  	v29 =	vsel vm14, $0x2200, v29;
	v30 =	vsel vm14, $0x2280, v30;
	v31 =	vsel vm14, $0x2300, v31  }
0x11: {  	v32 =	vsel vm14, $0x2380, v32;
	v26 =	vsel vm13, $0x2101, v26;
	v27 =	vsel vm13, $0x2181, v27  }
0x12: {  	v28 =	vsel vm13, $0x2201, v28;
	v29 =	vsel vm13, $0x2281, v29;
	v30 =	vsel vm13, $0x2301, v30  }
0x13: {  	v31 =	vsel vm13, $0x2381, v31;
	v32 =	vsel vm13, $0x1, v32;
	v10 =	vunpack.c.0.s8.s32 v0  }
0x14: {  	v0 =	vunpack.c.l.s4.s8 v4;
	v4 =	vunpack.c.l.s4.s8 v5;
	v11 =	vunpack.c.0.s8.s32 v1  }
0x15: {  	v12 =	vunpack.c.0.s8.s32 v2;
	v13 =	vunpack.c.0.s8.s32 v3;
	v5 =	vimm.s32 $0x3210FEDC  }
0x16: {  	v17 =	vunpack.c.0.s8.s32 v6;
	v6 =	vimm.s32 $0xCBA98765;
	v20 =	vunpack.c.0.s8.s32 v7  }
0x17: {  	v21 =	vunpack.c.0.s8.s32 v8;
	v24 =	vunpack.c.0.s8.s32 v24;
	v26 =	vsel vm12, $0x2182, v26  }
0x18: {  	v27 =	vsel vm12, $0x2202, v27;
	v28 =	vsel vm12, $0x2282, v28;
	v29 =	vsel vm12, $0x2302, v29  }
0x19: {  	v30 =	vsel vm12, $0x2382, v30;
	v31 =	vsel vm12, $0x2, v31;
	v32 =	vsel vm12, $0x82, v32  }
0x1a: {  	v5 =	vunpack.c.l.s4.s8 v5;
	v6 =	vunpack.c.l.s4.s8 v6;
	v26 =	vsel vm11, $0x2203, v26  }
0x1b: {  	v27 =	vsel vm11, $0x2283, v27;
	v28 =	vsel vm11, $0x2303, v28;
	v29 =	vsel vm11, $0x2383, v29  }
0x1c: {  	v30 =	vsel vm11, $0x3, v30;
	v31 =	vsel vm11, $0x83, v31;
	v32 =	vsel vm11, $0x103, v32  }
0x1d: {  	v14 =	vunpack.c.0.s8.s32 v0;
	v15 =	vunpack.c.0.s8.s32 v4;
	v2 =	vcombine.low v11, v10  }
0x1e: {  	v0 =	vlaneseq.u32;
	v3 =	vcombine.low v13, v12;
	v8 =	vcombine.low v21, v20  }
0x1f: {  	v10 =	vcombine.low v10, v11;
	v12 =	vcombine.low v12, v13;
	v26 =	vsel vm10, $0x2284, v26  }
0x20: {  	v27 =	vsel vm10, $0x2304, v27;
	v28 =	vsel vm10, $0x2384, v28;
	v29 =	vsel vm10, $0x4, v29  }
0x21: {  	v30 =	vsel vm10, $0x84, v30;
	v31 =	vsel vm10, $0x104, v31;
	v32 =	vsel vm10, $0x184, v32  }
0x22: {  	v1 =	vmul.u32 $0x10, v0;
	v16 =	vunpack.c.0.s8.s32 v5;
	v5 =	vimm.s32 $0x43210FED  }
0x23: {  	v26 =	vsel vm9, $0x2305, v26;
	v27 =	vsel vm9, $0x2385, v27;
	v28 =	vsel vm9, $0x5, v28  }
0x24: {  	v29 =	vsel vm9, $0x85, v29;
	v30 =	vsel vm9, $0x105, v30;
	v31 =	vsel vm9, $0x185, v31  }
0x25: {  	v32 =	vsel vm9, $0x205, v32;
	v4 =	vcombine.low v15, v14;
	v2 =	vand.u32 $0xF, v2  }
0x26: {  	v3 =	vand.u32 $0xF, v3;
	v5 =	vunpack.c.l.s4.s8 v5;
	v10 =	vand.u32 $0xF, v10  }
0x27: {  	v26 =	vsel vm8, $0x2386, v26;
	v27 =	vsel vm8, $0x6, v27;
	v28 =	vsel vm8, $0x86, v28  }
0x28: {  	v29 =	vsel vm8, $0x106, v29;
	v30 =	vsel vm8, $0x186, v30;
	v31 =	vsel vm8, $0x206, v31  }
0x29: {  	v32 =	vsel vm8, $0x286, v32;
	v26 =	vsel vm7, $0x7, v26;
	v27 =	vsel vm7, $0x87, v27  }
0x2a: {  	v28 =	vsel vm7, $0x107, v28;
	v29 =	vsel vm7, $0x187, v29;
	v30 =	vsel vm7, $0x207, v30  }
0x2b: {  	v31 =	vsel vm7, $0x287, v31;
	v32 =	vsel vm7, $0x307, v32;
	v4 =	vand.u32 $0xF, v4  }
0x2c: {  	v19 =	vunpack.c.0.s8.s32 v5;
	v5 =	vunpack.c.l.s4.s8 v9;
	v9 =	vunpack.c.l.s4.s8 v18  }
0x2d: {  	v18 =	vunpack.c.0.s8.s32 v6;
	v6 =	vcombine.low v17, v16;
	v26 =	vsel vm6, $0x88, v26  }
0x2e: {  	v27 =	vsel vm6, $0x108, v27;
	v28 =	vsel vm6, $0x188, v28;
	v29 =	vsel vm6, $0x208, v29  }
0x2f: {  	v30 =	vsel vm6, $0x288, v30;
	v31 =	vsel vm6, $0x308, v31;
	v32 =	vsel vm6, $0x388, v32  }
0x30: {  	v26 =	vsel vm5, $0x109, v26;
	v27 =	vsel vm5, $0x189, v27;
	v28 =	vsel vm5, $0x209, v28  }
0x31: {  	v29 =	vsel vm5, $0x289, v29;
	v30 =	vsel vm5, $0x309, v30;
	v31 =	vsel vm5, $0x389, v31  }
0x32: {  	v32 =	vsel vm5, $0x2009, v32;
	v22 =	vunpack.c.0.s8.s32 v5;
	v23 =	vunpack.c.0.s8.s32 v9  }
0x33: {  	v7 =	vcombine.low v18, v19;
	v5 =	vimm.s32 $0xFEDCBA98;
	v26 =	vsel vm4, $0x18A, v26  }
0x34: {  	v27 =	vsel vm4, $0x20A, v27;
	v28 =	vsel vm4, $0x28A, v28;
	v29 =	vsel vm4, $0x30A, v29  }
0x35: {  	v30 =	vsel vm4, $0x38A, v30;
	v31 =	vsel vm4, $0x200A, v31;
	v32 =	vsel vm4, $0x208A, v32  }
0x36: {  	v25 =	vunpack.c.l.s4.s8 v5;
	v5 =	vand.u32 $0xF, v6;
	v26 =	vsel vm3, $0x20B, v26  }
0x37: {  	v27 =	vsel vm3, $0x28B, v27;
	v28 =	vsel vm3, $0x30B, v28;
	v29 =	vsel vm3, $0x38B, v29  }
0x38: {  	v30 =	vsel vm3, $0x200B, v30;
	v31 =	vsel vm3, $0x208B, v31;
	v32 =	vsel vm3, $0x210B, v32  }
0x39: {  	v9 =	vcombine.low v23, v22;
	v6 =	vand.u32 $0xF, v7;
	v7 =	vand.u32 $0xF, v8  }
0x3a: {  	v26 =	vsel vm2, $0x28C, v26;
	v27 =	vsel vm2, $0x30C, v27;
	v28 =	vsel vm2, $0x38C, v28  }
0x3b: {  	v29 =	vsel vm2, $0x200C, v29;
	v30 =	vsel vm2, $0x208C, v30;
	v31 =	vsel vm2, $0x210C, v31  }
0x3c: {  	v32 =	vsel vm2, $0x218C, v32;
	v26 =	vsel vm1, $0x30D, v26;
	v27 =	vsel vm1, $0x38D, v27  }
0x3d: {  	v28 =	vsel vm1, $0x200D, v28;
	v29 =	vsel vm1, $0x208D, v29;
	v30 =	vsel vm1, $0x210D, v30  }
0x3e: {  	v31 =	vsel vm1, $0x218D, v31;
	v32 =	vsel vm1, $0x220D, v32;
	v8 =	vand.u32 $0xF, v9  }
0x3f: {  	v9 =	vunpack.c.0.s8.s32 v25;
	v25 =	vimm.s32 $0x238F;
	v26 =	vsel vm0, $0x38E, v26  }
0x40: {  	v27 =	vsel vm0, $0x200E, v27;
	v28 =	vsel vm0, $0x208E, v28;
	v29 =	vsel vm0, $0x210E, v29  }
0x41: {  	v30 =	vsel vm0, $0x218E, v30;
	v25 =	vsel vm14, $0x0, v25;
	v9 =	vand.u32 $0xF, v9  }
0x42: {  	v31 =	vsel vm0, $0x220E, v31;
	v9 =	vcombine.low v9, v24;
	v24 =	vsel vm13, $0x81, v25  }
0x43: {  	v32 =	vsel vm0, $0x228E, v32;
	v25 =	vimm.s32 $0x38F;
	v11 =	vsel vm12, $0x102, v24  }
0x44: {  	v24 =	vimm.s32 $0x30F;
	v25 =	vsel vm14, $0x2000, v25;
	v11 =	vsel vm11, $0x183, v11  }
0x45: {  	v24 =	vsel vm14, $0x380, v24;
	v25 =	vsel vm13, $0x2081, v25;
	v13 =	vsel vm10, $0x204, v11  }
0x46: {  	v11 =	vand.u32 $0xF, v12;
	v24 =	vsel vm13, $0x2001, v24;
	v25 =	vsel vm12, $0x2102, v25  }
0x47: {  	v12 =	vsel vm9, $0x285, v13;
	v13 =	vcombine.low v14, v15;
	v14 =	vcombine.low v16, v17  }
0x48: {  	v16 =	vcombine.low v20, v21;
	v17 =	vcombine.low v22, v23;
	v20 =	vimm.s32 $0x10F  }
0x49: {  	v21 =	vimm.s32 $0x18F;
	v22 =	vimm.s32 $0x20F;
	v23 =	vimm.s32 $0x28F  }
0x4a: {  	v24 =	vsel vm12, $0x2082, v24;
	v25 =	vsel vm11, $0x2183, v25;
	v12 =	vsel vm8, $0x306, v12  }
0x4b: {  	v20 =	vsel vm14, $0x180, v20;
	v21 =	vsel vm14, $0x200, v21;
	v22 =	vsel vm14, $0x280, v22  }
0x4c: {  	v23 =	vsel vm14, $0x300, v23;
	v24 =	vsel vm11, $0x2103, v24;
	v25 =	vsel vm10, $0x2204, v25  }
0x4d: {  	v15 =	vsel vm7, $0x387, v12;
	v12 =	vand.u32 $0xF, v13;
	v13 =	vand.u32 $0xF, v14  }
0x4e: {  	v20 =	vsel vm13, $0x201, v20;
	v21 =	vsel vm13, $0x281, v21;
	v22 =	vsel vm13, $0x301, v22  }
0x4f: {  	v23 =	vsel vm13, $0x381, v23;
	v24 =	vsel vm10, $0x2184, v24;
	v25 =	vsel vm9, $0x2285, v25  }
0x50: {  	v15 =	vsel vm6, $0x2008, v15;
	v20 =	vsel vm12, $0x282, v20;
	v21 =	vsel vm12, $0x302, v21  }
0x51: {  	v22 =	vsel vm12, $0x382, v22;
	v23 =	vsel vm12, $0x2002, v23;
	v24 =	vsel vm9, $0x2205, v24  }
0x52: {  	v25 =	vsel vm8, $0x2306, v25;
	v14 =	vsel vm5, $0x2089, v15;
	v15 =	vcombine.low v19, v18  }
0x53: {  	v19 =	vimm.s32 $0x8F;
	v20 =	vsel vm11, $0x303, v20;
	v21 =	vsel vm11, $0x383, v21  }
0x54: {  	v22 =	vsel vm11, $0x2003, v22;
	v23 =	vsel vm11, $0x2083, v23;
	v24 =	vsel vm8, $0x2286, v24  }
0x55: {  	v25 =	vsel vm7, $0x2387, v25;
	v14 =	vsel vm4, $0x210A, v14;
	v19 =	vsel vm14, $0x100, v19  }
0x56: {  	v20 =	vsel vm10, $0x384, v20;
	v21 =	vsel vm10, $0x2004, v21;
	v22 =	vsel vm10, $0x2084, v22  }
0x57: {  	v23 =	vsel vm10, $0x2104, v23;
	v24 =	vsel vm7, $0x2307, v24;
	v25 =	vsel vm6, $0x8, v25  }
0x58: {  	v14 =	vsel vm3, $0x218B, v14;
	v19 =	vsel vm13, $0x181, v19;
	v20 =	vsel vm9, $0x2005, v20  }
0x59: {  	v21 =	vsel vm9, $0x2085, v21;
	v22 =	vsel vm9, $0x2105, v22;
	v23 =	vsel vm9, $0x2185, v23  }
0x5a: {  	v24 =	vsel vm6, $0x2388, v24;
	v25 =	vsel vm5, $0x89, v25;
	v18 =	vsel vm2, $0x220C, v14  }
0x5b: {  	v14 =	vand.u32 $0xF, v15;
	v15 =	vand.u32 $0xF, v16;
	v16 =	vand.u32 $0xF, v17  }
0x5c: {  	v19 =	vsel vm12, $0x202, v19;
	v20 =	vsel vm8, $0x2086, v20;
	v21 =	vsel vm8, $0x2106, v21  }
0x5d: {  	v22 =	vsel vm8, $0x2186, v22;
	v23 =	vsel vm8, $0x2206, v23;
	v24 =	vsel vm5, $0x9, v24  }
0x5e: {  	v25 =	vsel vm4, $0x10A, v25;
	v18 =	vsel vm1, $0x228D, v18;
	v19 =	vsel vm11, $0x283, v19  }
0x5f: {  	v20 =	vsel vm7, $0x2107, v20;
	v21 =	vsel vm7, $0x2187, v21;
	v22 =	vsel vm7, $0x2207, v22  }
0x60: {  	v23 =	vsel vm7, $0x2287, v23;
	v24 =	vsel vm4, $0x8A, v24;
	v25 =	vsel vm3, $0x18B, v25  }
0x61: {  	v17 =	vsel vm0, $0x230E, v18;
	v18 =	vimm.s32 $0xF;
	v19 =	vsel vm10, $0x304, v19  }
0x62: {  	v20 =	vsel vm6, $0x2188, v20;
	v21 =	vsel vm6, $0x2208, v21;
	v22 =	vsel vm6, $0x2288, v22  }
0x63: {  	v23 =	vsel vm6, $0x2308, v23;
	v24 =	vsel vm3, $0x10B, v24;
	v25 =	vsel vm2, $0x20C, v25  }
0x64: {  	v18 =	vsel vm14, $0x80, v18;
	v19 =	vsel vm9, $0x385, v19;
	v20 =	vsel vm5, $0x2209, v20  }
0x65: {  	v21 =	vsel vm5, $0x2289, v21;
	v22 =	vsel vm5, $0x2309, v22;
	v23 =	vsel vm5, $0x2389, v23  }
0x66: {  	v24 =	vsel vm2, $0x18C, v24;
	v25 =	vsel vm1, $0x28D, v25;
	v18 =	vsel vm13, $0x101, v18  }
0x67: {  	s6 =	rddreg [dreg:$0x0];
	v19 =	vsel vm8, $0x2006, v19;
	v20 =	vsel vm4, $0x228A, v20;
	v21 =	vsel vm4, $0x230A, v21  }
0x68: {  	s1 =	rddreg [dreg:$0x1];
	v22 =	vsel vm4, $0x238A, v22;
	v23 =	vsel vm4, $0xA, v23;
	v24 =	vsel vm1, $0x20D, v24  }
0x69: {  	s0 =	rddreg [dreg:$0x2];
	v25 =	vsel vm0, $0x30E, v25;
	v18 =	vsel vm12, $0x182, v18;
	v19 =	vsel vm7, $0x2087, v19  }
0x6a: {  	s4 =	srdreg.scid;
	s2 =	stileid.u32;
	v20 =	vsel vm3, $0x230B, v20;
	v21 =	vsel vm3, $0x238B, v21;
	v18 =	vsel vm11, $0x203, v18  }
0x6b: {  	s3 =	simm.s32 $0x0;
	s12 =	simm.s32 $0x400;
	s13 =	simm.s32 $0x800;
	v22 =	vsel vm3, $0xB, v22;
	v23 =	vsel vm3, $0x8B, v23;
	v18 =	vsel vm10, $0x284, v18  }
0x6c: {  	s14 =	simm.s32 $0x1;
	s15 =	simm.s32 $0x4800;
	s16 =	simm.s32 $0x8800;
	v24 =	vsel vm0, $0x28E, v24;
	v19 =	vsel vm6, $0x2108, v19;
	v18 =	vsel vm9, $0x305, v18  }
0x6d: {  	s17 =	simm.s32 $0xA800;
	s18 =	simm.s32 $0x2;
	s19 =	simm.s32 $0xC800;
	v20 =	vsel vm2, $0x238C, v20;
	v21 =	vsel vm2, $0xC, v21;
	v18 =	vsel vm8, $0x386, v18  }
0x6e: {  	s20 =	simm.s32 $0xE800;
	s5 =	sand.u32 $0x1, s4;
	s30 =	sshll.u32 s2, $0x1;
	v22 =	vsel vm2, $0x8C, v22;
	v23 =	vsel vm2, $0x10C, v23;
	v18 =	vsel vm7, $0x2007, v18  }
0x6f: {  	[smem:$0x7FF] =	sst s3;
	s4 =	sadd.s32 $0x600, s6;
	s7 =	sor.u32 s5, s30;
	v19 =	vsel vm5, $0x2189, v19;
	v20 =	vsel vm1, $0xD, v20;
	v18 =	vsel vm6, $0x2088, v18  }
0x70: {  	s21 =	simm.s32 $0x0;
	s6 =	sadd.s32 $0xF42C00, s6;
	s8 =	smul.u32 $0x19000, s7;
	v21 =	vsel vm1, $0x8D, v21;
	v22 =	vsel vm1, $0x10D, v22;
	v18 =	vsel vm5, $0x2109, v18  }
0x71: {  	_ =	strace $0x80000047;
	s10 =	ssub.s32 $0x2, s5;
	s9 =	sshll.u32 s7, $0xC;
	v23 =	vsel vm1, $0x18D, v23;
	v19 =	vsel vm4, $0x220A, v19;
	v18 =	vsel vm4, $0x218A, v18  }
0x72: {  	s11 =	sshrl.u32 s10, $0x1;
	s9 =	sand.u32 $0x3000, s9;
	s8 =	sand.u32 $0x3FC000, s8;
	v20 =	vsel vm0, $0x8E, v20;
	v19 =	vsel vm3, $0x228B, v19;
	v18 =	vsel vm3, $0x220B, v18  }
0x73: {  	s5 =	smul.u32 $0x64, s7;
	s10 =	ssub.s32 s10, s11;
	s31 =	sor.u32 s9, s8;
	v21 =	vsel vm0, $0x10E, v21;
	v19 =	vsel vm2, $0x230C, v19;
	v18 =	vsel vm2, $0x228C, v18  }
0x74: {  	s11 =	simm.s32 $0x3;
	s10 =	smax.u32 s10, $0x1;
	s7 =	sshrl.u32 s31, $0x3;
	v22 =	vsel vm0, $0x18E, v22;
	v19 =	vsel vm1, $0x238D, v19;
	v18 =	vsel vm1, $0x230D, v18  }
0x75: {  	s8 =	sadd.s32 $0x4000, s1;
	s9 =	sor.u32 $0x2, s5;
	s7 =	sadd.s32 s4, s7;
	v23 =	vsel vm0, $0x20E, v23;
	v19 =	vsel vm0, $0xE, v19;
	v18 =	vsel vm0, $0x238E, v18  }
.LBB2_1:
0x76: {  	[tilespmem:s3], [sflag:$0x3] =	stream.linear.gather [hbm4b:s7+s3], $0x400, $0x38;
	[tilespmem:$0x10800] =	vst v63  }
0x77: {  	_ =	swait.ge [sflag:s11], $0x400  }
0x78: {  	[sflag:s11] =	ssyncset.done $0x0  }
0x79: {  	s22 =	simm.s32 $0x0;
	[sflag:s11] =	ssyncadd.s32 $0xFFFFFC00  }
0x7a: {  	[tilespmem:s13], [sflag:$0x1] =	stream.indirect.gather [hbm4b:s6+s12], $0x10, s3, s12, $0xb8;
	[tilespmem:$0x10800] =	vst v63  }
.LBB2_2:
0x7b: {  	s24 =	sshll.u32 s22, $0x1  }
0x7c: {  	s23 =	sadd.s32 s24, s5  }
0x7d: {  	s23 =	sadd.s32 $0x1, s23  }
0x7e: {  	s25 =	sshll.u32 s23, $0x7  }
0x7f: {  	s25 =	sand.u32 $0xFFFFF80, s25  }
0x80: {  	s25 =	sadd.s32 s4, s25  }
0x81: {  	[tilespmem:s12], [sflag:$0x3] =	stream.linear.gather [hbm4b:s25+s3], $0x400, $0x38;
	[tilespmem:$0x10800] =	vst v63  }
0x82: {  	_ =	swait.ge [sflag:s11], $0x400  }
0x83: {  	[sflag:s11] =	ssyncset.done $0x0  }
0x84: {  	[sflag:s11] =	ssyncadd.s32 $0xFFFFFC00  }
0x85: {  	_ =	swait.ge [sflag:s14], $0x4000  }
0x86: {  	p0 =	seq.s32 s22, $0x0;
	[sflag:s14] =	ssyncset.done $0x0  }
0x87: {  	s25 =	simm.s32 @!p0 $0x2;
	[sflag:s14] =	ssyncadd.s32 $0xFFFFC000  }
0x88: {  	[tilespmem:s15], [sflag:$0x1] =	stream.indirect.gather [hbm4b:s6+s12], $0x10, s12, s12, $0xb8;
	[tilespmem:$0x10800] =	vst v63  }
0x89: {  	_ =	swait.ge @!p0 [sflag:s25], $0x2000  }
0x8a: {  	[sflag:s25] =	ssyncset.done @!p0 $0x0  }
0x8b: {  	[sflag:s25] =	ssyncadd.s32 @!p0 $0xFFFFE000  }
0x8c: {  	_ =	swait.ge @!p0 [sflag:s25], $0x2000  }
0x8d: {  	[sflag:s25] =	ssyncset.done @!p0 $0x0  }
0x8e: {  	s26 =	simm.s32 $0x70;
	[sflag:s25] =	ssyncadd.s32 @!p0 $0xFFFFE000;
	s25 =	simm.s32 $0x70  }
.LBB2_3:
0x8f: {  	s28 =	sadd.s32 $0xFFFFFF90, s25  }
0x90: {  	v33 =	vmov s28  }
0x91: {  	v33 =	vshll.u32 v33, $0x4  }
0x92: {  	v33 =	vor.u32 v1, v33  }
0x93: {  	v34 =	vor.u32 v0, v33  }
0x94: {  	v35 =	vor.u32 v2, v33  }
0x95: {  	v36 =	vor.u32 v3, v33  }
0x96: {  	v37 =	vor.u32 v4, v33  }
0x97: {  	v38 =	vor.u32 v5, v33  }
0x98: {  	v39 =	vor.u32 v6, v33;
	v34 =	vld.idx.msk [tilespmem:v34+s13+$0x0], $0xffff  }
0x99: {  	v40 =	vor.u32 v7, v33;
	v35 =	vld.idx.msk [tilespmem:v35+s13+$0x0], $0xffff  }
0x9a: {  	v41 =	vor.u32 v8, v33;
	v36 =	vld.idx.msk [tilespmem:v36+s13+$0x0], $0xffff  }
0x9b: {  	v42 =	vor.u32 v9, v33;
	v37 =	vld.idx.msk [tilespmem:v37+s13+$0x0], $0xffff  }
0x9c: {  	v43 =	vor.u32 v10, v33;
	v38 =	vld.idx.msk [tilespmem:v38+s13+$0x0], $0xffff  }
0x9d: {  	v44 =	vor.u32 v11, v33;
	v39 =	vld.idx.msk [tilespmem:v39+s13+$0x0], $0xffff  }
0x9e: {  	v45 =	vor.u32 v12, v33;
	v40 =	vld.idx.msk [tilespmem:v40+s13+$0x0], $0xffff  }
0x9f: {  	v46 =	vor.u32 v13, v33;
	v41 =	vld.idx.msk [tilespmem:v41+s13+$0x0], $0xffff  }
0xa0: {  	v47 =	vor.u32 v14, v33;
	v42 =	vld.idx.msk [tilespmem:v42+s13+$0x0], $0xffff  }
0xa1: {  	s30 =	sadd.s32 $0xFFFFFF90, s26;
	v48 =	vor.u32 v15, v33;
	v43 =	vld.idx.msk [tilespmem:v43+s13+$0x0], $0xffff  }
0xa2: {  	v49 =	vor.u32 s30, v17;
	v33 =	vor.u32 v16, v33;
	v44 =	vld.idx.msk [tilespmem:v44+s13+$0x0], $0xffff  }
0xa3: {  	v50 =	vor.u32 s30, v18;
	v45 =	vld.idx.msk [tilespmem:v45+s13+$0x0], $0xffff  }
0xa4: {  	v51 =	vor.u32 s30, v19;
	v46 =	vld.idx.msk [tilespmem:v46+s13+$0x0], $0xffff  }
0xa5: {  	v52 =	vor.u32 s30, v20;
	v47 =	vld.idx.msk [tilespmem:v47+s13+$0x0], $0xffff  }
0xa6: {  	v53 =	vor.u32 s30, v21;
	v48 =	vld.idx.msk [tilespmem:v48+s13+$0x0], $0xffff  }
0xa7: {  	v54 =	vor.u32 s30, v22;
	v33 =	vld.idx.msk [tilespmem:v33+s13+$0x0], $0xffff;
	[tilespmem:v49+s16+$0x0] =	vst.idx.msk $0xffff, v34  }
0xa8: {  	v55 =	vor.u32 s30, v23;
	[tilespmem:v50+s16+$0x0] =	vst.idx.msk $0xffff, v35  }
0xa9: {  	v56 =	vor.u32 s30, v24;
	[tilespmem:v51+s16+$0x0] =	vst.idx.msk $0xffff, v36  }
0xaa: {  	v57 =	vor.u32 s30, v25;
	[tilespmem:v52+s16+$0x0] =	vst.idx.msk $0xffff, v37  }
0xab: {  	v58 =	vor.u32 s30, v26;
	[tilespmem:v53+s16+$0x0] =	vst.idx.msk $0xffff, v38  }
0xac: {  	v59 =	vor.u32 s30, v27;
	[tilespmem:v54+s16+$0x0] =	vst.idx.msk $0xffff, v39  }
0xad: {  	v60 =	vor.u32 s30, v28;
	[tilespmem:v55+s16+$0x0] =	vst.idx.msk $0xffff, v40  }
0xae: {  	s29 =	sadd.s32 $0xFFFFFFA0, s25;
	v61 =	vor.u32 s30, v29;
	[tilespmem:v56+s16+$0x0] =	vst.idx.msk $0xffff, v41  }
0xaf: {  	v62 =	vor.u32 s30, v30;
	v63 =	vmov s29;
	[tilespmem:v57+s16+$0x0] =	vst.idx.msk $0xffff, v42  }
0xb0: {  	v39 =	vshll.u32 v63, $0x4;
	v42 =	vor.u32 s30, v31;
	[tilespmem:v58+s16+$0x0] =	vst.idx.msk $0xffff, v43  }
0xb1: {  	v39 =	vor.u32 v1, v39;
	v43 =	vor.u32 s30, v32;
	[tilespmem:v59+s16+$0x0] =	vst.idx.msk $0xffff, v44  }
0xb2: {  	v44 =	vor.u32 v0, v39;
	[tilespmem:v60+s16+$0x0] =	vst.idx.msk $0xffff, v45  }
0xb3: {  	v45 =	vor.u32 v2, v39;
	[tilespmem:v61+s16+$0x0] =	vst.idx.msk $0xffff, v46  }
0xb4: {  	v49 =	vor.u32 v6, v39;
	[tilespmem:v62+s16+$0x0] =	vst.idx.msk $0xffff, v47  }
0xb5: {  	v50 =	vor.u32 v7, v39;
	[tilespmem:v42+s16+$0x0] =	vst.idx.msk $0xffff, v48  }
0xb6: {  	v51 =	vor.u32 v8, v39;
	[tilespmem:v43+s16+$0x0] =	vst.idx.msk $0xffff, v33  }
0xb7: {  	v52 =	vor.u32 v9, v39;
	v34 =	vld.idx.msk [tilespmem:v44+s13+$0x0], $0xffff  }
0xb8: {  	v53 =	vor.u32 v10, v39;
	v36 =	vld.idx.msk [tilespmem:v45+s13+$0x0], $0xffff  }
0xb9: {  	v54 =	vor.u32 v11, v39;
	v35 =	vld.idx.msk [tilespmem:v49+s13+$0x0], $0xffff  }
0xba: {  	v55 =	vor.u32 v12, v39;
	v40 =	vld.idx.msk [tilespmem:v50+s13+$0x0], $0xffff  }
0xbb: {  	v46 =	vor.u32 v3, v39;
	v41 =	vld.idx.msk [tilespmem:v51+s13+$0x0], $0xffff  }
0xbc: {  	v56 =	vor.u32 v13, v39;
	v42 =	vld.idx.msk [tilespmem:v52+s13+$0x0], $0xffff  }
0xbd: {  	v47 =	vor.u32 v4, v39;
	v43 =	vld.idx.msk [tilespmem:v53+s13+$0x0], $0xffff  }
0xbe: {  	v57 =	vor.u32 v14, v39;
	v44 =	vld.idx.msk [tilespmem:v54+s13+$0x0], $0xffff  }
0xbf: {  	v48 =	vor.u32 v5, v39;
	v45 =	vld.idx.msk [tilespmem:v55+s13+$0x0], $0xffff  }
0xc0: {  	s31 =	sadd.s32 $0xFFFFFFA0, s26;
	v58 =	vor.u32 v15, v39;
	v37 =	vld.idx.msk [tilespmem:v46+s13+$0x0], $0xffff  }
0xc1: {  	v59 =	vor.u32 s31, v17;
	v39 =	vor.u32 v16, v39;
	v46 =	vld.idx.msk [tilespmem:v56+s13+$0x0], $0xffff  }
0xc2: {  	v60 =	vor.u32 s31, v18;
	v38 =	vld.idx.msk [tilespmem:v47+s13+$0x0], $0xffff  }
0xc3: {  	v61 =	vor.u32 s31, v19;
	v47 =	vld.idx.msk [tilespmem:v57+s13+$0x0], $0xffff  }
0xc4: {  	v62 =	vor.u32 s31, v20;
	v33 =	vld.idx.msk [tilespmem:v48+s13+$0x0], $0xffff  }
0xc5: {  	v63 =	vor.u32 s31, v21;
	v48 =	vld.idx.msk [tilespmem:v58+s13+$0x0], $0xffff  }
0xc6: {  	v56 =	vor.u32 s31, v22;
	v39 =	vld.idx.msk [tilespmem:v39+s13+$0x0], $0xffff;
	[tilespmem:v59+s16+$0x0] =	vst.idx.msk $0xffff, v34  }
0xc7: {  	v57 =	vor.u32 s31, v23;
	[tilespmem:v60+s16+$0x0] =	vst.idx.msk $0xffff, v36  }
0xc8: {  	v58 =	vor.u32 s31, v24;
	[tilespmem:v61+s16+$0x0] =	vst.idx.msk $0xffff, v37  }
0xc9: {  	v59 =	vor.u32 s31, v25;
	[tilespmem:v62+s16+$0x0] =	vst.idx.msk $0xffff, v38  }
0xca: {  	v60 =	vor.u32 s31, v26;
	[tilespmem:v63+s16+$0x0] =	vst.idx.msk $0xffff, v33  }
0xcb: {  	v61 =	vor.u32 s31, v27;
	[tilespmem:v56+s16+$0x0] =	vst.idx.msk $0xffff, v35  }
0xcc: {  	v62 =	vor.u32 s31, v28;
	[tilespmem:v57+s16+$0x0] =	vst.idx.msk $0xffff, v40  }
0xcd: {  	s30 =	sadd.s32 $0xFFFFFFB0, s25;
	v63 =	vor.u32 s31, v29;
	[tilespmem:v58+s16+$0x0] =	vst.idx.msk $0xffff, v41  }
0xce: {  	v40 =	vor.u32 s31, v30;
	v41 =	vmov s30;
	[tilespmem:v59+s16+$0x0] =	vst.idx.msk $0xffff, v42  }
0xcf: {  	v42 =	vor.u32 s31, v31;
	v38 =	vshll.u32 v41, $0x4;
	[tilespmem:v60+s16+$0x0] =	vst.idx.msk $0xffff, v43  }
0xd0: {  	v43 =	vor.u32 s31, v32;
	v38 =	vor.u32 v1, v38;
	[tilespmem:v61+s16+$0x0] =	vst.idx.msk $0xffff, v44  }
0xd1: {  	v44 =	vor.u32 v0, v38;
	[tilespmem:v62+s16+$0x0] =	vst.idx.msk $0xffff, v45  }
0xd2: {  	v45 =	vor.u32 v2, v38;
	[tilespmem:v63+s16+$0x0] =	vst.idx.msk $0xffff, v46  }
0xd3: {  	v49 =	vor.u32 v6, v38;
	[tilespmem:v40+s16+$0x0] =	vst.idx.msk $0xffff, v47  }
0xd4: {  	v50 =	vor.u32 v7, v38;
	[tilespmem:v42+s16+$0x0] =	vst.idx.msk $0xffff, v48  }
0xd5: {  	v51 =	vor.u32 v8, v38;
	[tilespmem:v43+s16+$0x0] =	vst.idx.msk $0xffff, v39  }
0xd6: {  	v52 =	vor.u32 v9, v38;
	v35 =	vld.idx.msk [tilespmem:v44+s13+$0x0], $0xffff  }
0xd7: {  	v53 =	vor.u32 v10, v38;
	v36 =	vld.idx.msk [tilespmem:v45+s13+$0x0], $0xffff  }
0xd8: {  	v54 =	vor.u32 v11, v38;
	v39 =	vld.idx.msk [tilespmem:v49+s13+$0x0], $0xffff  }
0xd9: {  	v55 =	vor.u32 v12, v38;
	v40 =	vld.idx.msk [tilespmem:v50+s13+$0x0], $0xffff  }
0xda: {  	v46 =	vor.u32 v3, v38;
	v41 =	vld.idx.msk [tilespmem:v51+s13+$0x0], $0xffff  }
0xdb: {  	v56 =	vor.u32 v13, v38;
	v42 =	vld.idx.msk [tilespmem:v52+s13+$0x0], $0xffff  }
0xdc: {  	v47 =	vor.u32 v4, v38;
	v43 =	vld.idx.msk [tilespmem:v53+s13+$0x0], $0xffff  }
0xdd: {  	v57 =	vor.u32 v14, v38;
	v44 =	vld.idx.msk [tilespmem:v54+s13+$0x0], $0xffff  }
0xde: {  	v48 =	vor.u32 v5, v38;
	v45 =	vld.idx.msk [tilespmem:v55+s13+$0x0], $0xffff  }
0xdf: {  	s31 =	sadd.s32 $0xFFFFFFB0, s26;
	v58 =	vor.u32 v15, v38;
	v37 =	vld.idx.msk [tilespmem:v46+s13+$0x0], $0xffff  }
0xe0: {  	v59 =	vor.u32 s31, v17;
	v38 =	vor.u32 v16, v38;
	v46 =	vld.idx.msk [tilespmem:v56+s13+$0x0], $0xffff  }
0xe1: {  	v60 =	vor.u32 s31, v18;
	v33 =	vld.idx.msk [tilespmem:v47+s13+$0x0], $0xffff  }
0xe2: {  	v61 =	vor.u32 s31, v19;
	v47 =	vld.idx.msk [tilespmem:v57+s13+$0x0], $0xffff  }
0xe3: {  	v62 =	vor.u32 s31, v20;
	v34 =	vld.idx.msk [tilespmem:v48+s13+$0x0], $0xffff  }
0xe4: {  	v63 =	vor.u32 s31, v21;
	v48 =	vld.idx.msk [tilespmem:v58+s13+$0x0], $0xffff  }
0xe5: {  	v54 =	vor.u32 s31, v22;
	v38 =	vld.idx.msk [tilespmem:v38+s13+$0x0], $0xffff;
	[tilespmem:v59+s16+$0x0] =	vst.idx.msk $0xffff, v35  }
0xe6: {  	v55 =	vor.u32 s31, v23;
	[tilespmem:v60+s16+$0x0] =	vst.idx.msk $0xffff, v36  }
0xe7: {  	v56 =	vor.u32 s31, v24;
	[tilespmem:v61+s16+$0x0] =	vst.idx.msk $0xffff, v37  }
0xe8: {  	v57 =	vor.u32 s31, v25;
	[tilespmem:v62+s16+$0x0] =	vst.idx.msk $0xffff, v33  }
0xe9: {  	v58 =	vor.u32 s31, v26;
	[tilespmem:v63+s16+$0x0] =	vst.idx.msk $0xffff, v34  }
0xea: {  	v59 =	vor.u32 s31, v27;
	[tilespmem:v54+s16+$0x0] =	vst.idx.msk $0xffff, v39  }
0xeb: {  	v60 =	vor.u32 s31, v28;
	[tilespmem:v55+s16+$0x0] =	vst.idx.msk $0xffff, v40  }
0xec: {  	s30 =	sadd.s32 $0xFFFFFFC0, s25;
	v61 =	vor.u32 s31, v29;
	[tilespmem:v56+s16+$0x0] =	vst.idx.msk $0xffff, v41  }
0xed: {  	v62 =	vor.u32 s31, v30;
	v63 =	vmov s30;
	[tilespmem:v57+s16+$0x0] =	vst.idx.msk $0xffff, v42  }
0xee: {  	v39 =	vshll.u32 v63, $0x4;
	v42 =	vor.u32 s31, v31;
	[tilespmem:v58+s16+$0x0] =	vst.idx.msk $0xffff, v43  }
0xef: {  	v39 =	vor.u32 v1, v39;
	v43 =	vor.u32 s31, v32;
	[tilespmem:v59+s16+$0x0] =	vst.idx.msk $0xffff, v44  }
0xf0: {  	v44 =	vor.u32 v0, v39;
	[tilespmem:v60+s16+$0x0] =	vst.idx.msk $0xffff, v45  }
0xf1: {  	v45 =	vor.u32 v2, v39;
	[tilespmem:v61+s16+$0x0] =	vst.idx.msk $0xffff, v46  }
0xf2: {  	v49 =	vor.u32 v6, v39;
	[tilespmem:v62+s16+$0x0] =	vst.idx.msk $0xffff, v47  }
0xf3: {  	v50 =	vor.u32 v7, v39;
	[tilespmem:v42+s16+$0x0] =	vst.idx.msk $0xffff, v48  }
0xf4: {  	v51 =	vor.u32 v8, v39;
	[tilespmem:v43+s16+$0x0] =	vst.idx.msk $0xffff, v38  }
0xf5: {  	v52 =	vor.u32 v9, v39;
	v36 =	vld.idx.msk [tilespmem:v44+s13+$0x0], $0xffff  }
0xf6: {  	v53 =	vor.u32 v10, v39;
	v37 =	vld.idx.msk [tilespmem:v45+s13+$0x0], $0xffff  }
0xf7: {  	v54 =	vor.u32 v11, v39;
	v38 =	vld.idx.msk [tilespmem:v49+s13+$0x0], $0xffff  }
0xf8: {  	v55 =	vor.u32 v12, v39;
	v40 =	vld.idx.msk [tilespmem:v50+s13+$0x0], $0xffff  }
0xf9: {  	v46 =	vor.u32 v3, v39;
	v41 =	vld.idx.msk [tilespmem:v51+s13+$0x0], $0xffff  }
0xfa: {  	v56 =	vor.u32 v13, v39;
	v42 =	vld.idx.msk [tilespmem:v52+s13+$0x0], $0xffff  }
0xfb: {  	v47 =	vor.u32 v4, v39;
	v43 =	vld.idx.msk [tilespmem:v53+s13+$0x0], $0xffff  }
0xfc: {  	v57 =	vor.u32 v14, v39;
	v44 =	vld.idx.msk [tilespmem:v54+s13+$0x0], $0xffff  }
0xfd: {  	v48 =	vor.u32 v5, v39;
	v45 =	vld.idx.msk [tilespmem:v55+s13+$0x0], $0xffff  }
0xfe: {  	v58 =	vor.u32 v15, v39;
	s31 =	sadd.s32 $0xFFFFFFC0, s26;
	v33 =	vld.idx.msk [tilespmem:v46+s13+$0x0], $0xffff  }
0xff: {  	v59 =	vor.u32 s31, v17;
	v39 =	vor.u32 v16, v39;
	v46 =	vld.idx.msk [tilespmem:v56+s13+$0x0], $0xffff  }
0x100: {  	v60 =	vor.u32 s31, v18;
	v34 =	vld.idx.msk [tilespmem:v47+s13+$0x0], $0xffff  }
0x101: {  	v61 =	vor.u32 s31, v19;
	v47 =	vld.idx.msk [tilespmem:v57+s13+$0x0], $0xffff  }
0x102: {  	v62 =	vor.u32 s31, v20;
	v35 =	vld.idx.msk [tilespmem:v48+s13+$0x0], $0xffff  }
0x103: {  	v63 =	vor.u32 s31, v21;
	v48 =	vld.idx.msk [tilespmem:v58+s13+$0x0], $0xffff  }
0x104: {  	v56 =	vor.u32 s31, v22;
	v39 =	vld.idx.msk [tilespmem:v39+s13+$0x0], $0xffff;
	[tilespmem:v59+s16+$0x0] =	vst.idx.msk $0xffff, v36  }
0x105: {  	v57 =	vor.u32 s31, v23;
	[tilespmem:v60+s16+$0x0] =	vst.idx.msk $0xffff, v37  }
0x106: {  	v58 =	vor.u32 s31, v24;
	[tilespmem:v61+s16+$0x0] =	vst.idx.msk $0xffff, v33  }
0x107: {  	v59 =	vor.u32 s31, v25;
	[tilespmem:v62+s16+$0x0] =	vst.idx.msk $0xffff, v34  }
0x108: {  	v60 =	vor.u32 s31, v26;
	[tilespmem:v63+s16+$0x0] =	vst.idx.msk $0xffff, v35  }
0x109: {  	v61 =	vor.u32 s31, v27;
	[tilespmem:v56+s16+$0x0] =	vst.idx.msk $0xffff, v38  }
0x10a: {  	v62 =	vor.u32 s31, v28;
	[tilespmem:v57+s16+$0x0] =	vst.idx.msk $0xffff, v40  }
0x10b: {  	s30 =	sadd.s32 $0xFFFFFFD0, s25;
	v63 =	vor.u32 s31, v29;
	[tilespmem:v58+s16+$0x0] =	vst.idx.msk $0xffff, v41  }
0x10c: {  	v40 =	vor.u32 s31, v30;
	v41 =	vmov s30;
	[tilespmem:v59+s16+$0x0] =	vst.idx.msk $0xffff, v42  }
0x10d: {  	v42 =	vor.u32 s31, v31;
	v38 =	vshll.u32 v41, $0x4;
	[tilespmem:v60+s16+$0x0] =	vst.idx.msk $0xffff, v43  }
0x10e: {  	v43 =	vor.u32 s31, v32;
	v38 =	vor.u32 v1, v38;
	[tilespmem:v61+s16+$0x0] =	vst.idx.msk $0xffff, v44  }
0x10f: {  	v44 =	vor.u32 v0, v38;
	[tilespmem:v62+s16+$0x0] =	vst.idx.msk $0xffff, v45  }
0x110: {  	v45 =	vor.u32 v2, v38;
	[tilespmem:v63+s16+$0x0] =	vst.idx.msk $0xffff, v46  }
0x111: {  	v49 =	vor.u32 v6, v38;
	[tilespmem:v40+s16+$0x0] =	vst.idx.msk $0xffff, v47  }
0x112: {  	v50 =	vor.u32 v7, v38;
	[tilespmem:v42+s16+$0x0] =	vst.idx.msk $0xffff, v48  }
0x113: {  	v51 =	vor.u32 v8, v38;
	[tilespmem:v43+s16+$0x0] =	vst.idx.msk $0xffff, v39  }
0x114: {  	v52 =	vor.u32 v9, v38;
	v37 =	vld.idx.msk [tilespmem:v44+s13+$0x0], $0xffff  }
0x115: {  	v53 =	vor.u32 v10, v38;
	v33 =	vld.idx.msk [tilespmem:v45+s13+$0x0], $0xffff  }
0x116: {  	v54 =	vor.u32 v11, v38;
	v39 =	vld.idx.msk [tilespmem:v49+s13+$0x0], $0xffff  }
0x117: {  	v55 =	vor.u32 v12, v38;
	v40 =	vld.idx.msk [tilespmem:v50+s13+$0x0], $0xffff  }
0x118: {  	v46 =	vor.u32 v3, v38;
	v41 =	vld.idx.msk [tilespmem:v51+s13+$0x0], $0xffff  }
0x119: {  	v56 =	vor.u32 v13, v38;
	v42 =	vld.idx.msk [tilespmem:v52+s13+$0x0], $0xffff  }
0x11a: {  	v47 =	vor.u32 v4, v38;
	v43 =	vld.idx.msk [tilespmem:v53+s13+$0x0], $0xffff  }
0x11b: {  	v57 =	vor.u32 v14, v38;
	v44 =	vld.idx.msk [tilespmem:v54+s13+$0x0], $0xffff  }
0x11c: {  	v48 =	vor.u32 v5, v38;
	v45 =	vld.idx.msk [tilespmem:v55+s13+$0x0], $0xffff  }
0x11d: {  	s31 =	sadd.s32 $0xFFFFFFD0, s26;
	v58 =	vor.u32 v15, v38;
	v34 =	vld.idx.msk [tilespmem:v46+s13+$0x0], $0xffff  }
0x11e: {  	v59 =	vor.u32 s31, v17;
	v38 =	vor.u32 v16, v38;
	v46 =	vld.idx.msk [tilespmem:v56+s13+$0x0], $0xffff  }
0x11f: {  	v60 =	vor.u32 s31, v18;
	v35 =	vld.idx.msk [tilespmem:v47+s13+$0x0], $0xffff  }
0x120: {  	v61 =	vor.u32 s31, v19;
	v47 =	vld.idx.msk [tilespmem:v57+s13+$0x0], $0xffff  }
0x121: {  	v62 =	vor.u32 s31, v20;
	v36 =	vld.idx.msk [tilespmem:v48+s13+$0x0], $0xffff  }
0x122: {  	v63 =	vor.u32 s31, v21;
	v48 =	vld.idx.msk [tilespmem:v58+s13+$0x0], $0xffff  }
0x123: {  	v54 =	vor.u32 s31, v22;
	v38 =	vld.idx.msk [tilespmem:v38+s13+$0x0], $0xffff;
	[tilespmem:v59+s16+$0x0] =	vst.idx.msk $0xffff, v37  }
0x124: {  	v55 =	vor.u32 s31, v23;
	[tilespmem:v60+s16+$0x0] =	vst.idx.msk $0xffff, v33  }
0x125: {  	v56 =	vor.u32 s31, v24;
	[tilespmem:v61+s16+$0x0] =	vst.idx.msk $0xffff, v34  }
0x126: {  	v57 =	vor.u32 s31, v25;
	[tilespmem:v62+s16+$0x0] =	vst.idx.msk $0xffff, v35  }
0x127: {  	v58 =	vor.u32 s31, v26;
	[tilespmem:v63+s16+$0x0] =	vst.idx.msk $0xffff, v36  }
0x128: {  	v59 =	vor.u32 s31, v27;
	[tilespmem:v54+s16+$0x0] =	vst.idx.msk $0xffff, v39  }
0x129: {  	v60 =	vor.u32 s31, v28;
	[tilespmem:v55+s16+$0x0] =	vst.idx.msk $0xffff, v40  }
0x12a: {  	s30 =	sadd.s32 $0xFFFFFFE0, s25;
	v61 =	vor.u32 s31, v29;
	[tilespmem:v56+s16+$0x0] =	vst.idx.msk $0xffff, v41  }
0x12b: {  	v62 =	vor.u32 s31, v30;
	v63 =	vmov s30;
	[tilespmem:v57+s16+$0x0] =	vst.idx.msk $0xffff, v42  }
0x12c: {  	v39 =	vshll.u32 v63, $0x4;
	v42 =	vor.u32 s31, v31;
	[tilespmem:v58+s16+$0x0] =	vst.idx.msk $0xffff, v43  }
0x12d: {  	v39 =	vor.u32 v1, v39;
	v43 =	vor.u32 s31, v32;
	[tilespmem:v59+s16+$0x0] =	vst.idx.msk $0xffff, v44  }
0x12e: {  	v44 =	vor.u32 v0, v39;
	[tilespmem:v60+s16+$0x0] =	vst.idx.msk $0xffff, v45  }
0x12f: {  	v45 =	vor.u32 v2, v39;
	[tilespmem:v61+s16+$0x0] =	vst.idx.msk $0xffff, v46  }
0x130: {  	v49 =	vor.u32 v6, v39;
	[tilespmem:v62+s16+$0x0] =	vst.idx.msk $0xffff, v47  }
0x131: {  	v50 =	vor.u32 v7, v39;
	[tilespmem:v42+s16+$0x0] =	vst.idx.msk $0xffff, v48  }
0x132: {  	v51 =	vor.u32 v8, v39;
	[tilespmem:v43+s16+$0x0] =	vst.idx.msk $0xffff, v38  }
0x133: {  	v52 =	vor.u32 v9, v39;
	v33 =	vld.idx.msk [tilespmem:v44+s13+$0x0], $0xffff  }
0x134: {  	v53 =	vor.u32 v10, v39;
	v34 =	vld.idx.msk [tilespmem:v45+s13+$0x0], $0xffff  }
0x135: {  	v54 =	vor.u32 v11, v39;
	v38 =	vld.idx.msk [tilespmem:v49+s13+$0x0], $0xffff  }
0x136: {  	v55 =	vor.u32 v12, v39;
	v40 =	vld.idx.msk [tilespmem:v50+s13+$0x0], $0xffff  }
0x137: {  	v46 =	vor.u32 v3, v39;
	v41 =	vld.idx.msk [tilespmem:v51+s13+$0x0], $0xffff  }
0x138: {  	v56 =	vor.u32 v13, v39;
	v42 =	vld.idx.msk [tilespmem:v52+s13+$0x0], $0xffff  }
0x139: {  	v47 =	vor.u32 v4, v39;
	v43 =	vld.idx.msk [tilespmem:v53+s13+$0x0], $0xffff  }
0x13a: {  	v57 =	vor.u32 v14, v39;
	v44 =	vld.idx.msk [tilespmem:v54+s13+$0x0], $0xffff  }
0x13b: {  	v48 =	vor.u32 v5, v39;
	v45 =	vld.idx.msk [tilespmem:v55+s13+$0x0], $0xffff  }
0x13c: {  	v58 =	vor.u32 v15, v39;
	s31 =	sadd.s32 $0xFFFFFFE0, s26;
	v35 =	vld.idx.msk [tilespmem:v46+s13+$0x0], $0xffff  }
0x13d: {  	v59 =	vor.u32 s31, v17;
	v39 =	vor.u32 v16, v39;
	v46 =	vld.idx.msk [tilespmem:v56+s13+$0x0], $0xffff  }
0x13e: {  	v60 =	vor.u32 s31, v18;
	v36 =	vld.idx.msk [tilespmem:v47+s13+$0x0], $0xffff  }
0x13f: {  	v61 =	vor.u32 s31, v19;
	v47 =	vld.idx.msk [tilespmem:v57+s13+$0x0], $0xffff  }
0x140: {  	v62 =	vor.u32 s31, v20;
	v37 =	vld.idx.msk [tilespmem:v48+s13+$0x0], $0xffff  }
0x141: {  	v63 =	vor.u32 s31, v21;
	v48 =	vld.idx.msk [tilespmem:v58+s13+$0x0], $0xffff  }
0x142: {  	v56 =	vor.u32 s31, v22;
	v39 =	vld.idx.msk [tilespmem:v39+s13+$0x0], $0xffff;
	[tilespmem:v59+s16+$0x0] =	vst.idx.msk $0xffff, v33  }
0x143: {  	v57 =	vor.u32 s31, v23;
	[tilespmem:v60+s16+$0x0] =	vst.idx.msk $0xffff, v34  }
0x144: {  	v58 =	vor.u32 s31, v24;
	[tilespmem:v61+s16+$0x0] =	vst.idx.msk $0xffff, v35  }
0x145: {  	v59 =	vor.u32 s31, v25;
	[tilespmem:v62+s16+$0x0] =	vst.idx.msk $0xffff, v36  }
0x146: {  	v60 =	vor.u32 s31, v26;
	[tilespmem:v63+s16+$0x0] =	vst.idx.msk $0xffff, v37  }
0x147: {  	v61 =	vor.u32 s31, v27;
	[tilespmem:v56+s16+$0x0] =	vst.idx.msk $0xffff, v38  }
0x148: {  	v62 =	vor.u32 s31, v28;
	[tilespmem:v57+s16+$0x0] =	vst.idx.msk $0xffff, v40  }
0x149: {  	s30 =	sadd.s32 $0xFFFFFFF0, s25;
	v63 =	vor.u32 s31, v29;
	[tilespmem:v58+s16+$0x0] =	vst.idx.msk $0xffff, v41  }
0x14a: {  	v40 =	vor.u32 s31, v30;
	v41 =	vmov s30;
	[tilespmem:v59+s16+$0x0] =	vst.idx.msk $0xffff, v42  }
0x14b: {  	v42 =	vor.u32 s31, v31;
	v38 =	vshll.u32 v41, $0x4;
	[tilespmem:v60+s16+$0x0] =	vst.idx.msk $0xffff, v43  }
0x14c: {  	v43 =	vor.u32 s31, v32;
	v38 =	vor.u32 v1, v38;
	[tilespmem:v61+s16+$0x0] =	vst.idx.msk $0xffff, v44  }
0x14d: {  	v44 =	vor.u32 v0, v38;
	[tilespmem:v62+s16+$0x0] =	vst.idx.msk $0xffff, v45  }
0x14e: {  	v45 =	vor.u32 v2, v38;
	[tilespmem:v63+s16+$0x0] =	vst.idx.msk $0xffff, v46  }
0x14f: {  	v49 =	vor.u32 v6, v38;
	[tilespmem:v40+s16+$0x0] =	vst.idx.msk $0xffff, v47  }
0x150: {  	v50 =	vor.u32 v7, v38;
	[tilespmem:v42+s16+$0x0] =	vst.idx.msk $0xffff, v48  }
0x151: {  	v51 =	vor.u32 v8, v38;
	[tilespmem:v43+s16+$0x0] =	vst.idx.msk $0xffff, v39  }
0x152: {  	v52 =	vor.u32 v9, v38;
	v34 =	vld.idx.msk [tilespmem:v44+s13+$0x0], $0xffff  }
0x153: {  	v53 =	vor.u32 v10, v38;
	v35 =	vld.idx.msk [tilespmem:v45+s13+$0x0], $0xffff  }
0x154: {  	v54 =	vor.u32 v11, v38;
	v39 =	vld.idx.msk [tilespmem:v49+s13+$0x0], $0xffff  }
0x155: {  	v55 =	vor.u32 v12, v38;
	v40 =	vld.idx.msk [tilespmem:v50+s13+$0x0], $0xffff  }
0x156: {  	v46 =	vor.u32 v3, v38;
	v41 =	vld.idx.msk [tilespmem:v51+s13+$0x0], $0xffff  }
0x157: {  	v56 =	vor.u32 v13, v38;
	v42 =	vld.idx.msk [tilespmem:v52+s13+$0x0], $0xffff  }
0x158: {  	v47 =	vor.u32 v4, v38;
	v43 =	vld.idx.msk [tilespmem:v53+s13+$0x0], $0xffff  }
0x159: {  	v57 =	vor.u32 v14, v38;
	v44 =	vld.idx.msk [tilespmem:v54+s13+$0x0], $0xffff  }
0x15a: {  	v48 =	vor.u32 v5, v38;
	v45 =	vld.idx.msk [tilespmem:v55+s13+$0x0], $0xffff  }
0x15b: {  	s31 =	sadd.s32 $0xFFFFFFF0, s26;
	v58 =	vor.u32 v15, v38;
	v36 =	vld.idx.msk [tilespmem:v46+s13+$0x0], $0xffff  }
0x15c: {  	v59 =	vor.u32 s31, v17;
	v38 =	vor.u32 v16, v38;
	v46 =	vld.idx.msk [tilespmem:v56+s13+$0x0], $0xffff  }
0x15d: {  	v60 =	vor.u32 s31, v18;
	v37 =	vld.idx.msk [tilespmem:v47+s13+$0x0], $0xffff  }
0x15e: {  	v61 =	vor.u32 s31, v19;
	v47 =	vld.idx.msk [tilespmem:v57+s13+$0x0], $0xffff  }
0x15f: {  	v62 =	vor.u32 s31, v20;
	v33 =	vld.idx.msk [tilespmem:v48+s13+$0x0], $0xffff  }
0x160: {  	v63 =	vor.u32 s31, v21;
	v48 =	vld.idx.msk [tilespmem:v58+s13+$0x0], $0xffff  }
0x161: {  	v54 =	vor.u32 s31, v22;
	v38 =	vld.idx.msk [tilespmem:v38+s13+$0x0], $0xffff;
	[tilespmem:v59+s16+$0x0] =	vst.idx.msk $0xffff, v34  }
0x162: {  	v55 =	vor.u32 s31, v23;
	[tilespmem:v60+s16+$0x0] =	vst.idx.msk $0xffff, v35  }
0x163: {  	v56 =	vor.u32 s31, v24;
	[tilespmem:v61+s16+$0x0] =	vst.idx.msk $0xffff, v36  }
0x164: {  	v57 =	vor.u32 s31, v25;
	[tilespmem:v62+s16+$0x0] =	vst.idx.msk $0xffff, v37  }
0x165: {  	v58 =	vor.u32 s31, v26;
	[tilespmem:v63+s16+$0x0] =	vst.idx.msk $0xffff, v33  }
0x166: {  	v59 =	vor.u32 s31, v27;
	[tilespmem:v54+s16+$0x0] =	vst.idx.msk $0xffff, v39  }
0x167: {  	v60 =	vor.u32 s31, v28;
	[tilespmem:v55+s16+$0x0] =	vst.idx.msk $0xffff, v40  }
0x168: {  	v61 =	vor.u32 s31, v29;
	[tilespmem:v56+s16+$0x0] =	vst.idx.msk $0xffff, v41  }
0x169: {  	v62 =	vor.u32 s31, v30;
	v63 =	vmov s25;
	[tilespmem:v57+s16+$0x0] =	vst.idx.msk $0xffff, v42  }
0x16a: {  	v39 =	vshll.u32 v63, $0x4;
	v42 =	vor.u32 s31, v31;
	[tilespmem:v58+s16+$0x0] =	vst.idx.msk $0xffff, v43  }
0x16b: {  	v39 =	vor.u32 v1, v39;
	v43 =	vor.u32 s31, v32;
	[tilespmem:v59+s16+$0x0] =	vst.idx.msk $0xffff, v44  }
0x16c: {  	v44 =	vor.u32 v0, v39;
	[tilespmem:v60+s16+$0x0] =	vst.idx.msk $0xffff, v45  }
0x16d: {  	v45 =	vor.u32 v2, v39;
	[tilespmem:v61+s16+$0x0] =	vst.idx.msk $0xffff, v46  }
0x16e: {  	v49 =	vor.u32 v6, v39;
	[tilespmem:v62+s16+$0x0] =	vst.idx.msk $0xffff, v47  }
0x16f: {  	v50 =	vor.u32 v7, v39;
	[tilespmem:v42+s16+$0x0] =	vst.idx.msk $0xffff, v48  }
0x170: {  	v51 =	vor.u32 v8, v39;
	[tilespmem:v43+s16+$0x0] =	vst.idx.msk $0xffff, v38  }
0x171: {  	v52 =	vor.u32 v9, v39;
	v35 =	vld.idx.msk [tilespmem:v44+s13+$0x0], $0xffff  }
0x172: {  	v53 =	vor.u32 v10, v39;
	v36 =	vld.idx.msk [tilespmem:v45+s13+$0x0], $0xffff  }
0x173: {  	v54 =	vor.u32 v11, v39;
	v38 =	vld.idx.msk [tilespmem:v49+s13+$0x0], $0xffff  }
0x174: {  	v55 =	vor.u32 v12, v39;
	v40 =	vld.idx.msk [tilespmem:v50+s13+$0x0], $0xffff  }
0x175: {  	v46 =	vor.u32 v3, v39;
	v41 =	vld.idx.msk [tilespmem:v51+s13+$0x0], $0xffff  }
0x176: {  	v56 =	vor.u32 v13, v39;
	v42 =	vld.idx.msk [tilespmem:v52+s13+$0x0], $0xffff  }
0x177: {  	v47 =	vor.u32 v4, v39;
	v43 =	vld.idx.msk [tilespmem:v53+s13+$0x0], $0xffff  }
0x178: {  	v57 =	vor.u32 v14, v39;
	v44 =	vld.idx.msk [tilespmem:v54+s13+$0x0], $0xffff  }
0x179: {  	v48 =	vor.u32 v5, v39;
	v45 =	vld.idx.msk [tilespmem:v55+s13+$0x0], $0xffff  }
0x17a: {  	v58 =	vor.u32 v15, v39;
	v37 =	vld.idx.msk [tilespmem:v46+s13+$0x0], $0xffff  }
0x17b: {  	v59 =	vor.u32 s26, v17;
	v39 =	vor.u32 v16, v39;
	v46 =	vld.idx.msk [tilespmem:v56+s13+$0x0], $0xffff  }
0x17c: {  	v60 =	vor.u32 s26, v18;
	v33 =	vld.idx.msk [tilespmem:v47+s13+$0x0], $0xffff  }
0x17d: {  	v61 =	vor.u32 s26, v19;
	v47 =	vld.idx.msk [tilespmem:v57+s13+$0x0], $0xffff  }
0x17e: {  	v62 =	vor.u32 s26, v20;
	v34 =	vld.idx.msk [tilespmem:v48+s13+$0x0], $0xffff  }
0x17f: {  	v63 =	vor.u32 s26, v21;
	v48 =	vld.idx.msk [tilespmem:v58+s13+$0x0], $0xffff  }
0x180: {  	v49 =	vor.u32 s26, v22;
	v39 =	vld.idx.msk [tilespmem:v39+s13+$0x0], $0xffff;
	[tilespmem:v59+s16+$0x0] =	vst.idx.msk $0xffff, v35  }
0x181: {  	v54 =	vor.u32 s26, v23;
	[tilespmem:v60+s16+$0x0] =	vst.idx.msk $0xffff, v36  }
0x182: {  	v55 =	vor.u32 s26, v24;
	[tilespmem:v61+s16+$0x0] =	vst.idx.msk $0xffff, v37  }
0x183: {  	v56 =	vor.u32 s26, v25;
	[tilespmem:v62+s16+$0x0] =	vst.idx.msk $0xffff, v33  }
0x184: {  	v57 =	vor.u32 s26, v26;
	[tilespmem:v63+s16+$0x0] =	vst.idx.msk $0xffff, v34  }
0x185: {  	v58 =	vor.u32 s26, v27;
	[tilespmem:v49+s16+$0x0] =	vst.idx.msk $0xffff, v38  }
0x186: {  	v59 =	vor.u32 s26, v28;
	[tilespmem:v54+s16+$0x0] =	vst.idx.msk $0xffff, v40  }
0x187: {  	v60 =	vor.u32 s26, v29;
	[tilespmem:v55+s16+$0x0] =	vst.idx.msk $0xffff, v41  }
0x188: {  	v61 =	vor.u32 s26, v30;
	[tilespmem:v56+s16+$0x0] =	vst.idx.msk $0xffff, v42  }
0x189: {  	v62 =	vor.u32 s26, v31;
	[tilespmem:v57+s16+$0x0] =	vst.idx.msk $0xffff, v43  }
0x18a: {  	p1 =	sne.s32 s26, $0x1C70;
	v63 =	vor.u32 s26, v32;
	[tilespmem:v58+s16+$0x0] =	vst.idx.msk $0xffff, v44  }
.Ltmp0:
0x18b: {  	[tilespmem:v59+s16+$0x0] =	vst.idx.msk $0xffff, v45;
	(pc) =	sbr.rel @p1 .LBB2_3-.Ltmp0, $4  }
0x18c: {  	[tilespmem:v60+s16+$0x0] =	vst.idx.msk $0xffff, v46  }
0x18d: {  	[tilespmem:v61+s16+$0x0] =	vst.idx.msk $0xffff, v47  }
0x18e: {  	[tilespmem:v62+s16+$0x0] =	vst.idx.msk $0xffff, v48  }
0x18f: {  	s25 =	sadd.s32 $0x80, s25;
	s26 =	sadd.s32 $0x400, s26;
	[tilespmem:v63+s16+$0x0] =	vst.idx.msk $0xffff, v39  }
0x190: {  	s25 =	sadd.s32 s5, s24  }
0x191: {  	s26 =	sshll.u32 s25, $0xA;
	s25 =	sshll.u32 s25, $0xB  }
0x192: {  	p1 =	sne.s32 s22, $0x31;
	s26 =	sand.u32 $0x3800, s26;
	s25 =	sand.u32 $0xFFF8000, s25  }
.Ltmp1:
0x193: {  	s25 =	sor.u32 s26, s25;
	(pc) =	sbr.rel @p1 .LBB2_6-.Ltmp1, $4  }
0x194: {  	s26 =	sadd.s32 s1, s25  }
0x195: {  	[hbm4b:s26+s3] =	stream.linear.scatter [tilespmem:s16], [sflag:$0x2], $0x2000, $0x38;
	[tilespmem:$0x10800] =	vst v63  }
0x196: {  	s25 =	sadd.s32 s25, s8  }
0x197: {  	[hbm4b:s25+s3] =	stream.linear.scatter [tilespmem:s17], [sflag:$0x2], $0x2000, $0x38;
	[tilespmem:$0x10800] =	vst v63  }
.Ltmp2:
0x198: {  	(pc) =	sbr.rel .LBB2_7-.Ltmp2, $4  }
0x199: {  	_ = 	snop  }
0x19a: {  	_ =	swait.ge [sflag:s14], $0x4000  }
0x19b: {  	[sflag:s14] =	ssyncset.done $0x0  }
0x19c: {  	[sflag:s14] =	ssyncadd.s32 $0xFFFFC000  }
.LBB2_6:
0x19d: {  	s24 =	sadd.s32 s24, s9  }
0x19e: {  	s24 =	sshll.u32 s24, $0x7  }
0x19f: {  	s24 =	sand.u32 $0xFFFFF00, s24  }
0x1a0: {  	s24 =	sadd.s32 s4, s24  }
0x1a1: {  	[tilespmem:s3], [sflag:$0x3] =	stream.linear.gather [hbm4b:s24+s3], $0x400, $0x38;
	[tilespmem:$0x10800] =	vst v63  }
0x1a2: {  	_ =	swait.ge [sflag:s11], $0x400  }
0x1a3: {  	[sflag:s11] =	ssyncset.done $0x0  }
.Ltmp3:
0x1a4: {  	[sflag:s11] =	ssyncadd.s32 $0xFFFFFC00;
	(pc) =	sbr.rel @p0 .LBB2_8-.Ltmp3, $4  }
0x1a5: {  	_ =	swait.ge [sflag:s14], $0x4000  }
0x1a6: {  	[sflag:s14] =	ssyncset.done $0x0  }
0x1a7: {  	[sflag:s14] =	ssyncadd.s32 $0xFFFFC000  }
0x1a8: {  	[tilespmem:s13], [sflag:$0x1] =	stream.indirect.gather [hbm4b:s6+s12], $0x10, s3, s12, $0xb8;
	[tilespmem:$0x10800] =	vst v63  }
.LBB2_7:
0x1a9: {  	_ =	swait.ge [sflag:s18], $0x2000  }
0x1aa: {  	[sflag:s18] =	ssyncset.done $0x0  }
0x1ab: {  	[sflag:s18] =	ssyncadd.s32 $0xFFFFE000  }
0x1ac: {  	_ =	swait.ge [sflag:s18], $0x2000  }
0x1ad: {  	[sflag:s18] =	ssyncset.done $0x0  }
0x1ae: {  	[sflag:s18] =	ssyncadd.s32 $0xFFFFE000  }
.LBB2_8:
0x1af: {  	s24 =	simm.s32 $0x70;
	s25 =	simm.s32 $0x70  }
.LBB2_9:
0x1b0: {  	s26 =	sadd.s32 $0xFFFFFF90, s24  }
0x1b1: {  	v33 =	vmov s26  }
0x1b2: {  	v33 =	vshll.u32 v33, $0x4  }
0x1b3: {  	v33 =	vor.u32 v1, v33  }
0x1b4: {  	v34 =	vor.u32 v0, v33  }
0x1b5: {  	v35 =	vor.u32 v2, v33  }
0x1b6: {  	v36 =	vor.u32 v3, v33  }
0x1b7: {  	v37 =	vor.u32 v4, v33  }
0x1b8: {  	v38 =	vor.u32 v5, v33  }
0x1b9: {  	v39 =	vor.u32 v6, v33;
	v34 =	vld.idx.msk [tilespmem:v34+s15+$0x0], $0xffff  }
0x1ba: {  	v40 =	vor.u32 v7, v33;
	v35 =	vld.idx.msk [tilespmem:v35+s15+$0x0], $0xffff  }
0x1bb: {  	v41 =	vor.u32 v8, v33;
	v36 =	vld.idx.msk [tilespmem:v36+s15+$0x0], $0xffff  }
0x1bc: {  	v42 =	vor.u32 v9, v33;
	v37 =	vld.idx.msk [tilespmem:v37+s15+$0x0], $0xffff  }
0x1bd: {  	v43 =	vor.u32 v10, v33;
	v38 =	vld.idx.msk [tilespmem:v38+s15+$0x0], $0xffff  }
0x1be: {  	v44 =	vor.u32 v11, v33;
	v39 =	vld.idx.msk [tilespmem:v39+s15+$0x0], $0xffff  }
0x1bf: {  	v45 =	vor.u32 v12, v33;
	v40 =	vld.idx.msk [tilespmem:v40+s15+$0x0], $0xffff  }
0x1c0: {  	v46 =	vor.u32 v13, v33;
	v41 =	vld.idx.msk [tilespmem:v41+s15+$0x0], $0xffff  }
0x1c1: {  	v47 =	vor.u32 v14, v33;
	v42 =	vld.idx.msk [tilespmem:v42+s15+$0x0], $0xffff  }
0x1c2: {  	s29 =	sadd.s32 $0xFFFFFF90, s25;
	v48 =	vor.u32 v15, v33;
	v43 =	vld.idx.msk [tilespmem:v43+s15+$0x0], $0xffff  }
0x1c3: {  	v49 =	vor.u32 s29, v17;
	v33 =	vor.u32 v16, v33;
	v44 =	vld.idx.msk [tilespmem:v44+s15+$0x0], $0xffff  }
0x1c4: {  	v50 =	vor.u32 s29, v18;
	v45 =	vld.idx.msk [tilespmem:v45+s15+$0x0], $0xffff  }
0x1c5: {  	v51 =	vor.u32 s29, v19;
	v46 =	vld.idx.msk [tilespmem:v46+s15+$0x0], $0xffff  }
0x1c6: {  	v52 =	vor.u32 s29, v20;
	v47 =	vld.idx.msk [tilespmem:v47+s15+$0x0], $0xffff  }
0x1c7: {  	v53 =	vor.u32 s29, v21;
	v48 =	vld.idx.msk [tilespmem:v48+s15+$0x0], $0xffff  }
0x1c8: {  	v54 =	vor.u32 s29, v22;
	v33 =	vld.idx.msk [tilespmem:v33+s15+$0x0], $0xffff;
	[tilespmem:v49+s19+$0x0] =	vst.idx.msk $0xffff, v34  }
0x1c9: {  	v55 =	vor.u32 s29, v23;
	[tilespmem:v50+s19+$0x0] =	vst.idx.msk $0xffff, v35  }
0x1ca: {  	v56 =	vor.u32 s29, v24;
	[tilespmem:v51+s19+$0x0] =	vst.idx.msk $0xffff, v36  }
0x1cb: {  	v57 =	vor.u32 s29, v25;
	[tilespmem:v52+s19+$0x0] =	vst.idx.msk $0xffff, v37  }
0x1cc: {  	v58 =	vor.u32 s29, v26;
	[tilespmem:v53+s19+$0x0] =	vst.idx.msk $0xffff, v38  }
0x1cd: {  	v59 =	vor.u32 s29, v27;
	[tilespmem:v54+s19+$0x0] =	vst.idx.msk $0xffff, v39  }
0x1ce: {  	v60 =	vor.u32 s29, v28;
	[tilespmem:v55+s19+$0x0] =	vst.idx.msk $0xffff, v40  }
0x1cf: {  	s28 =	sadd.s32 $0xFFFFFFA0, s24;
	v61 =	vor.u32 s29, v29;
	[tilespmem:v56+s19+$0x0] =	vst.idx.msk $0xffff, v41  }
0x1d0: {  	v62 =	vor.u32 s29, v30;
	v63 =	vmov s28;
	[tilespmem:v57+s19+$0x0] =	vst.idx.msk $0xffff, v42  }
0x1d1: {  	v39 =	vshll.u32 v63, $0x4;
	v42 =	vor.u32 s29, v31;
	[tilespmem:v58+s19+$0x0] =	vst.idx.msk $0xffff, v43  }
0x1d2: {  	v39 =	vor.u32 v1, v39;
	v43 =	vor.u32 s29, v32;
	[tilespmem:v59+s19+$0x0] =	vst.idx.msk $0xffff, v44  }
0x1d3: {  	v44 =	vor.u32 v0, v39;
	[tilespmem:v60+s19+$0x0] =	vst.idx.msk $0xffff, v45  }
0x1d4: {  	v45 =	vor.u32 v2, v39;
	[tilespmem:v61+s19+$0x0] =	vst.idx.msk $0xffff, v46  }
0x1d5: {  	v49 =	vor.u32 v6, v39;
	[tilespmem:v62+s19+$0x0] =	vst.idx.msk $0xffff, v47  }
0x1d6: {  	v50 =	vor.u32 v7, v39;
	[tilespmem:v42+s19+$0x0] =	vst.idx.msk $0xffff, v48  }
0x1d7: {  	v51 =	vor.u32 v8, v39;
	[tilespmem:v43+s19+$0x0] =	vst.idx.msk $0xffff, v33  }
0x1d8: {  	v52 =	vor.u32 v9, v39;
	v34 =	vld.idx.msk [tilespmem:v44+s15+$0x0], $0xffff  }
0x1d9: {  	v53 =	vor.u32 v10, v39;
	v36 =	vld.idx.msk [tilespmem:v45+s15+$0x0], $0xffff  }
0x1da: {  	v54 =	vor.u32 v11, v39;
	v35 =	vld.idx.msk [tilespmem:v49+s15+$0x0], $0xffff  }
0x1db: {  	v55 =	vor.u32 v12, v39;
	v40 =	vld.idx.msk [tilespmem:v50+s15+$0x0], $0xffff  }
0x1dc: {  	v46 =	vor.u32 v3, v39;
	v41 =	vld.idx.msk [tilespmem:v51+s15+$0x0], $0xffff  }
0x1dd: {  	v56 =	vor.u32 v13, v39;
	v42 =	vld.idx.msk [tilespmem:v52+s15+$0x0], $0xffff  }
0x1de: {  	v47 =	vor.u32 v4, v39;
	v43 =	vld.idx.msk [tilespmem:v53+s15+$0x0], $0xffff  }
0x1df: {  	v57 =	vor.u32 v14, v39;
	v44 =	vld.idx.msk [tilespmem:v54+s15+$0x0], $0xffff  }
0x1e0: {  	v48 =	vor.u32 v5, v39;
	v45 =	vld.idx.msk [tilespmem:v55+s15+$0x0], $0xffff  }
0x1e1: {  	s30 =	sadd.s32 $0xFFFFFFA0, s25;
	v58 =	vor.u32 v15, v39;
	v37 =	vld.idx.msk [tilespmem:v46+s15+$0x0], $0xffff  }
0x1e2: {  	v59 =	vor.u32 s30, v17;
	v39 =	vor.u32 v16, v39;
	v46 =	vld.idx.msk [tilespmem:v56+s15+$0x0], $0xffff  }
0x1e3: {  	v60 =	vor.u32 s30, v18;
	v38 =	vld.idx.msk [tilespmem:v47+s15+$0x0], $0xffff  }
0x1e4: {  	v61 =	vor.u32 s30, v19;
	v47 =	vld.idx.msk [tilespmem:v57+s15+$0x0], $0xffff  }
0x1e5: {  	v62 =	vor.u32 s30, v20;
	v33 =	vld.idx.msk [tilespmem:v48+s15+$0x0], $0xffff  }
0x1e6: {  	v63 =	vor.u32 s30, v21;
	v48 =	vld.idx.msk [tilespmem:v58+s15+$0x0], $0xffff  }
0x1e7: {  	v56 =	vor.u32 s30, v22;
	v39 =	vld.idx.msk [tilespmem:v39+s15+$0x0], $0xffff;
	[tilespmem:v59+s19+$0x0] =	vst.idx.msk $0xffff, v34  }
0x1e8: {  	v57 =	vor.u32 s30, v23;
	[tilespmem:v60+s19+$0x0] =	vst.idx.msk $0xffff, v36  }
0x1e9: {  	v58 =	vor.u32 s30, v24;
	[tilespmem:v61+s19+$0x0] =	vst.idx.msk $0xffff, v37  }
0x1ea: {  	v59 =	vor.u32 s30, v25;
	[tilespmem:v62+s19+$0x0] =	vst.idx.msk $0xffff, v38  }
0x1eb: {  	v60 =	vor.u32 s30, v26;
	[tilespmem:v63+s19+$0x0] =	vst.idx.msk $0xffff, v33  }
0x1ec: {  	v61 =	vor.u32 s30, v27;
	[tilespmem:v56+s19+$0x0] =	vst.idx.msk $0xffff, v35  }
0x1ed: {  	v62 =	vor.u32 s30, v28;
	[tilespmem:v57+s19+$0x0] =	vst.idx.msk $0xffff, v40  }
0x1ee: {  	s31 =	sadd.s32 $0xFFFFFFB0, s24;
	v63 =	vor.u32 s30, v29;
	[tilespmem:v58+s19+$0x0] =	vst.idx.msk $0xffff, v41  }
0x1ef: {  	v40 =	vor.u32 s30, v30;
	v41 =	vmov s31;
	[tilespmem:v59+s19+$0x0] =	vst.idx.msk $0xffff, v42  }
0x1f0: {  	v42 =	vor.u32 s30, v31;
	v38 =	vshll.u32 v41, $0x4;
	[tilespmem:v60+s19+$0x0] =	vst.idx.msk $0xffff, v43  }
0x1f1: {  	v43 =	vor.u32 s30, v32;
	v38 =	vor.u32 v1, v38;
	[tilespmem:v61+s19+$0x0] =	vst.idx.msk $0xffff, v44  }
0x1f2: {  	v44 =	vor.u32 v0, v38;
	[tilespmem:v62+s19+$0x0] =	vst.idx.msk $0xffff, v45  }
0x1f3: {  	v45 =	vor.u32 v2, v38;
	[tilespmem:v63+s19+$0x0] =	vst.idx.msk $0xffff, v46  }
0x1f4: {  	v49 =	vor.u32 v6, v38;
	[tilespmem:v40+s19+$0x0] =	vst.idx.msk $0xffff, v47  }
0x1f5: {  	v50 =	vor.u32 v7, v38;
	[tilespmem:v42+s19+$0x0] =	vst.idx.msk $0xffff, v48  }
0x1f6: {  	v51 =	vor.u32 v8, v38;
	[tilespmem:v43+s19+$0x0] =	vst.idx.msk $0xffff, v39  }
0x1f7: {  	v52 =	vor.u32 v9, v38;
	v35 =	vld.idx.msk [tilespmem:v44+s15+$0x0], $0xffff  }
0x1f8: {  	v53 =	vor.u32 v10, v38;
	v36 =	vld.idx.msk [tilespmem:v45+s15+$0x0], $0xffff  }
0x1f9: {  	v54 =	vor.u32 v11, v38;
	v39 =	vld.idx.msk [tilespmem:v49+s15+$0x0], $0xffff  }
0x1fa: {  	v55 =	vor.u32 v12, v38;
	v40 =	vld.idx.msk [tilespmem:v50+s15+$0x0], $0xffff  }
0x1fb: {  	v46 =	vor.u32 v3, v38;
	v41 =	vld.idx.msk [tilespmem:v51+s15+$0x0], $0xffff  }
0x1fc: {  	v56 =	vor.u32 v13, v38;
	v42 =	vld.idx.msk [tilespmem:v52+s15+$0x0], $0xffff  }
0x1fd: {  	v47 =	vor.u32 v4, v38;
	v43 =	vld.idx.msk [tilespmem:v53+s15+$0x0], $0xffff  }
0x1fe: {  	v57 =	vor.u32 v14, v38;
	v44 =	vld.idx.msk [tilespmem:v54+s15+$0x0], $0xffff  }
0x1ff: {  	v48 =	vor.u32 v5, v38;
	v45 =	vld.idx.msk [tilespmem:v55+s15+$0x0], $0xffff  }
0x200: {  	s29 =	sadd.s32 $0xFFFFFFB0, s25;
	v58 =	vor.u32 v15, v38;
	v37 =	vld.idx.msk [tilespmem:v46+s15+$0x0], $0xffff  }
0x201: {  	v59 =	vor.u32 s29, v17;
	v38 =	vor.u32 v16, v38;
	v46 =	vld.idx.msk [tilespmem:v56+s15+$0x0], $0xffff  }
0x202: {  	v60 =	vor.u32 s29, v18;
	v33 =	vld.idx.msk [tilespmem:v47+s15+$0x0], $0xffff  }
0x203: {  	v61 =	vor.u32 s29, v19;
	v47 =	vld.idx.msk [tilespmem:v57+s15+$0x0], $0xffff  }
0x204: {  	v62 =	vor.u32 s29, v20;
	v34 =	vld.idx.msk [tilespmem:v48+s15+$0x0], $0xffff  }
0x205: {  	v63 =	vor.u32 s29, v21;
	v48 =	vld.idx.msk [tilespmem:v58+s15+$0x0], $0xffff  }
0x206: {  	v54 =	vor.u32 s29, v22;
	v38 =	vld.idx.msk [tilespmem:v38+s15+$0x0], $0xffff;
	[tilespmem:v59+s19+$0x0] =	vst.idx.msk $0xffff, v35  }
0x207: {  	v55 =	vor.u32 s29, v23;
	[tilespmem:v60+s19+$0x0] =	vst.idx.msk $0xffff, v36  }
0x208: {  	v56 =	vor.u32 s29, v24;
	[tilespmem:v61+s19+$0x0] =	vst.idx.msk $0xffff, v37  }
0x209: {  	v57 =	vor.u32 s29, v25;
	[tilespmem:v62+s19+$0x0] =	vst.idx.msk $0xffff, v33  }
0x20a: {  	v58 =	vor.u32 s29, v26;
	[tilespmem:v63+s19+$0x0] =	vst.idx.msk $0xffff, v34  }
0x20b: {  	v59 =	vor.u32 s29, v27;
	[tilespmem:v54+s19+$0x0] =	vst.idx.msk $0xffff, v39  }
0x20c: {  	v60 =	vor.u32 s29, v28;
	[tilespmem:v55+s19+$0x0] =	vst.idx.msk $0xffff, v40  }
0x20d: {  	s30 =	sadd.s32 $0xFFFFFFC0, s24;
	v61 =	vor.u32 s29, v29;
	[tilespmem:v56+s19+$0x0] =	vst.idx.msk $0xffff, v41  }
0x20e: {  	v62 =	vor.u32 s29, v30;
	v63 =	vmov s30;
	[tilespmem:v57+s19+$0x0] =	vst.idx.msk $0xffff, v42  }
0x20f: {  	v39 =	vshll.u32 v63, $0x4;
	v42 =	vor.u32 s29, v31;
	[tilespmem:v58+s19+$0x0] =	vst.idx.msk $0xffff, v43  }
0x210: {  	v39 =	vor.u32 v1, v39;
	v43 =	vor.u32 s29, v32;
	[tilespmem:v59+s19+$0x0] =	vst.idx.msk $0xffff, v44  }
0x211: {  	v44 =	vor.u32 v0, v39;
	[tilespmem:v60+s19+$0x0] =	vst.idx.msk $0xffff, v45  }
0x212: {  	v45 =	vor.u32 v2, v39;
	[tilespmem:v61+s19+$0x0] =	vst.idx.msk $0xffff, v46  }
0x213: {  	v49 =	vor.u32 v6, v39;
	[tilespmem:v62+s19+$0x0] =	vst.idx.msk $0xffff, v47  }
0x214: {  	v50 =	vor.u32 v7, v39;
	[tilespmem:v42+s19+$0x0] =	vst.idx.msk $0xffff, v48  }
0x215: {  	v51 =	vor.u32 v8, v39;
	[tilespmem:v43+s19+$0x0] =	vst.idx.msk $0xffff, v38  }
0x216: {  	v52 =	vor.u32 v9, v39;
	v36 =	vld.idx.msk [tilespmem:v44+s15+$0x0], $0xffff  }
0x217: {  	v53 =	vor.u32 v10, v39;
	v37 =	vld.idx.msk [tilespmem:v45+s15+$0x0], $0xffff  }
0x218: {  	v54 =	vor.u32 v11, v39;
	v38 =	vld.idx.msk [tilespmem:v49+s15+$0x0], $0xffff  }
0x219: {  	v55 =	vor.u32 v12, v39;
	v40 =	vld.idx.msk [tilespmem:v50+s15+$0x0], $0xffff  }
0x21a: {  	v46 =	vor.u32 v3, v39;
	v41 =	vld.idx.msk [tilespmem:v51+s15+$0x0], $0xffff  }
0x21b: {  	v56 =	vor.u32 v13, v39;
	v42 =	vld.idx.msk [tilespmem:v52+s15+$0x0], $0xffff  }
0x21c: {  	v47 =	vor.u32 v4, v39;
	v43 =	vld.idx.msk [tilespmem:v53+s15+$0x0], $0xffff  }
0x21d: {  	v57 =	vor.u32 v14, v39;
	v44 =	vld.idx.msk [tilespmem:v54+s15+$0x0], $0xffff  }
0x21e: {  	v48 =	vor.u32 v5, v39;
	v45 =	vld.idx.msk [tilespmem:v55+s15+$0x0], $0xffff  }
0x21f: {  	s31 =	sadd.s32 $0xFFFFFFC0, s25;
	v58 =	vor.u32 v15, v39;
	v33 =	vld.idx.msk [tilespmem:v46+s15+$0x0], $0xffff  }
0x220: {  	v59 =	vor.u32 s31, v17;
	v39 =	vor.u32 v16, v39;
	v46 =	vld.idx.msk [tilespmem:v56+s15+$0x0], $0xffff  }
0x221: {  	v60 =	vor.u32 s31, v18;
	v34 =	vld.idx.msk [tilespmem:v47+s15+$0x0], $0xffff  }
0x222: {  	v61 =	vor.u32 s31, v19;
	v47 =	vld.idx.msk [tilespmem:v57+s15+$0x0], $0xffff  }
0x223: {  	v62 =	vor.u32 s31, v20;
	v35 =	vld.idx.msk [tilespmem:v48+s15+$0x0], $0xffff  }
0x224: {  	v63 =	vor.u32 s31, v21;
	v48 =	vld.idx.msk [tilespmem:v58+s15+$0x0], $0xffff  }
0x225: {  	v56 =	vor.u32 s31, v22;
	v39 =	vld.idx.msk [tilespmem:v39+s15+$0x0], $0xffff;
	[tilespmem:v59+s19+$0x0] =	vst.idx.msk $0xffff, v36  }
0x226: {  	v57 =	vor.u32 s31, v23;
	[tilespmem:v60+s19+$0x0] =	vst.idx.msk $0xffff, v37  }
0x227: {  	v58 =	vor.u32 s31, v24;
	[tilespmem:v61+s19+$0x0] =	vst.idx.msk $0xffff, v33  }
0x228: {  	v59 =	vor.u32 s31, v25;
	[tilespmem:v62+s19+$0x0] =	vst.idx.msk $0xffff, v34  }
0x229: {  	v60 =	vor.u32 s31, v26;
	[tilespmem:v63+s19+$0x0] =	vst.idx.msk $0xffff, v35  }
0x22a: {  	v61 =	vor.u32 s31, v27;
	[tilespmem:v56+s19+$0x0] =	vst.idx.msk $0xffff, v38  }
0x22b: {  	v62 =	vor.u32 s31, v28;
	[tilespmem:v57+s19+$0x0] =	vst.idx.msk $0xffff, v40  }
0x22c: {  	s29 =	sadd.s32 $0xFFFFFFD0, s24;
	v63 =	vor.u32 s31, v29;
	[tilespmem:v58+s19+$0x0] =	vst.idx.msk $0xffff, v41  }
0x22d: {  	v40 =	vor.u32 s31, v30;
	v41 =	vmov s29;
	[tilespmem:v59+s19+$0x0] =	vst.idx.msk $0xffff, v42  }
0x22e: {  	v42 =	vor.u32 s31, v31;
	v38 =	vshll.u32 v41, $0x4;
	[tilespmem:v60+s19+$0x0] =	vst.idx.msk $0xffff, v43  }
0x22f: {  	v43 =	vor.u32 s31, v32;
	v38 =	vor.u32 v1, v38;
	[tilespmem:v61+s19+$0x0] =	vst.idx.msk $0xffff, v44  }
0x230: {  	v44 =	vor.u32 v0, v38;
	[tilespmem:v62+s19+$0x0] =	vst.idx.msk $0xffff, v45  }
0x231: {  	v45 =	vor.u32 v2, v38;
	[tilespmem:v63+s19+$0x0] =	vst.idx.msk $0xffff, v46  }
0x232: {  	v49 =	vor.u32 v6, v38;
	[tilespmem:v40+s19+$0x0] =	vst.idx.msk $0xffff, v47  }
0x233: {  	v50 =	vor.u32 v7, v38;
	[tilespmem:v42+s19+$0x0] =	vst.idx.msk $0xffff, v48  }
0x234: {  	v51 =	vor.u32 v8, v38;
	[tilespmem:v43+s19+$0x0] =	vst.idx.msk $0xffff, v39  }
0x235: {  	v52 =	vor.u32 v9, v38;
	v37 =	vld.idx.msk [tilespmem:v44+s15+$0x0], $0xffff  }
0x236: {  	v53 =	vor.u32 v10, v38;
	v33 =	vld.idx.msk [tilespmem:v45+s15+$0x0], $0xffff  }
0x237: {  	v54 =	vor.u32 v11, v38;
	v39 =	vld.idx.msk [tilespmem:v49+s15+$0x0], $0xffff  }
0x238: {  	v55 =	vor.u32 v12, v38;
	v40 =	vld.idx.msk [tilespmem:v50+s15+$0x0], $0xffff  }
0x239: {  	v46 =	vor.u32 v3, v38;
	v41 =	vld.idx.msk [tilespmem:v51+s15+$0x0], $0xffff  }
0x23a: {  	v56 =	vor.u32 v13, v38;
	v42 =	vld.idx.msk [tilespmem:v52+s15+$0x0], $0xffff  }
0x23b: {  	v47 =	vor.u32 v4, v38;
	v43 =	vld.idx.msk [tilespmem:v53+s15+$0x0], $0xffff  }
0x23c: {  	v57 =	vor.u32 v14, v38;
	v44 =	vld.idx.msk [tilespmem:v54+s15+$0x0], $0xffff  }
0x23d: {  	v48 =	vor.u32 v5, v38;
	v45 =	vld.idx.msk [tilespmem:v55+s15+$0x0], $0xffff  }
0x23e: {  	s30 =	sadd.s32 $0xFFFFFFD0, s25;
	v58 =	vor.u32 v15, v38;
	v34 =	vld.idx.msk [tilespmem:v46+s15+$0x0], $0xffff  }
0x23f: {  	v59 =	vor.u32 s30, v17;
	v38 =	vor.u32 v16, v38;
	v46 =	vld.idx.msk [tilespmem:v56+s15+$0x0], $0xffff  }
0x240: {  	v60 =	vor.u32 s30, v18;
	v35 =	vld.idx.msk [tilespmem:v47+s15+$0x0], $0xffff  }
0x241: {  	v61 =	vor.u32 s30, v19;
	v47 =	vld.idx.msk [tilespmem:v57+s15+$0x0], $0xffff  }
0x242: {  	v62 =	vor.u32 s30, v20;
	v36 =	vld.idx.msk [tilespmem:v48+s15+$0x0], $0xffff  }
0x243: {  	v63 =	vor.u32 s30, v21;
	v48 =	vld.idx.msk [tilespmem:v58+s15+$0x0], $0xffff  }
0x244: {  	v54 =	vor.u32 s30, v22;
	v38 =	vld.idx.msk [tilespmem:v38+s15+$0x0], $0xffff;
	[tilespmem:v59+s19+$0x0] =	vst.idx.msk $0xffff, v37  }
0x245: {  	v55 =	vor.u32 s30, v23;
	[tilespmem:v60+s19+$0x0] =	vst.idx.msk $0xffff, v33  }
0x246: {  	v56 =	vor.u32 s30, v24;
	[tilespmem:v61+s19+$0x0] =	vst.idx.msk $0xffff, v34  }
0x247: {  	v57 =	vor.u32 s30, v25;
	[tilespmem:v62+s19+$0x0] =	vst.idx.msk $0xffff, v35  }
0x248: {  	v58 =	vor.u32 s30, v26;
	[tilespmem:v63+s19+$0x0] =	vst.idx.msk $0xffff, v36  }
0x249: {  	v59 =	vor.u32 s30, v27;
	[tilespmem:v54+s19+$0x0] =	vst.idx.msk $0xffff, v39  }
0x24a: {  	v60 =	vor.u32 s30, v28;
	[tilespmem:v55+s19+$0x0] =	vst.idx.msk $0xffff, v40  }
0x24b: {  	s31 =	sadd.s32 $0xFFFFFFE0, s24;
	v61 =	vor.u32 s30, v29;
	[tilespmem:v56+s19+$0x0] =	vst.idx.msk $0xffff, v41  }
0x24c: {  	v62 =	vor.u32 s30, v30;
	v63 =	vmov s31;
	[tilespmem:v57+s19+$0x0] =	vst.idx.msk $0xffff, v42  }
0x24d: {  	v39 =	vshll.u32 v63, $0x4;
	v42 =	vor.u32 s30, v31;
	[tilespmem:v58+s19+$0x0] =	vst.idx.msk $0xffff, v43  }
0x24e: {  	v39 =	vor.u32 v1, v39;
	v43 =	vor.u32 s30, v32;
	[tilespmem:v59+s19+$0x0] =	vst.idx.msk $0xffff, v44  }
0x24f: {  	v44 =	vor.u32 v0, v39;
	[tilespmem:v60+s19+$0x0] =	vst.idx.msk $0xffff, v45  }
0x250: {  	v45 =	vor.u32 v2, v39;
	[tilespmem:v61+s19+$0x0] =	vst.idx.msk $0xffff, v46  }
0x251: {  	v49 =	vor.u32 v6, v39;
	[tilespmem:v62+s19+$0x0] =	vst.idx.msk $0xffff, v47  }
0x252: {  	v50 =	vor.u32 v7, v39;
	[tilespmem:v42+s19+$0x0] =	vst.idx.msk $0xffff, v48  }
0x253: {  	v51 =	vor.u32 v8, v39;
	[tilespmem:v43+s19+$0x0] =	vst.idx.msk $0xffff, v38  }
0x254: {  	v52 =	vor.u32 v9, v39;
	v33 =	vld.idx.msk [tilespmem:v44+s15+$0x0], $0xffff  }
0x255: {  	v53 =	vor.u32 v10, v39;
	v34 =	vld.idx.msk [tilespmem:v45+s15+$0x0], $0xffff  }
0x256: {  	v54 =	vor.u32 v11, v39;
	v38 =	vld.idx.msk [tilespmem:v49+s15+$0x0], $0xffff  }
0x257: {  	v55 =	vor.u32 v12, v39;
	v40 =	vld.idx.msk [tilespmem:v50+s15+$0x0], $0xffff  }
0x258: {  	v46 =	vor.u32 v3, v39;
	v41 =	vld.idx.msk [tilespmem:v51+s15+$0x0], $0xffff  }
0x259: {  	v56 =	vor.u32 v13, v39;
	v42 =	vld.idx.msk [tilespmem:v52+s15+$0x0], $0xffff  }
0x25a: {  	v47 =	vor.u32 v4, v39;
	v43 =	vld.idx.msk [tilespmem:v53+s15+$0x0], $0xffff  }
0x25b: {  	v57 =	vor.u32 v14, v39;
	v44 =	vld.idx.msk [tilespmem:v54+s15+$0x0], $0xffff  }
0x25c: {  	v48 =	vor.u32 v5, v39;
	v45 =	vld.idx.msk [tilespmem:v55+s15+$0x0], $0xffff  }
0x25d: {  	s29 =	sadd.s32 $0xFFFFFFE0, s25;
	v58 =	vor.u32 v15, v39;
	v35 =	vld.idx.msk [tilespmem:v46+s15+$0x0], $0xffff  }
0x25e: {  	v59 =	vor.u32 s29, v17;
	v39 =	vor.u32 v16, v39;
	v46 =	vld.idx.msk [tilespmem:v56+s15+$0x0], $0xffff  }
0x25f: {  	v60 =	vor.u32 s29, v18;
	v36 =	vld.idx.msk [tilespmem:v47+s15+$0x0], $0xffff  }
0x260: {  	v61 =	vor.u32 s29, v19;
	v47 =	vld.idx.msk [tilespmem:v57+s15+$0x0], $0xffff  }
0x261: {  	v62 =	vor.u32 s29, v20;
	v37 =	vld.idx.msk [tilespmem:v48+s15+$0x0], $0xffff  }
0x262: {  	v63 =	vor.u32 s29, v21;
	v48 =	vld.idx.msk [tilespmem:v58+s15+$0x0], $0xffff  }
0x263: {  	v56 =	vor.u32 s29, v22;
	v39 =	vld.idx.msk [tilespmem:v39+s15+$0x0], $0xffff;
	[tilespmem:v59+s19+$0x0] =	vst.idx.msk $0xffff, v33  }
0x264: {  	v57 =	vor.u32 s29, v23;
	[tilespmem:v60+s19+$0x0] =	vst.idx.msk $0xffff, v34  }
0x265: {  	v58 =	vor.u32 s29, v24;
	[tilespmem:v61+s19+$0x0] =	vst.idx.msk $0xffff, v35  }
0x266: {  	v59 =	vor.u32 s29, v25;
	[tilespmem:v62+s19+$0x0] =	vst.idx.msk $0xffff, v36  }
0x267: {  	v60 =	vor.u32 s29, v26;
	[tilespmem:v63+s19+$0x0] =	vst.idx.msk $0xffff, v37  }
0x268: {  	v61 =	vor.u32 s29, v27;
	[tilespmem:v56+s19+$0x0] =	vst.idx.msk $0xffff, v38  }
0x269: {  	v62 =	vor.u32 s29, v28;
	[tilespmem:v57+s19+$0x0] =	vst.idx.msk $0xffff, v40  }
0x26a: {  	s30 =	sadd.s32 $0xFFFFFFF0, s24;
	v63 =	vor.u32 s29, v29;
	[tilespmem:v58+s19+$0x0] =	vst.idx.msk $0xffff, v41  }
0x26b: {  	v40 =	vor.u32 s29, v30;
	v41 =	vmov s30;
	[tilespmem:v59+s19+$0x0] =	vst.idx.msk $0xffff, v42  }
0x26c: {  	v42 =	vor.u32 s29, v31;
	v38 =	vshll.u32 v41, $0x4;
	[tilespmem:v60+s19+$0x0] =	vst.idx.msk $0xffff, v43  }
0x26d: {  	v43 =	vor.u32 s29, v32;
	v38 =	vor.u32 v1, v38;
	[tilespmem:v61+s19+$0x0] =	vst.idx.msk $0xffff, v44  }
0x26e: {  	v44 =	vor.u32 v0, v38;
	[tilespmem:v62+s19+$0x0] =	vst.idx.msk $0xffff, v45  }
0x26f: {  	v45 =	vor.u32 v2, v38;
	[tilespmem:v63+s19+$0x0] =	vst.idx.msk $0xffff, v46  }
0x270: {  	v49 =	vor.u32 v6, v38;
	[tilespmem:v40+s19+$0x0] =	vst.idx.msk $0xffff, v47  }
0x271: {  	v50 =	vor.u32 v7, v38;
	[tilespmem:v42+s19+$0x0] =	vst.idx.msk $0xffff, v48  }
0x272: {  	v51 =	vor.u32 v8, v38;
	[tilespmem:v43+s19+$0x0] =	vst.idx.msk $0xffff, v39  }
0x273: {  	v52 =	vor.u32 v9, v38;
	v34 =	vld.idx.msk [tilespmem:v44+s15+$0x0], $0xffff  }
0x274: {  	v53 =	vor.u32 v10, v38;
	v35 =	vld.idx.msk [tilespmem:v45+s15+$0x0], $0xffff  }
0x275: {  	v54 =	vor.u32 v11, v38;
	v39 =	vld.idx.msk [tilespmem:v49+s15+$0x0], $0xffff  }
0x276: {  	v55 =	vor.u32 v12, v38;
	v40 =	vld.idx.msk [tilespmem:v50+s15+$0x0], $0xffff  }
0x277: {  	v46 =	vor.u32 v3, v38;
	v41 =	vld.idx.msk [tilespmem:v51+s15+$0x0], $0xffff  }
0x278: {  	v56 =	vor.u32 v13, v38;
	v42 =	vld.idx.msk [tilespmem:v52+s15+$0x0], $0xffff  }
0x279: {  	v47 =	vor.u32 v4, v38;
	v43 =	vld.idx.msk [tilespmem:v53+s15+$0x0], $0xffff  }
0x27a: {  	v57 =	vor.u32 v14, v38;
	v44 =	vld.idx.msk [tilespmem:v54+s15+$0x0], $0xffff  }
0x27b: {  	v48 =	vor.u32 v5, v38;
	v45 =	vld.idx.msk [tilespmem:v55+s15+$0x0], $0xffff  }
0x27c: {  	s31 =	sadd.s32 $0xFFFFFFF0, s25;
	v58 =	vor.u32 v15, v38;
	v36 =	vld.idx.msk [tilespmem:v46+s15+$0x0], $0xffff  }
0x27d: {  	v59 =	vor.u32 s31, v17;
	v38 =	vor.u32 v16, v38;
	v46 =	vld.idx.msk [tilespmem:v56+s15+$0x0], $0xffff  }
0x27e: {  	v60 =	vor.u32 s31, v18;
	v37 =	vld.idx.msk [tilespmem:v47+s15+$0x0], $0xffff  }
0x27f: {  	v61 =	vor.u32 s31, v19;
	v47 =	vld.idx.msk [tilespmem:v57+s15+$0x0], $0xffff  }
0x280: {  	v62 =	vor.u32 s31, v20;
	v33 =	vld.idx.msk [tilespmem:v48+s15+$0x0], $0xffff  }
0x281: {  	v63 =	vor.u32 s31, v21;
	v48 =	vld.idx.msk [tilespmem:v58+s15+$0x0], $0xffff  }
0x282: {  	v54 =	vor.u32 s31, v22;
	v38 =	vld.idx.msk [tilespmem:v38+s15+$0x0], $0xffff;
	[tilespmem:v59+s19+$0x0] =	vst.idx.msk $0xffff, v34  }
0x283: {  	v55 =	vor.u32 s31, v23;
	[tilespmem:v60+s19+$0x0] =	vst.idx.msk $0xffff, v35  }
0x284: {  	v56 =	vor.u32 s31, v24;
	[tilespmem:v61+s19+$0x0] =	vst.idx.msk $0xffff, v36  }
0x285: {  	v57 =	vor.u32 s31, v25;
	[tilespmem:v62+s19+$0x0] =	vst.idx.msk $0xffff, v37  }
0x286: {  	v58 =	vor.u32 s31, v26;
	[tilespmem:v63+s19+$0x0] =	vst.idx.msk $0xffff, v33  }
0x287: {  	v59 =	vor.u32 s31, v27;
	[tilespmem:v54+s19+$0x0] =	vst.idx.msk $0xffff, v39  }
0x288: {  	v60 =	vor.u32 s31, v28;
	[tilespmem:v55+s19+$0x0] =	vst.idx.msk $0xffff, v40  }
0x289: {  	v61 =	vor.u32 s31, v29;
	[tilespmem:v56+s19+$0x0] =	vst.idx.msk $0xffff, v41  }
0x28a: {  	v62 =	vor.u32 s31, v30;
	v63 =	vmov s24;
	[tilespmem:v57+s19+$0x0] =	vst.idx.msk $0xffff, v42  }
0x28b: {  	v39 =	vshll.u32 v63, $0x4;
	v42 =	vor.u32 s31, v31;
	[tilespmem:v58+s19+$0x0] =	vst.idx.msk $0xffff, v43  }
0x28c: {  	v39 =	vor.u32 v1, v39;
	v43 =	vor.u32 s31, v32;
	[tilespmem:v59+s19+$0x0] =	vst.idx.msk $0xffff, v44  }
0x28d: {  	v44 =	vor.u32 v0, v39;
	[tilespmem:v60+s19+$0x0] =	vst.idx.msk $0xffff, v45  }
0x28e: {  	v45 =	vor.u32 v2, v39;
	[tilespmem:v61+s19+$0x0] =	vst.idx.msk $0xffff, v46  }
0x28f: {  	v49 =	vor.u32 v6, v39;
	[tilespmem:v62+s19+$0x0] =	vst.idx.msk $0xffff, v47  }
0x290: {  	v50 =	vor.u32 v7, v39;
	[tilespmem:v42+s19+$0x0] =	vst.idx.msk $0xffff, v48  }
0x291: {  	v51 =	vor.u32 v8, v39;
	[tilespmem:v43+s19+$0x0] =	vst.idx.msk $0xffff, v38  }
0x292: {  	v52 =	vor.u32 v9, v39;
	v35 =	vld.idx.msk [tilespmem:v44+s15+$0x0], $0xffff  }
0x293: {  	v53 =	vor.u32 v10, v39;
	v36 =	vld.idx.msk [tilespmem:v45+s15+$0x0], $0xffff  }
0x294: {  	v54 =	vor.u32 v11, v39;
	v38 =	vld.idx.msk [tilespmem:v49+s15+$0x0], $0xffff  }
0x295: {  	v55 =	vor.u32 v12, v39;
	v40 =	vld.idx.msk [tilespmem:v50+s15+$0x0], $0xffff  }
0x296: {  	v46 =	vor.u32 v3, v39;
	v41 =	vld.idx.msk [tilespmem:v51+s15+$0x0], $0xffff  }
0x297: {  	v56 =	vor.u32 v13, v39;
	v42 =	vld.idx.msk [tilespmem:v52+s15+$0x0], $0xffff  }
0x298: {  	v47 =	vor.u32 v4, v39;
	v43 =	vld.idx.msk [tilespmem:v53+s15+$0x0], $0xffff  }
0x299: {  	v57 =	vor.u32 v14, v39;
	v44 =	vld.idx.msk [tilespmem:v54+s15+$0x0], $0xffff  }
0x29a: {  	v48 =	vor.u32 v5, v39;
	v45 =	vld.idx.msk [tilespmem:v55+s15+$0x0], $0xffff  }
0x29b: {  	v58 =	vor.u32 v15, v39;
	v37 =	vld.idx.msk [tilespmem:v46+s15+$0x0], $0xffff  }
0x29c: {  	v59 =	vor.u32 s25, v17;
	v39 =	vor.u32 v16, v39;
	v46 =	vld.idx.msk [tilespmem:v56+s15+$0x0], $0xffff  }
0x29d: {  	v60 =	vor.u32 s25, v18;
	v33 =	vld.idx.msk [tilespmem:v47+s15+$0x0], $0xffff  }
0x29e: {  	v61 =	vor.u32 s25, v19;
	v47 =	vld.idx.msk [tilespmem:v57+s15+$0x0], $0xffff  }
0x29f: {  	v62 =	vor.u32 s25, v20;
	v34 =	vld.idx.msk [tilespmem:v48+s15+$0x0], $0xffff  }
0x2a0: {  	v63 =	vor.u32 s25, v21;
	v48 =	vld.idx.msk [tilespmem:v58+s15+$0x0], $0xffff  }
0x2a1: {  	v49 =	vor.u32 s25, v22;
	v39 =	vld.idx.msk [tilespmem:v39+s15+$0x0], $0xffff;
	[tilespmem:v59+s19+$0x0] =	vst.idx.msk $0xffff, v35  }
0x2a2: {  	v54 =	vor.u32 s25, v23;
	[tilespmem:v60+s19+$0x0] =	vst.idx.msk $0xffff, v36  }
0x2a3: {  	v55 =	vor.u32 s25, v24;
	[tilespmem:v61+s19+$0x0] =	vst.idx.msk $0xffff, v37  }
0x2a4: {  	v56 =	vor.u32 s25, v25;
	[tilespmem:v62+s19+$0x0] =	vst.idx.msk $0xffff, v33  }
0x2a5: {  	v57 =	vor.u32 s25, v26;
	[tilespmem:v63+s19+$0x0] =	vst.idx.msk $0xffff, v34  }
0x2a6: {  	v58 =	vor.u32 s25, v27;
	[tilespmem:v49+s19+$0x0] =	vst.idx.msk $0xffff, v38  }
0x2a7: {  	v59 =	vor.u32 s25, v28;
	[tilespmem:v54+s19+$0x0] =	vst.idx.msk $0xffff, v40  }
0x2a8: {  	v60 =	vor.u32 s25, v29;
	[tilespmem:v55+s19+$0x0] =	vst.idx.msk $0xffff, v41  }
0x2a9: {  	v61 =	vor.u32 s25, v30;
	[tilespmem:v56+s19+$0x0] =	vst.idx.msk $0xffff, v42  }
0x2aa: {  	v62 =	vor.u32 s25, v31;
	[tilespmem:v57+s19+$0x0] =	vst.idx.msk $0xffff, v43  }
0x2ab: {  	p0 =	sne.s32 s25, $0x1C70;
	v63 =	vor.u32 s25, v32;
	[tilespmem:v58+s19+$0x0] =	vst.idx.msk $0xffff, v44  }
.Ltmp4:
0x2ac: {  	[tilespmem:v59+s19+$0x0] =	vst.idx.msk $0xffff, v45;
	(pc) =	sbr.rel @p0 .LBB2_9-.Ltmp4, $4  }
0x2ad: {  	[tilespmem:v60+s19+$0x0] =	vst.idx.msk $0xffff, v46  }
0x2ae: {  	[tilespmem:v61+s19+$0x0] =	vst.idx.msk $0xffff, v47  }
0x2af: {  	[tilespmem:v62+s19+$0x0] =	vst.idx.msk $0xffff, v48  }
0x2b0: {  	s24 =	sadd.s32 $0x80, s24;
	s25 =	sadd.s32 $0x400, s25;
	[tilespmem:v63+s19+$0x0] =	vst.idx.msk $0xffff, v39  }
0x2b1: {  	s24 =	sshll.u32 s23, $0xA;
	s31 =	sshll.u32 s23, $0xB;
	s22 =	sadd.s32 $0x1, s22  }
0x2b2: {  	s24 =	sand.u32 $0x3C00, s24;
	s23 =	sand.u32 $0xFFF8000, s31;
	p0 =	sne.s32 s22, $0x32  }
.Ltmp5:
0x2b3: {  	s23 =	sor.u32 s24, s23;
	(pc) =	sbr.rel @p0 .LBB2_2-.Ltmp5, $4  }
0x2b4: {  	s24 =	sadd.s32 s1, s23  }
0x2b5: {  	[hbm4b:s24+s3] =	stream.linear.scatter [tilespmem:s19], [sflag:$0x2], $0x2000, $0x38;
	[tilespmem:$0x10800] =	vst v63  }
0x2b6: {  	s23 =	sadd.s32 s23, s8  }
0x2b7: {  	[hbm4b:s23+s3] =	stream.linear.scatter [tilespmem:s20], [sflag:$0x2], $0x2000, $0x38;
	[tilespmem:$0x10800] =	vst v63  }
0x2b8: {  	_ =	swait.ge [sflag:s18], $0x2000  }
0x2b9: {  	[sflag:s18] =	ssyncset.done $0x0  }
0x2ba: {  	[sflag:s18] =	ssyncadd.s32 $0xFFFFE000  }
0x2bb: {  	_ =	swait.ge [sflag:s18], $0x2000  }
0x2bc: {  	[sflag:s18] =	ssyncset.done $0x0  }
0x2bd: {  	s21 =	sadd.s32 $0x1, s21;
	[sflag:s18] =	ssyncadd.s32 $0xFFFFE000  }
0x2be: {  	p0 =	sne.s32 s21, s10;
	_ =	swait.ge [sflag:s18], $0x2000  }
.Ltmp6:
0x2bf: {  	[sflag:s18] =	ssyncset.done $0x0;
	(pc) =	sbr.rel @p0 .LBB2_1-.Ltmp6, $4  }
0x2c0: {  	[sflag:s18] =	ssyncadd.s32 $0xFFFFE000  }
0x2c1: {  	_ =	swait.ge [sflag:s18], $0x2000  }
0x2c2: {  	[sflag:s18] =	ssyncset.done $0x0  }
0x2c3: {  	[sflag:s18] =	ssyncadd.s32 $0xFFFFE000  }
0x2c4: {  	_ =	sfence.sel $0x180000  }
0x2c5: {  	[bflag:$0x0] =	sbarrier.arrive $0xFFFF  }
0x2c6: {  	p0 =	sne.s32 s2, $0x0;
	_ =	strace $0x90000047  }
0x2c7: {  	s0 =	sadd.s32 @!p0 $0x100000, s0;
	[bflag:$0x2] =	sbarrier.arrive $0xFFFF  }
0x2c8: {  	[sflag:s0] =	ssyncadd.tile.s32 @!p0 $0x1;
	_ =	shalt  }
.Lfunc_end2:
_tile_overlayer_lowered:
.L_overlay_start_2:
0x2c9: {  	(tag) =	ssettag $0x2  }
0x2ca: {  	s0 =	rddreg [dreg:$0x0];
	s2 =	stileid.u32  }
0x2cb: {  	s1 =	rddreg [dreg:$0x1];
	p0 =	sne.s32 s2, $0x0  }
0x2cc: {  	s3 =	rddreg [dreg:$0x2];
	[bflag:$0x3] =	sbarrier.arrive $0xFFFF;
	s2 =	simm.s32 @!p0 $0x1C03  }
0x2cd: {  	[timem:s3], [sflag:s2] =	dma.local @!p0 [hbm:s0], s1  }
0x2ce: {  	s0 =	simm.s32 @!p0 $0x3  }
0x2cf: {  	_ =	swait.ge @!p0 [sflag:s0], s1  }
0x2d0: {  	s1 =	ssub.s32 @!p0 $0x0, s1;
	[sflag:s0] =	ssyncset.done @!p0 $0x0  }
0x2d1: {  	[sflag:s0] =	ssyncadd.s32 @!p0 s1  }
0x2d2: {  	[bflag:$0x3] =	sbarrier.arrive $0xFFFF  }
0x2d3: {  	_ =	shalt  }

</sc_bundles>
